<compile_context>
chip_gen: v7x
topology: tpu7x:2x2x1
jax: 0.10.2.dev20260603
libtpu: 0.0.44.dev20260713+nightly
codegen_flags: <defaults>
</compile_context>

<pallas_src>
import functools

import jax
import jax.numpy as jnp
from jax import lax
from jax.experimental import pallas as pl
from jax.experimental.pallas import tpu as pltpu
from jax.experimental.pallas import tpu_sc as plsc

N = 10000
NE = 320000
DIN, DH, DOUT = 128, 128, 64
DHH = DH // 2
NC, NS = 2, 16
NW = NC * NS
CH = 128
NCHW = 80
NCHS = 160
EROWSR = NE // CH
TR_W = EROWSR - NCHW * (NW - 1)
TR_S = EROWSR - NCHS * (NS - 1)
PADR = 64
NROWS = 10112
STRIPE = NROWS // NS
DEGW = 8
RB = 2000


def _sc_mesh():
    return plsc.VectorSubcoreMesh(core_axis_name="c", subcore_axis_name="s")


def _load_slab_w(real, pad, idx, w):
    @pl.when(w < NW - 1)
    def _():
        pltpu.sync_copy(real.at[pl.ds(NCHW * w, NCHW)], idx)

    @pl.when(w == NW - 1)
    def _():
        pltpu.sync_copy(pad, idx.at[pl.ds(NCHW - PADR, PADR)])
        pltpu.sync_copy(real.at[pl.ds(NCHW * (NW - 1), TR_W)],
                        idx.at[pl.ds(0, TR_W)])


def _load_slab_s(real, pad, idx, sub):
    @pl.when(sub < NS - 1)
    def _():
        pltpu.sync_copy(real.at[pl.ds(NCHS * sub, NCHS)], idx)

    @pl.when(sub == NS - 1)
    def _():
        pltpu.sync_copy(pad, idx.at[pl.ds(NCHS - PADR, PADR)])
        pltpu.sync_copy(real.at[pl.ds(NCHS * (NS - 1), TR_S)],
                        idx.at[pl.ds(0, TR_S)])


def _make_degree_kernel():
    @functools.partial(
        pl.kernel,
        out_type=jax.ShapeDtypeStruct((NC, NROWS, DEGW), jnp.float32),
        mesh=_sc_mesh(),
        scratch_types=[
            pltpu.VMEM((NCHW, CH), jnp.int32),
            pltpu.VMEM((CH, DEGW), jnp.float32),
            pltpu.VMEM_SHARED((NROWS, DEGW), jnp.float32),
        ] + [pltpu.SemaphoreType.DMA] * 2,
    )
    def deg_kernel(dstr, dstpad, ones, zeros, out, idx_d, onesv, acc,
                   *sems):
        c = lax.axis_index("c")
        s = lax.axis_index("s")
        w = c * NS + s
        _load_slab_w(dstr, dstpad, idx_d, w)
        pltpu.sync_copy(ones, onesv)
        pltpu.sync_copy(zeros, acc.at[pl.ds(s * STRIPE, STRIPE)])
        plsc.subcore_barrier()

        def body(j, carry):
            for p in (0, 1):
                @pl.when(j % 2 == p)
                def _():
                    @pl.when(j >= 2)
                    def _():
                        pltpu.make_async_copy(
                            onesv, acc.at[idx_d.at[0]], sems[p]).wait()
                    pltpu.async_copy(onesv, acc.at[idx_d.at[j]], sems[p],
                                     add=True)
            return carry

        lax.fori_loop(0, NCHW, body, 0)
        for sem in sems:
            pltpu.make_async_copy(onesv, acc.at[idx_d.at[0]], sem).wait()
        plsc.subcore_barrier()
        pltpu.sync_copy(acc.at[pl.ds(s * STRIPE, STRIPE)],
                        out.at[c, pl.ds(s * STRIPE, STRIPE)])

    return deg_kernel


def _pipelined_chunk_loop(table, idx_s, idx_d, rows, acc, sems, n_chunks):
    sg = sems[:3]
    ss = sems[3:]
    for k in range(3):
        pltpu.async_copy(table.at[idx_s.at[k]], rows.at[k], sg[k])

    def body(j, carry):
        for p in range(6):
            @pl.when(j % 6 == p)
            def _():
                h = p % 3
                pltpu.make_async_copy(
                    table.at[idx_s.at[0]], rows.at[p], sg[h]).wait()

                @pl.when(j + 3 < n_chunks)
                def _():
                    @pl.when(j >= 3)
                    def _():
                        pltpu.make_async_copy(
                            rows.at[(p + 3) % 6], acc.at[idx_d.at[0]],
                            ss[h]).wait()
                    pltpu.async_copy(table.at[idx_s.at[j + 3]],
                                     rows.at[(p + 3) % 6], sg[h])
                pltpu.async_copy(rows.at[p], acc.at[idx_d.at[j]],
                                 ss[h], add=True)
        return carry

    lax.fori_loop(0, n_chunks, body, 0)
    for sem in ss:
        for _ in range(2):
            pltpu.make_async_copy(rows.at[0], acc.at[idx_d.at[0]],
                                  sem).wait()


def _make_colsplit_kernel():
    @functools.partial(
        pl.kernel,
        out_type=jax.ShapeDtypeStruct((NROWS, DH), jnp.float32),
        mesh=_sc_mesh(),
        compiler_params=pltpu.CompilerParams(use_tc_tiling_on_sc=False),
        scratch_types=[
            pltpu.VMEM((NCHS, CH), jnp.int32),
            pltpu.VMEM((NCHS, CH), jnp.int32),
            pltpu.VMEM((6, CH, DHH), jnp.float32),
            pltpu.VMEM_SHARED((NROWS, DHH), jnp.float32),
        ] + [pltpu.SemaphoreType.DMA] * 6,
    )
    def gs_kernel(tflat, src2x, src2xpad, dstr, dstpad, zeros, out,
                  idx_s, idx_d, rows, acc, *sems):
        c = lax.axis_index("c")
        s = lax.axis_index("s")
        _load_slab_s(src2x.at[c], src2xpad.at[c], idx_s, s)
        _load_slab_s(dstr, dstpad, idx_d, s)
        pltpu.sync_copy(zeros, acc.at[pl.ds(s * STRIPE, STRIPE)])
        plsc.subcore_barrier()
        _pipelined_chunk_loop(tflat, idx_s, idx_d, rows, acc, sems, NCHS)
        plsc.subcore_barrier()
        pltpu.sync_copy(acc.at[pl.ds(s * STRIPE, STRIPE)],
                        out.at[pl.ds(s * STRIPE, STRIPE),
                               pl.ds(c * DHH, DHH)])

    return gs_kernel


def _make_edgesplit_kernel(D):
    @functools.partial(
        pl.kernel,
        out_type=jax.ShapeDtypeStruct((NROWS, NC * D), jnp.float32),
        mesh=_sc_mesh(),
        compiler_params=pltpu.CompilerParams(use_tc_tiling_on_sc=False),
        scratch_types=[
            pltpu.VMEM((NCHW, CH), jnp.int32),
            pltpu.VMEM((NCHW, CH), jnp.int32),
            pltpu.VMEM((6, CH, D), jnp.float32),
            pltpu.VMEM_SHARED((NROWS, D), jnp.float32),
        ] + [pltpu.SemaphoreType.DMA] * 6,
    )
    def gs_kernel(table, srcr, srcpad, dstr, dstpad, zeros, out,
                  idx_s, idx_d, rows, acc, *sems):
        c = lax.axis_index("c")
        s = lax.axis_index("s")
        w = c * NS + s
        _load_slab_w(srcr, srcpad, idx_s, w)
        _load_slab_w(dstr, dstpad, idx_d, w)
        pltpu.sync_copy(zeros, acc.at[pl.ds(s * STRIPE, STRIPE)])
        plsc.subcore_barrier()
        _pipelined_chunk_loop(table, idx_s, idx_d, rows, acc, sems, NCHW)
        plsc.subcore_barrier()
        pltpu.sync_copy(acc.at[pl.ds(s * STRIPE, STRIPE)],
                        out.at[pl.ds(s * STRIPE, STRIPE),
                               pl.ds(c * D, D)])

    return gs_kernel


def _dinv_block(deg_ref):
    deg = deg_ref[0, :, 0:1] + deg_ref[1, :, 0:1]
    return lax.rsqrt(deg)


def _tc1_body(deg_ref, x_ref, w_ref, h_ref, hp_ref):
    dinv = _dinv_block(deg_ref)
    h = jnp.dot(x_ref[...], w_ref[...], preferred_element_type=jnp.float32)
    h_ref[...] = h
    hp_ref[...] = h * dinv


def _tc2_body(deg_ref, s_ref, h1_ref, b_ref, w_ref, h2_ref, hp2_ref):
    dinv = _dinv_block(deg_ref)
    a = dinv * s_ref[...] + (dinv * dinv) * h1_ref[...] + b_ref[...]
    a = jnp.maximum(a, 0.0)
    h2 = jnp.dot(a, w_ref[...], preferred_element_type=jnp.float32)
    h2_ref[...] = h2
    hp2_ref[...] = h2 * dinv


def _tc3_body(deg_ref, s_ref, h2_ref, b_ref, o_ref):
    dinv = _dinv_block(deg_ref)
    sagg = s_ref[:, :DOUT] + s_ref[:, DOUT:]
    z = dinv * sagg + (dinv * dinv) * h2_ref[...] + b_ref[...]
    m = jnp.max(z, axis=1, keepdims=True)
    ez = jnp.exp(z - m)
    lse = jnp.log(jnp.sum(ez, axis=1, keepdims=True)) + m
    o_ref[...] = z - lse


def _deg_spec():
    return pl.BlockSpec((NC, RB, DEGW), lambda i: (0, i, 0))


def _full_spec(r, c):
    return pl.BlockSpec((r, c), lambda i: (0, 0))


def _row_spec(D):
    return pl.BlockSpec((RB, D), lambda i: (i, 0))


def kernel(x, edge_index, W1, b1, W2, b2):
    ei = edge_index.astype(jnp.int32)
    padv = jnp.arange(PADR * CH, dtype=jnp.int32)
    dst_pad = (N + padv % (NROWS - N)).reshape(PADR, CH)
    src_pad = (padv % N).reshape(PADR, CH)
    src2x_pad = ((padv % N) * 2
                 + jnp.array([[[0]], [[1]]], jnp.int32)
                 ).reshape(NC, PADR, CH)
    dst_r = ei[1].reshape(EROWSR, CH)
    src_r = ei[0].reshape(EROWSR, CH)

    ones = jnp.ones((CH, DEGW), jnp.float32)
    zeros_deg = jnp.zeros((STRIPE, DEGW), jnp.float32)
    zeros_h = jnp.zeros((STRIPE, DHH), jnp.float32)
    zeros_o = jnp.zeros((STRIPE, DOUT), jnp.float32)

    degp = _make_degree_kernel()(dst_r, dst_pad, ones, zeros_deg)

    src2x_r = (ei[0] * 2 + jnp.array([[0], [1]], jnp.int32)
               ).reshape(NC, EROWSR, CH)

    grid = (N // RB,)

    h1, hp1 = pl.pallas_call(
        _tc1_body,
        grid=grid,
        in_specs=[_deg_spec(), _row_spec(DIN), _full_spec(DIN, DH)],
        out_specs=[_row_spec(DH), _row_spec(DH)],
        out_shape=[jax.ShapeDtypeStruct((N, DH), jnp.float32)] * 2,
    )(degp, x, W1)

    s1 = _make_colsplit_kernel()(hp1.reshape(2 * N, DHH), src2x_r,
                                 src2x_pad, dst_r, dst_pad, zeros_h)

    h2, hp2 = pl.pallas_call(
        _tc2_body,
        grid=grid,
        in_specs=[_deg_spec(), _row_spec(DH), _row_spec(DH),
                  _full_spec(1, DH), _full_spec(DH, DOUT)],
        out_specs=[_row_spec(DOUT), _row_spec(DOUT)],
        out_shape=[jax.ShapeDtypeStruct((N, DOUT), jnp.float32)] * 2,
    )(degp, s1, h1, b1.reshape(1, DH), W2)

    s2 = _make_edgesplit_kernel(DOUT)(hp2, src_r, src_pad, dst_r,
                                      dst_pad, zeros_o)

    out = pl.pallas_call(
        _tc3_body,
        grid=grid,
        in_specs=[_deg_spec(), _row_spec(2 * DOUT), _row_spec(DOUT),
                  _full_spec(1, DOUT)],
        out_specs=_row_spec(DOUT),
        out_shape=jax.ShapeDtypeStruct((N, DOUT), jnp.float32),
    )(degp, s2, h2, b2.reshape(1, DOUT))

    return out

# --- scband reference (transcript-rebuilt; emitter-appended) ---
"""Pipeline reference for scband-gcn-62474594288248 (READ-ONLY COPY).

The authoritative reference and input builder live on the scoring server;
editing this copy changes nothing except your own understanding.
"""

import jax, jax.numpy as jnp
import numpy as np

N_NODES = 10000
DIM_IN = 128
DIM_H = 128
DIM_OUT = 64
N_EDGES = 320000


def setup_inputs(seed: int = 0) -> dict:
    key = jax.random.key(seed)
    k1, k2, k3, k4, k5, k6 = jax.random.split(key, 6)
    x = jax.random.normal(k1, (N_NODES, DIM_IN), dtype=jnp.float32)
    edge_index = jax.random.randint(k2, (2, N_EDGES), 0, N_NODES, dtype=jnp.int64)
    # GCNConv layer 1 params (glorot-style init)
    W1 = jax.random.normal(k3, (DIM_IN, DIM_H), dtype=jnp.float32) * (1.0 / np.sqrt(DIM_IN))
    b1 = jnp.zeros((DIM_H,), dtype=jnp.float32)
    # GCNConv layer 2 params
    W2 = jax.random.normal(k4, (DIM_H, DIM_OUT), dtype=jnp.float32) * (1.0 / np.sqrt(DIM_H))
    b2 = jnp.zeros((DIM_OUT,), dtype=jnp.float32)
    return {"x": x, "edge_index": edge_index, "W1": W1, "b1": b1, "W2": W2, "b2": b2}


def gcn_conv(x, edge_index, W, b, num_nodes):
    # PyG GCNConv: add self-loops, symmetric normalization D^{-1/2}(A+I)D^{-1/2} X W + b
    loop = jnp.arange(num_nodes, dtype=edge_index.dtype)
    src = jnp.concatenate([edge_index[0], loop])
    dst = jnp.concatenate([edge_index[1], loop])
    ones = jnp.ones(src.shape[0], dtype=x.dtype)
    deg = jnp.zeros((num_nodes,), dtype=x.dtype).at[dst].add(ones)
    deg_inv_sqrt = jnp.where(deg > 0, 1.0 / jnp.sqrt(deg), 0.0)
    norm = deg_inv_sqrt[src] * deg_inv_sqrt[dst]
    h = x @ W
    msg = h[src] * norm[:, None]
    out = jnp.zeros((num_nodes, W.shape[1]), dtype=x.dtype).at[dst].add(msg)
    return out + b


def reference(x, edge_index, W1, b1, W2, b2):
    num_nodes = x.shape[0]
    h = gcn_conv(x, edge_index, W1, b1, num_nodes)
    h = jax.nn.relu(h)
    h = gcn_conv(h, edge_index, W2, b2, num_nodes)
    return jax.nn.log_softmax(h, axis=1)

if __name__ == "__main__":
    import jax
    _d = setup_inputs()
    print(jax.jit(kernel)(*tuple(_d.values())))

</pallas_src>

<mosaic_0001>
#map = affine_map<(d0, d1) -> (0, 0)>
module attributes {stable_mosaic.version = 14 : i64} {
  func.func @gs_kernel(%arg0: i32, %arg1: i32, %arg2: memref<10000x64xf32, #tpu.memory_space<hbm>>, %arg3: memref<2500x128xi32, #tpu.memory_space<hbm>>, %arg4: memref<64x128xi32, #tpu.memory_space<hbm>>, %arg5: memref<2500x128xi32, #tpu.memory_space<hbm>>, %arg6: memref<64x128xi32, #tpu.memory_space<hbm>>, %arg7: memref<632x64xf32, #tpu.memory_space<hbm>>, %arg8: memref<10112x128xf32, #tpu.memory_space<hbm>>, %arg9: memref<80x128xi32, #tpu.memory_space<vmem>>, %arg10: memref<80x128xi32, #tpu.memory_space<vmem>>, %arg11: memref<6x128x64xf32, #tpu.memory_space<vmem>>, %arg12: memref<10112x64xf32, #tpu.memory_space<vmem_shared>>, %arg13: memref<!tpu.dma_semaphore, #tpu.memory_space<semaphore_mem>>, %arg14: memref<!tpu.dma_semaphore, #tpu.memory_space<semaphore_mem>>, %arg15: memref<!tpu.dma_semaphore, #tpu.memory_space<semaphore_mem>>, %arg16: memref<!tpu.dma_semaphore, #tpu.memory_space<semaphore_mem>>, %arg17: memref<!tpu.dma_semaphore, #tpu.memory_space<semaphore_mem>>, %arg18: memref<!tpu.dma_semaphore, #tpu.memory_space<semaphore_mem>>) attributes {dimension_semantics = [#tpu.dimension_semantics<core_parallel>, #tpu.dimension_semantics<subcore_parallel>], iteration_bounds = array<i64: 2, 16>, scalar_prefetch = 0 : i64, scratch_operands = 10 : i64, tpu.core_type = #tpu.core_type<sc_vector_subcore>, window_params = [{transform_indices = #map}, {transform_indices = #map}, {transform_indices = #map}, {transform_indices = #map}, {transform_indices = #map}, {transform_indices = #map}, {transform_indices = #map}]} {
    %mul3A = arith.constant 16 : i32
    %mul3A_0 = arith.muli %arg0, %mul3A : i32
    %add3A = arith.addi %mul3A_0, %arg1 : i32
    %lt3A = arith.constant 31 : i32
    %lt3A_1 = arith.cmpi slt, %add3A, %lt3A : i32
    %convert_element_type3A = arith.extui %lt3A_1 : i1 to i32
    %cond3A = arith.constant 0 : i32
    %cond3A_2 = arith.cmpi ne, %convert_element_type3A, %cond3A : i32
    scf.if %cond3A_2 {
      %mul3A_137 = arith.constant 80 : i32
      %mul3A_138 = arith.muli %mul3A_137, %add3A : i32
      "tpu.region"() ({
        %run_scoped3A = tpu.sem_alloc : memref<!tpu.dma_semaphore, #tpu.memory_space<semaphore_mem>>
        %dma_start3A_139 = arith.constant 0 : i32
        %dma_start3A_140 = tpu.memref_slice %arg3[%mul3A_138, %dma_start3A_139] : memref<2500x128xi32, #tpu.memory_space<hbm>> -> memref<80x128xi32, #tpu.memory_space<hbm>>
        %dma_start3A_141 = arith.constant 0 : i32
        %dma_start3A_142 = tpu.memref_slice %arg3[%mul3A_138, %dma_start3A_141] : memref<2500x128xi32, #tpu.memory_space<hbm>> -> memref<80x128xi32, #tpu.memory_space<hbm>>
        tpu.enqueue_dma source(%dma_start3A_142 : memref<80x128xi32, #tpu.memory_space<hbm>>) target(%arg9 : memref<80x128xi32, #tpu.memory_space<vmem>>) target_semaphore(%run_scoped3A : memref<!tpu.dma_semaphore, #tpu.memory_space<semaphore_mem>>)
        %dma_wait3A_143 = arith.constant 0 : i32
        %dma_wait3A_144 = tpu.memref_slice %arg3[%mul3A_138, %dma_wait3A_143] : memref<2500x128xi32, #tpu.memory_space<hbm>> -> memref<80x128xi32, #tpu.memory_space<hbm>>
        %dma_wait3A_145 = arith.constant 0 : i32
        %dma_wait3A_146 = tpu.memref_slice %arg3[%mul3A_138, %dma_wait3A_145] : memref<2500x128xi32, #tpu.memory_space<hbm>> -> memref<80x128xi32, #tpu.memory_space<hbm>>
        tpu.wait_dma2 semaphore(%run_scoped3A : memref<!tpu.dma_semaphore, #tpu.memory_space<semaphore_mem>>) src(%dma_wait3A_146 : memref<80x128xi32, #tpu.memory_space<hbm>>) dst(%arg9 : memref<80x128xi32, #tpu.memory_space<vmem>>)
        tpu.yield
      }) : () -> ()
    } else {
    }
    %eq3A = arith.constant 31 : i32
    %eq3A_3 = arith.cmpi eq, %add3A, %eq3A : i32
    %convert_element_type3A_4 = arith.extui %eq3A_3 : i1 to i32
    %cond3A_5 = arith.constant 0 : i32
    %cond3A_6 = arith.cmpi ne, %convert_element_type3A_4, %cond3A_5 : i32
    scf.if %cond3A_6 {
      "tpu.region"() ({
        %run_scoped3A = tpu.sem_alloc : memref<!tpu.dma_semaphore, #tpu.memory_space<semaphore_mem>>
        %dma_start3A_137 = arith.constant 16 : i32
        %dma_start3A_138 = arith.constant 0 : i32
        %dma_start3A_139 = tpu.memref_slice %arg9[%dma_start3A_137, %dma_start3A_138] : memref<80x128xi32, #tpu.memory_space<vmem>> -> memref<64x128xi32, #tpu.memory_space<vmem>>
        %dma_start3A_140 = arith.constant 16 : i32
        %dma_start3A_141 = arith.constant 0 : i32
        %dma_start3A_142 = tpu.memref_slice %arg9[%dma_start3A_140, %dma_start3A_141] : memref<80x128xi32, #tpu.memory_space<vmem>> -> memref<64x128xi32, #tpu.memory_space<vmem>>
        tpu.enqueue_dma source(%arg4 : memref<64x128xi32, #tpu.memory_space<hbm>>) target(%dma_start3A_142 : memref<64x128xi32, #tpu.memory_space<vmem>>) target_semaphore(%run_scoped3A : memref<!tpu.dma_semaphore, #tpu.memory_space<semaphore_mem>>)
        %dma_wait3A_143 = arith.constant 16 : i32
        %dma_wait3A_144 = arith.constant 0 : i32
        %dma_wait3A_145 = tpu.memref_slice %arg9[%dma_wait3A_143, %dma_wait3A_144] : memref<80x128xi32, #tpu.memory_space<vmem>> -> memref<64x128xi32, #tpu.memory_space<vmem>>
        %dma_wait3A_146 = arith.constant 16 : i32
        %dma_wait3A_147 = arith.constant 0 : i32
        %dma_wait3A_148 = tpu.memref_slice %arg9[%dma_wait3A_146, %dma_wait3A_147] : memref<80x128xi32, #tpu.memory_space<vmem>> -> memref<64x128xi32, #tpu.memory_space<vmem>>
        tpu.wait_dma2 semaphore(%run_scoped3A : memref<!tpu.dma_semaphore, #tpu.memory_space<semaphore_mem>>) src(%arg4 : memref<64x128xi32, #tpu.memory_space<hbm>>) dst(%dma_wait3A_148 : memref<64x128xi32, #tpu.memory_space<vmem>>)
        tpu.yield
      }) : () -> ()
      "tpu.region"() ({
        %run_scoped3A = tpu.sem_alloc : memref<!tpu.dma_semaphore, #tpu.memory_space<semaphore_mem>>
        %dma_start3A_137 = arith.constant 0 : i32
        %dma_start3A_138 = arith.constant 0 : i32
        %dma_start3A_139 = tpu.memref_slice %arg9[%dma_start3A_137, %dma_start3A_138] : memref<80x128xi32, #tpu.memory_space<vmem>> -> memref<20x128xi32, #tpu.memory_space<vmem>>
        %dma_start3A_140 = arith.constant 2480 : i32
        %dma_start3A_141 = arith.constant 0 : i32
        %dma_start3A_142 = tpu.memref_slice %arg3[%dma_start3A_140, %dma_start3A_141] : memref<2500x128xi32, #tpu.memory_space<hbm>> -> memref<20x128xi32, #tpu.memory_space<hbm>>
        %dma_start3A_143 = arith.constant 0 : i32
        %dma_start3A_144 = arith.constant 0 : i32
        %dma_start3A_145 = tpu.memref_slice %arg9[%dma_start3A_143, %dma_start3A_144] : memref<80x128xi32, #tpu.memory_space<vmem>> -> memref<20x128xi32, #tpu.memory_space<vmem>>
        %dma_start3A_146 = arith.constant 2480 : i32
        %dma_start3A_147 = arith.constant 0 : i32
        %dma_start3A_148 = tpu.memref_slice %arg3[%dma_start3A_146, %dma_start3A_147] : memref<2500x128xi32, #tpu.memory_space<hbm>> -> memref<20x128xi32, #tpu.memory_space<hbm>>
        tpu.enqueue_dma source(%dma_start3A_148 : memref<20x128xi32, #tpu.memory_space<hbm>>) target(%dma_start3A_145 : memref<20x128xi32, #tpu.memory_space<vmem>>) target_semaphore(%run_scoped3A : memref<!tpu.dma_semaphore, #tpu.memory_space<semaphore_mem>>)
        %dma_wait3A_149 = arith.constant 0 : i32
        %dma_wait3A_150 = arith.constant 0 : i32
        %dma_wait3A_151 = tpu.memref_slice %arg9[%dma_wait3A_149, %dma_wait3A_150] : memref<80x128xi32, #tpu.memory_space<vmem>> -> memref<20x128xi32, #tpu.memory_space<vmem>>
        %dma_wait3A_152 = arith.constant 2480 : i32
        %dma_wait3A_153 = arith.constant 0 : i32
        %dma_wait3A_154 = tpu.memref_slice %arg3[%dma_wait3A_152, %dma_wait3A_153] : memref<2500x128xi32, #tpu.memory_space<hbm>> -> memref<20x128xi32, #tpu.memory_space<hbm>>
        %dma_wait3A_155 = arith.constant 0 : i32
        %dma_wait3A_156 = arith.constant 0 : i32
        %dma_wait3A_157 = tpu.memref_slice %arg9[%dma_wait3A_155, %dma_wait3A_156] : memref<80x128xi32, #tpu.memory_space<vmem>> -> memref<20x128xi32, #tpu.memory_space<vmem>>
        %dma_wait3A_158 = arith.constant 2480 : i32
        %dma_wait3A_159 = arith.constant 0 : i32
        %dma_wait3A_160 = tpu.memref_slice %arg3[%dma_wait3A_158, %dma_wait3A_159] : memref<2500x128xi32, #tpu.memory_space<hbm>> -> memref<20x128xi32, #tpu.memory_space<hbm>>
        tpu.wait_dma2 semaphore(%run_scoped3A : memref<!tpu.dma_semaphore, #tpu.memory_space<semaphore_mem>>) src(%dma_wait3A_160 : memref<20x128xi32, #tpu.memory_space<hbm>>) dst(%dma_wait3A_157 : memref<20x128xi32, #tpu.memory_space<vmem>>)
        tpu.yield
      }) : () -> ()
    } else {
    }
    %lt3A_7 = arith.constant 31 : i32
    %lt3A_8 = arith.cmpi slt, %add3A, %lt3A_7 : i32
    %convert_element_type3A_9 = arith.extui %lt3A_8 : i1 to i32
    %cond3A_10 = arith.constant 0 : i32
    %cond3A_11 = arith.cmpi ne, %convert_element_type3A_9, %cond3A_10 : i32
    scf.if %cond3A_11 {
      %mul3A_137 = arith.constant 80 : i32
      %mul3A_138 = arith.muli %mul3A_137, %add3A : i32
      "tpu.region"() ({
        %run_scoped3A = tpu.sem_alloc : memref<!tpu.dma_semaphore, #tpu.memory_space<semaphore_mem>>
        %dma_start3A_139 = arith.constant 0 : i32
        %dma_start3A_140 = tpu.memref_slice %arg5[%mul3A_138, %dma_start3A_139] : memref<2500x128xi32, #tpu.memory_space<hbm>> -> memref<80x128xi32, #tpu.memory_space<hbm>>
        %dma_start3A_141 = arith.constant 0 : i32
        %dma_start3A_142 = tpu.memref_slice %arg5[%mul3A_138, %dma_start3A_141] : memref<2500x128xi32, #tpu.memory_space<hbm>> -> memref<80x128xi32, #tpu.memory_space<hbm>>
        tpu.enqueue_dma source(%dma_start3A_142 : memref<80x128xi32, #tpu.memory_space<hbm>>) target(%arg10 : memref<80x128xi32, #tpu.memory_space<vmem>>) target_semaphore(%run_scoped3A : memref<!tpu.dma_semaphore, #tpu.memory_space<semaphore_mem>>)
        %dma_wait3A_143 = arith.constant 0 : i32
        %dma_wait3A_144 = tpu.memref_slice %arg5[%mul3A_138, %dma_wait3A_143] : memref<2500x128xi32, #tpu.memory_space<hbm>> -> memref<80x128xi32, #tpu.memory_space<hbm>>
        %dma_wait3A_145 = arith.constant 0 : i32
        %dma_wait3A_146 = tpu.memref_slice %arg5[%mul3A_138, %dma_wait3A_145] : memref<2500x128xi32, #tpu.memory_space<hbm>> -> memref<80x128xi32, #tpu.memory_space<hbm>>
        tpu.wait_dma2 semaphore(%run_scoped3A : memref<!tpu.dma_semaphore, #tpu.memory_space<semaphore_mem>>) src(%dma_wait3A_146 : memref<80x128xi32, #tpu.memory_space<hbm>>) dst(%arg10 : memref<80x128xi32, #tpu.memory_space<vmem>>)
        tpu.yield
      }) : () -> ()
    } else {
    }
    %eq3A_12 = arith.constant 31 : i32
    %eq3A_13 = arith.cmpi eq, %add3A, %eq3A_12 : i32
    %convert_element_type3A_14 = arith.extui %eq3A_13 : i1 to i32
    %cond3A_15 = arith.constant 0 : i32
    %cond3A_16 = arith.cmpi ne, %convert_element_type3A_14, %cond3A_15 : i32
    scf.if %cond3A_16 {
      "tpu.region"() ({
        %run_scoped3A = tpu.sem_alloc : memref<!tpu.dma_semaphore, #tpu.memory_space<semaphore_mem>>
        %dma_start3A_137 = arith.constant 16 : i32
        %dma_start3A_138 = arith.constant 0 : i32
        %dma_start3A_139 = tpu.memref_slice %arg10[%dma_start3A_137, %dma_start3A_138] : memref<80x128xi32, #tpu.memory_space<vmem>> -> memref<64x128xi32, #tpu.memory_space<vmem>>
        %dma_start3A_140 = arith.constant 16 : i32
        %dma_start3A_141 = arith.constant 0 : i32
        %dma_start3A_142 = tpu.memref_slice %arg10[%dma_start3A_140, %dma_start3A_141] : memref<80x128xi32, #tpu.memory_space<vmem>> -> memref<64x128xi32, #tpu.memory_space<vmem>>
        tpu.enqueue_dma source(%arg6 : memref<64x128xi32, #tpu.memory_space<hbm>>) target(%dma_start3A_142 : memref<64x128xi32, #tpu.memory_space<vmem>>) target_semaphore(%run_scoped3A : memref<!tpu.dma_semaphore, #tpu.memory_space<semaphore_mem>>)
        %dma_wait3A_143 = arith.constant 16 : i32
        %dma_wait3A_144 = arith.constant 0 : i32
        %dma_wait3A_145 = tpu.memref_slice %arg10[%dma_wait3A_143, %dma_wait3A_144] : memref<80x128xi32, #tpu.memory_space<vmem>> -> memref<64x128xi32, #tpu.memory_space<vmem>>
        %dma_wait3A_146 = arith.constant 16 : i32
        %dma_wait3A_147 = arith.constant 0 : i32
        %dma_wait3A_148 = tpu.memref_slice %arg10[%dma_wait3A_146, %dma_wait3A_147] : memref<80x128xi32, #tpu.memory_space<vmem>> -> memref<64x128xi32, #tpu.memory_space<vmem>>
        tpu.wait_dma2 semaphore(%run_scoped3A : memref<!tpu.dma_semaphore, #tpu.memory_space<semaphore_mem>>) src(%arg6 : memref<64x128xi32, #tpu.memory_space<hbm>>) dst(%dma_wait3A_148 : memref<64x128xi32, #tpu.memory_space<vmem>>)
        tpu.yield
      }) : () -> ()
      "tpu.region"() ({
        %run_scoped3A = tpu.sem_alloc : memref<!tpu.dma_semaphore, #tpu.memory_space<semaphore_mem>>
        %dma_start3A_137 = arith.constant 0 : i32
        %dma_start3A_138 = arith.constant 0 : i32
        %dma_start3A_139 = tpu.memref_slice %arg10[%dma_start3A_137, %dma_start3A_138] : memref<80x128xi32, #tpu.memory_space<vmem>> -> memref<20x128xi32, #tpu.memory_space<vmem>>
        %dma_start3A_140 = arith.constant 2480 : i32
        %dma_start3A_141 = arith.constant 0 : i32
        %dma_start3A_142 = tpu.memref_slice %arg5[%dma_start3A_140, %dma_start3A_141] : memref<2500x128xi32, #tpu.memory_space<hbm>> -> memref<20x128xi32, #tpu.memory_space<hbm>>
        %dma_start3A_143 = arith.constant 0 : i32
        %dma_start3A_144 = arith.constant 0 : i32
        %dma_start3A_145 = tpu.memref_slice %arg10[%dma_start3A_143, %dma_start3A_144] : memref<80x128xi32, #tpu.memory_space<vmem>> -> memref<20x128xi32, #tpu.memory_space<vmem>>
        %dma_start3A_146 = arith.constant 2480 : i32
        %dma_start3A_147 = arith.constant 0 : i32
        %dma_start3A_148 = tpu.memref_slice %arg5[%dma_start3A_146, %dma_start3A_147] : memref<2500x128xi32, #tpu.memory_space<hbm>> -> memref<20x128xi32, #tpu.memory_space<hbm>>
        tpu.enqueue_dma source(%dma_start3A_148 : memref<20x128xi32, #tpu.memory_space<hbm>>) target(%dma_start3A_145 : memref<20x128xi32, #tpu.memory_space<vmem>>) target_semaphore(%run_scoped3A : memref<!tpu.dma_semaphore, #tpu.memory_space<semaphore_mem>>)
        %dma_wait3A_149 = arith.constant 0 : i32
        %dma_wait3A_150 = arith.constant 0 : i32
        %dma_wait3A_151 = tpu.memref_slice %arg10[%dma_wait3A_149, %dma_wait3A_150] : memref<80x128xi32, #tpu.memory_space<vmem>> -> memref<20x128xi32, #tpu.memory_space<vmem>>
        %dma_wait3A_152 = arith.constant 2480 : i32
        %dma_wait3A_153 = arith.constant 0 : i32
        %dma_wait3A_154 = tpu.memref_slice %arg5[%dma_wait3A_152, %dma_wait3A_153] : memref<2500x128xi32, #tpu.memory_space<hbm>> -> memref<20x128xi32, #tpu.memory_space<hbm>>
        %dma_wait3A_155 = arith.constant 0 : i32
        %dma_wait3A_156 = arith.constant 0 : i32
        %dma_wait3A_157 = tpu.memref_slice %arg10[%dma_wait3A_155, %dma_wait3A_156] : memref<80x128xi32, #tpu.memory_space<vmem>> -> memref<20x128xi32, #tpu.memory_space<vmem>>
        %dma_wait3A_158 = arith.constant 2480 : i32
        %dma_wait3A_159 = arith.constant 0 : i32
        %dma_wait3A_160 = tpu.memref_slice %arg5[%dma_wait3A_158, %dma_wait3A_159] : memref<2500x128xi32, #tpu.memory_space<hbm>> -> memref<20x128xi32, #tpu.memory_space<hbm>>
        tpu.wait_dma2 semaphore(%run_scoped3A : memref<!tpu.dma_semaphore, #tpu.memory_space<semaphore_mem>>) src(%dma_wait3A_160 : memref<20x128xi32, #tpu.memory_space<hbm>>) dst(%dma_wait3A_157 : memref<20x128xi32, #tpu.memory_space<vmem>>)
        tpu.yield
      }) : () -> ()
    } else {
    }
    %mul3A_17 = arith.constant 632 : i32
    %mul3A_18 = arith.muli %arg1, %mul3A_17 : i32
    "tpu.region"() ({
      %run_scoped3A = tpu.sem_alloc : memref<!tpu.dma_semaphore, #tpu.memory_space<semaphore_mem>>
      %dma_start3A_137 = arith.constant 0 : i32
      %dma_start3A_138 = tpu.memref_slice %arg12[%mul3A_18, %dma_start3A_137] : memref<10112x64xf32, #tpu.memory_space<vmem_shared>> -> memref<632x64xf32, #tpu.memory_space<vmem_shared>>
      tpu.enqueue_dma source(%arg7 : memref<632x64xf32, #tpu.memory_space<hbm>>) target(%dma_start3A_138 : memref<632x64xf32, #tpu.memory_space<vmem_shared>>) target_semaphore(%run_scoped3A : memref<!tpu.dma_semaphore, #tpu.memory_space<semaphore_mem>>)
      %dma_wait3A_139 = arith.constant 0 : i32
      %dma_wait3A_140 = tpu.memref_slice %arg12[%mul3A_18, %dma_wait3A_139] : memref<10112x64xf32, #tpu.memory_space<vmem_shared>> -> memref<632x64xf32, #tpu.memory_space<vmem_shared>>
      tpu.wait_dma2 semaphore(%run_scoped3A : memref<!tpu.dma_semaphore, #tpu.memory_space<semaphore_mem>>) src(%arg7 : memref<632x64xf32, #tpu.memory_space<hbm>>) dst(%dma_wait3A_140 : memref<632x64xf32, #tpu.memory_space<vmem_shared>>)
      tpu.yield
    }) : () -> ()
    %barrier3A = arith.constant 0 : index
    tpu.barrier barrier_id(%barrier3A)
    %dma_start3A = arith.constant 0 : i32
    %dma_start3A_19 = arith.constant 0 : i32
    %dma_start3A_20 = arith.constant 0 : i32
    %dma_start3A_21 = arith.constant 0 : i32
    %dma_start3A_22 = tpu.memref_slice %arg11[%dma_start3A_19, %dma_start3A_20, %dma_start3A_21] : memref<6x128x64xf32, #tpu.memory_space<vmem>> -> memref<1x128x64xf32, #tpu.memory_space<vmem>>
    %dma_start3A_23 = tpu.memref_squeeze %dma_start3A_22 : memref<1x128x64xf32, #tpu.memory_space<vmem>> -> memref<128x64xf32, #tpu.memory_space<vmem>>
    %dma_start3A_24 = arith.constant 0 : i32
    %dma_start3A_25 = tpu.memref_slice %arg9[%dma_start3A, %dma_start3A_24] : memref<80x128xi32, #tpu.memory_space<vmem>> -> memref<1x128xi32, #tpu.memory_space<vmem>>
    %dma_start3A_26 = tpu.memref_squeeze %dma_start3A_25 : memref<1x128xi32, #tpu.memory_space<vmem>> -> memref<128xi32, #tpu.memory_space<vmem>>
    %dma_start3A_27 = arith.constant 0 : i32
    %dma_start3A_28 = arith.constant 0 : i32
    %dma_start3A_29 = tpu.memref_slice %arg2[%dma_start3A_27, %dma_start3A_28] : memref<10000x64xf32, #tpu.memory_space<hbm>> -> memref<10000x64xf32, #tpu.memory_space<hbm>>
    tpu.enqueue_indirect_dma source(%dma_start3A_29 : memref<10000x64xf32, #tpu.memory_space<hbm>>) target(%dma_start3A_23 : memref<128x64xf32, #tpu.memory_space<vmem>>) offsets(%dma_start3A_26 : memref<128xi32, #tpu.memory_space<vmem>>) semaphore(%arg13 : memref<!tpu.dma_semaphore, #tpu.memory_space<semaphore_mem>>)
    %dma_start3A_30 = arith.constant 1 : i32
    %dma_start3A_31 = arith.constant 1 : i32
    %dma_start3A_32 = arith.constant 0 : i32
    %dma_start3A_33 = arith.constant 0 : i32
    %dma_start3A_34 = tpu.memref_slice %arg11[%dma_start3A_31, %dma_start3A_32, %dma_start3A_33] : memref<6x128x64xf32, #tpu.memory_space<vmem>> -> memref<1x128x64xf32, #tpu.memory_space<vmem>>
    %dma_start3A_35 = tpu.memref_squeeze %dma_start3A_34 : memref<1x128x64xf32, #tpu.memory_space<vmem>> -> memref<128x64xf32, #tpu.memory_space<vmem>>
    %dma_start3A_36 = arith.constant 0 : i32
    %dma_start3A_37 = tpu.memref_slice %arg9[%dma_start3A_30, %dma_start3A_36] : memref<80x128xi32, #tpu.memory_space<vmem>> -> memref<1x128xi32, #tpu.memory_space<vmem>>
    %dma_start3A_38 = tpu.memref_squeeze %dma_start3A_37 : memref<1x128xi32, #tpu.memory_space<vmem>> -> memref<128xi32, #tpu.memory_space<vmem>>
    %dma_start3A_39 = arith.constant 0 : i32
    %dma_start3A_40 = arith.constant 0 : i32
    %dma_start3A_41 = tpu.memref_slice %arg2[%dma_start3A_39, %dma_start3A_40] : memref<10000x64xf32, #tpu.memory_space<hbm>> -> memref<10000x64xf32, #tpu.memory_space<hbm>>
    tpu.enqueue_indirect_dma source(%dma_start3A_41 : memref<10000x64xf32, #tpu.memory_space<hbm>>) target(%dma_start3A_35 : memref<128x64xf32, #tpu.memory_space<vmem>>) offsets(%dma_start3A_38 : memref<128xi32, #tpu.memory_space<vmem>>) semaphore(%arg14 : memref<!tpu.dma_semaphore, #tpu.memory_space<semaphore_mem>>)
    %dma_start3A_42 = arith.constant 2 : i32
    %dma_start3A_43 = arith.constant 2 : i32
    %dma_start3A_44 = arith.constant 0 : i32
    %dma_start3A_45 = arith.constant 0 : i32
    %dma_start3A_46 = tpu.memref_slice %arg11[%dma_start3A_43, %dma_start3A_44, %dma_start3A_45] : memref<6x128x64xf32, #tpu.memory_space<vmem>> -> memref<1x128x64xf32, #tpu.memory_space<vmem>>
    %dma_start3A_47 = tpu.memref_squeeze %dma_start3A_46 : memref<1x128x64xf32, #tpu.memory_space<vmem>> -> memref<128x64xf32, #tpu.memory_space<vmem>>
    %dma_start3A_48 = arith.constant 0 : i32
    %dma_start3A_49 = tpu.memref_slice %arg9[%dma_start3A_42, %dma_start3A_48] : memref<80x128xi32, #tpu.memory_space<vmem>> -> memref<1x128xi32, #tpu.memory_space<vmem>>
    %dma_start3A_50 = tpu.memref_squeeze %dma_start3A_49 : memref<1x128xi32, #tpu.memory_space<vmem>> -> memref<128xi32, #tpu.memory_space<vmem>>
    %dma_start3A_51 = arith.constant 0 : i32
    %dma_start3A_52 = arith.constant 0 : i32
    %dma_start3A_53 = tpu.memref_slice %arg2[%dma_start3A_51, %dma_start3A_52] : memref<10000x64xf32, #tpu.memory_space<hbm>> -> memref<10000x64xf32, #tpu.memory_space<hbm>>
    tpu.enqueue_indirect_dma source(%dma_start3A_53 : memref<10000x64xf32, #tpu.memory_space<hbm>>) target(%dma_start3A_47 : memref<128x64xf32, #tpu.memory_space<vmem>>) offsets(%dma_start3A_50 : memref<128xi32, #tpu.memory_space<vmem>>) semaphore(%arg15 : memref<!tpu.dma_semaphore, #tpu.memory_space<semaphore_mem>>)
    %scan3A = arith.constant 0 : i32
    %scan3A_54 = arith.constant 0 : i32
    %scan3A_55 = arith.constant 80 : i32
    %scan3A_56 = arith.addi %scan3A_54, %scan3A_55 : i32
    %scan3A_57 = arith.constant 1 : i32
    scf.for %scan3A_137 = %scan3A_54 to %scan3A_56 step %scan3A_57  : i32 {
      %jit3A = arith.constant 6 : i32
      %eq3A_138 = arith.constant 0 : i32
      %eq3A_139 = arith.cmpi eq, %jit3A, %eq3A_138 : i32
      %jit3A_140 = arith.constant 1 : i32
      %select_n3A = arith.select %eq3A_139, %jit3A_140, %jit3A : i32
      %rem3A = arith.remsi %scan3A_137, %select_n3A : i32
      %ne3A = arith.constant 0 : i32
      %ne3A_141 = arith.cmpi ne, %rem3A, %ne3A : i32
      %lt3A_142 = arith.constant 0 : i32
      %lt3A_143 = arith.cmpi slt, %rem3A, %lt3A_142 : i32
      %lt3A_144 = arith.constant 0 : i32
      %lt3A_145 = arith.cmpi slt, %select_n3A, %lt3A_144 : i32
      %ne3A_146 = arith.xori %lt3A_143, %lt3A_145 : i1
      %and3A = arith.andi %ne3A_146, %ne3A_141 : i1
      %add3A_147 = arith.addi %rem3A, %select_n3A : i32
      %select_n3A_148 = arith.select %and3A, %add3A_147, %rem3A : i32
      %eq3A_149 = arith.constant 0 : i32
      %eq3A_150 = arith.cmpi eq, %select_n3A_148, %eq3A_149 : i32
      %convert_element_type3A_151 = arith.extui %eq3A_150 : i1 to i32
      %cond3A_152 = arith.constant 0 : i32
      %cond3A_153 = arith.cmpi ne, %convert_element_type3A_151, %cond3A_152 : i32
      scf.if %cond3A_153 {
        %dma_wait3A_259 = arith.constant 0 : i32
        %dma_wait3A_260 = arith.constant 0 : i32
        %dma_wait3A_261 = arith.constant 0 : i32
        %dma_wait3A_262 = arith.constant 0 : i32
        %dma_wait3A_263 = tpu.memref_slice %arg11[%dma_wait3A_260, %dma_wait3A_261, %dma_wait3A_262] : memref<6x128x64xf32, #tpu.memory_space<vmem>> -> memref<1x128x64xf32, #tpu.memory_space<vmem>>
        %dma_wait3A_264 = tpu.memref_squeeze %dma_wait3A_263 : memref<1x128x64xf32, #tpu.memory_space<vmem>> -> memref<128x64xf32, #tpu.memory_space<vmem>>
        %dma_wait3A_265 = arith.constant 0 : i32
        %dma_wait3A_266 = tpu.memref_slice %arg9[%dma_wait3A_259, %dma_wait3A_265] : memref<80x128xi32, #tpu.memory_space<vmem>> -> memref<1x128xi32, #tpu.memory_space<vmem>>
        %dma_wait3A_267 = tpu.memref_squeeze %dma_wait3A_266 : memref<1x128xi32, #tpu.memory_space<vmem>> -> memref<128xi32, #tpu.memory_space<vmem>>
        %dma_wait3A_268 = arith.constant 0 : i32
        %dma_wait3A_269 = arith.constant 0 : i32
        %dma_wait3A_270 = tpu.memref_slice %arg2[%dma_wait3A_268, %dma_wait3A_269] : memref<10000x64xf32, #tpu.memory_space<hbm>> -> memref<10000x64xf32, #tpu.memory_space<hbm>>
        tpu.wait_indirect_dma semaphore(%arg13 : memref<!tpu.dma_semaphore, #tpu.memory_space<semaphore_mem>>) src(%dma_wait3A_270 : memref<10000x64xf32, #tpu.memory_space<hbm>>) dst(%dma_wait3A_264 : memref<128x64xf32, #tpu.memory_space<vmem>>)
        %add3A_271 = arith.constant 3 : i32
        %add3A_272 = arith.addi %scan3A_137, %add3A_271 : i32
        %lt3A_273 = arith.constant 80 : i32
        %lt3A_274 = arith.cmpi slt, %add3A_272, %lt3A_273 : i32
        %convert_element_type3A_275 = arith.extui %lt3A_274 : i1 to i32
        %cond3A_276 = arith.constant 0 : i32
        %cond3A_277 = arith.cmpi ne, %convert_element_type3A_275, %cond3A_276 : i32
        scf.if %cond3A_277 {
          %ge3A = arith.constant 3 : i32
          %ge3A_289 = arith.cmpi sge, %scan3A_137, %ge3A : i32
          %convert_element_type3A_290 = arith.extui %ge3A_289 : i1 to i32
          %cond3A_291 = arith.constant 0 : i32
          %cond3A_292 = arith.cmpi ne, %convert_element_type3A_290, %cond3A_291 : i32
          scf.if %cond3A_292 {
            %dma_wait3A_306 = arith.constant 3 : i32
            %dma_wait3A_307 = arith.constant 0 : i32
            %dma_wait3A_308 = arith.constant 0 : i32
            %dma_wait3A_309 = arith.constant 0 : i32
            %dma_wait3A_310 = tpu.memref_slice %arg11[%dma_wait3A_306, %dma_wait3A_308, %dma_wait3A_309] : memref<6x128x64xf32, #tpu.memory_space<vmem>> -> memref<1x128x64xf32, #tpu.memory_space<vmem>>
            %dma_wait3A_311 = tpu.memref_squeeze %dma_wait3A_310 : memref<1x128x64xf32, #tpu.memory_space<vmem>> -> memref<128x64xf32, #tpu.memory_space<vmem>>
            %dma_wait3A_312 = arith.constant 0 : i32
            %dma_wait3A_313 = tpu.memref_slice %arg10[%dma_wait3A_307, %dma_wait3A_312] : memref<80x128xi32, #tpu.memory_space<vmem>> -> memref<1x128xi32, #tpu.memory_space<vmem>>
            %dma_wait3A_314 = tpu.memref_squeeze %dma_wait3A_313 : memref<1x128xi32, #tpu.memory_space<vmem>> -> memref<128xi32, #tpu.memory_space<vmem>>
            %dma_wait3A_315 = arith.constant 0 : i32
            %dma_wait3A_316 = arith.constant 0 : i32
            %dma_wait3A_317 = tpu.memref_slice %arg12[%dma_wait3A_315, %dma_wait3A_316] : memref<10112x64xf32, #tpu.memory_space<vmem_shared>> -> memref<10112x64xf32, #tpu.memory_space<vmem_shared>>
            tpu.wait_indirect_dma semaphore(%arg16 : memref<!tpu.dma_semaphore, #tpu.memory_space<semaphore_mem>>) src(%dma_wait3A_311 : memref<128x64xf32, #tpu.memory_space<vmem>>) dst(%dma_wait3A_317 : memref<10112x64xf32, #tpu.memory_space<vmem_shared>>)
          } else {
          }
          %add3A_293 = arith.constant 3 : i32
          %add3A_294 = arith.addi %scan3A_137, %add3A_293 : i32
          %dma_start3A_295 = arith.constant 3 : i32
          %dma_start3A_296 = arith.constant 0 : i32
          %dma_start3A_297 = arith.constant 0 : i32
          %dma_start3A_298 = tpu.memref_slice %arg11[%dma_start3A_295, %dma_start3A_296, %dma_start3A_297] : memref<6x128x64xf32, #tpu.memory_space<vmem>> -> memref<1x128x64xf32, #tpu.memory_space<vmem>>
          %dma_start3A_299 = tpu.memref_squeeze %dma_start3A_298 : memref<1x128x64xf32, #tpu.memory_space<vmem>> -> memref<128x64xf32, #tpu.memory_space<vmem>>
          %dma_start3A_300 = arith.constant 0 : i32
          %dma_start3A_301 = tpu.memref_slice %arg9[%add3A_294, %dma_start3A_300] : memref<80x128xi32, #tpu.memory_space<vmem>> -> memref<1x128xi32, #tpu.memory_space<vmem>>
          %dma_start3A_302 = tpu.memref_squeeze %dma_start3A_301 : memref<1x128xi32, #tpu.memory_space<vmem>> -> memref<128xi32, #tpu.memory_space<vmem>>
          %dma_start3A_303 = arith.constant 0 : i32
          %dma_start3A_304 = arith.constant 0 : i32
          %dma_start3A_305 = tpu.memref_slice %arg2[%dma_start3A_303, %dma_start3A_304] : memref<10000x64xf32, #tpu.memory_space<hbm>> -> memref<10000x64xf32, #tpu.memory_space<hbm>>
          tpu.enqueue_indirect_dma source(%dma_start3A_305 : memref<10000x64xf32, #tpu.memory_space<hbm>>) target(%dma_start3A_299 : memref<128x64xf32, #tpu.memory_space<vmem>>) offsets(%dma_start3A_302 : memref<128xi32, #tpu.memory_space<vmem>>) semaphore(%arg13 : memref<!tpu.dma_semaphore, #tpu.memory_space<semaphore_mem>>)
        } else {
        }
        %dma_start3A_278 = arith.constant 0 : i32
        %dma_start3A_279 = arith.constant 0 : i32
        %dma_start3A_280 = arith.constant 0 : i32
        %dma_start3A_281 = tpu.memref_slice %arg11[%dma_start3A_278, %dma_start3A_279, %dma_start3A_280] : memref<6x128x64xf32, #tpu.memory_space<vmem>> -> memref<1x128x64xf32, #tpu.memory_space<vmem>>
        %dma_start3A_282 = tpu.memref_squeeze %dma_start3A_281 : memref<1x128x64xf32, #tpu.memory_space<vmem>> -> memref<128x64xf32, #tpu.memory_space<vmem>>
        %dma_start3A_283 = arith.constant 0 : i32
        %dma_start3A_284 = tpu.memref_slice %arg10[%scan3A_137, %dma_start3A_283] : memref<80x128xi32, #tpu.memory_space<vmem>> -> memref<1x128xi32, #tpu.memory_space<vmem>>
        %dma_start3A_285 = tpu.memref_squeeze %dma_start3A_284 : memref<1x128xi32, #tpu.memory_space<vmem>> -> memref<128xi32, #tpu.memory_space<vmem>>
        %dma_start3A_286 = arith.constant 0 : i32
        %dma_start3A_287 = arith.constant 0 : i32
        %dma_start3A_288 = tpu.memref_slice %arg12[%dma_start3A_286, %dma_start3A_287] : memref<10112x64xf32, #tpu.memory_space<vmem_shared>> -> memref<10112x64xf32, #tpu.memory_space<vmem_shared>>
        tpu.enqueue_indirect_dma source(%dma_start3A_282 : memref<128x64xf32, #tpu.memory_space<vmem>>) target(%dma_start3A_288 : memref<10112x64xf32, #tpu.memory_space<vmem_shared>>) offsets(%dma_start3A_285 : memref<128xi32, #tpu.memory_space<vmem>>) semaphore(%arg16 : memref<!tpu.dma_semaphore, #tpu.memory_space<semaphore_mem>>) {add = true}
      } else {
      }
      %jit3A_154 = arith.constant 6 : i32
      %eq3A_155 = arith.constant 0 : i32
      %eq3A_156 = arith.cmpi eq, %jit3A_154, %eq3A_155 : i32
      %jit3A_157 = arith.constant 1 : i32
      %select_n3A_158 = arith.select %eq3A_156, %jit3A_157, %jit3A_154 : i32
      %rem3A_159 = arith.remsi %scan3A_137, %select_n3A_158 : i32
      %ne3A_160 = arith.constant 0 : i32
      %ne3A_161 = arith.cmpi ne, %rem3A_159, %ne3A_160 : i32
      %lt3A_162 = arith.constant 0 : i32
      %lt3A_163 = arith.cmpi slt, %rem3A_159, %lt3A_162 : i32
      %lt3A_164 = arith.constant 0 : i32
      %lt3A_165 = arith.cmpi slt, %select_n3A_158, %lt3A_164 : i32
      %ne3A_166 = arith.xori %lt3A_163, %lt3A_165 : i1
      %and3A_167 = arith.andi %ne3A_166, %ne3A_161 : i1
      %add3A_168 = arith.addi %rem3A_159, %select_n3A_158 : i32
      %select_n3A_169 = arith.select %and3A_167, %add3A_168, %rem3A_159 : i32
      %eq3A_170 = arith.constant 1 : i32
      %eq3A_171 = arith.cmpi eq, %select_n3A_169, %eq3A_170 : i32
      %convert_element_type3A_172 = arith.extui %eq3A_171 : i1 to i32
      %cond3A_173 = arith.constant 0 : i32
      %cond3A_174 = arith.cmpi ne, %convert_element_type3A_172, %cond3A_173 : i32
      scf.if %cond3A_174 {
        %dma_wait3A_259 = arith.constant 0 : i32
        %dma_wait3A_260 = arith.constant 1 : i32
        %dma_wait3A_261 = arith.constant 0 : i32
        %dma_wait3A_262 = arith.constant 0 : i32
        %dma_wait3A_263 = tpu.memref_slice %arg11[%dma_wait3A_260, %dma_wait3A_261, %dma_wait3A_262] : memref<6x128x64xf32, #tpu.memory_space<vmem>> -> memref<1x128x64xf32, #tpu.memory_space<vmem>>
        %dma_wait3A_264 = tpu.memref_squeeze %dma_wait3A_263 : memref<1x128x64xf32, #tpu.memory_space<vmem>> -> memref<128x64xf32, #tpu.memory_space<vmem>>
        %dma_wait3A_265 = arith.constant 0 : i32
        %dma_wait3A_266 = tpu.memref_slice %arg9[%dma_wait3A_259, %dma_wait3A_265] : memref<80x128xi32, #tpu.memory_space<vmem>> -> memref<1x128xi32, #tpu.memory_space<vmem>>
        %dma_wait3A_267 = tpu.memref_squeeze %dma_wait3A_266 : memref<1x128xi32, #tpu.memory_space<vmem>> -> memref<128xi32, #tpu.memory_space<vmem>>
        %dma_wait3A_268 = arith.constant 0 : i32
        %dma_wait3A_269 = arith.constant 0 : i32
        %dma_wait3A_270 = tpu.memref_slice %arg2[%dma_wait3A_268, %dma_wait3A_269] : memref<10000x64xf32, #tpu.memory_space<hbm>> -> memref<10000x64xf32, #tpu.memory_space<hbm>>
        tpu.wait_indirect_dma semaphore(%arg14 : memref<!tpu.dma_semaphore, #tpu.memory_space<semaphore_mem>>) src(%dma_wait3A_270 : memref<10000x64xf32, #tpu.memory_space<hbm>>) dst(%dma_wait3A_264 : memref<128x64xf32, #tpu.memory_space<vmem>>)
        %add3A_271 = arith.constant 3 : i32
        %add3A_272 = arith.addi %scan3A_137, %add3A_271 : i32
        %lt3A_273 = arith.constant 80 : i32
        %lt3A_274 = arith.cmpi slt, %add3A_272, %lt3A_273 : i32
        %convert_element_type3A_275 = arith.extui %lt3A_274 : i1 to i32
        %cond3A_276 = arith.constant 0 : i32
        %cond3A_277 = arith.cmpi ne, %convert_element_type3A_275, %cond3A_276 : i32
        scf.if %cond3A_277 {
          %ge3A = arith.constant 3 : i32
          %ge3A_289 = arith.cmpi sge, %scan3A_137, %ge3A : i32
          %convert_element_type3A_290 = arith.extui %ge3A_289 : i1 to i32
          %cond3A_291 = arith.constant 0 : i32
          %cond3A_292 = arith.cmpi ne, %convert_element_type3A_290, %cond3A_291 : i32
          scf.if %cond3A_292 {
            %dma_wait3A_306 = arith.constant 4 : i32
            %dma_wait3A_307 = arith.constant 0 : i32
            %dma_wait3A_308 = arith.constant 0 : i32
            %dma_wait3A_309 = arith.constant 0 : i32
            %dma_wait3A_310 = tpu.memref_slice %arg11[%dma_wait3A_306, %dma_wait3A_308, %dma_wait3A_309] : memref<6x128x64xf32, #tpu.memory_space<vmem>> -> memref<1x128x64xf32, #tpu.memory_space<vmem>>
            %dma_wait3A_311 = tpu.memref_squeeze %dma_wait3A_310 : memref<1x128x64xf32, #tpu.memory_space<vmem>> -> memref<128x64xf32, #tpu.memory_space<vmem>>
            %dma_wait3A_312 = arith.constant 0 : i32
            %dma_wait3A_313 = tpu.memref_slice %arg10[%dma_wait3A_307, %dma_wait3A_312] : memref<80x128xi32, #tpu.memory_space<vmem>> -> memref<1x128xi32, #tpu.memory_space<vmem>>
            %dma_wait3A_314 = tpu.memref_squeeze %dma_wait3A_313 : memref<1x128xi32, #tpu.memory_space<vmem>> -> memref<128xi32, #tpu.memory_space<vmem>>
            %dma_wait3A_315 = arith.constant 0 : i32
            %dma_wait3A_316 = arith.constant 0 : i32
            %dma_wait3A_317 = tpu.memref_slice %arg12[%dma_wait3A_315, %dma_wait3A_316] : memref<10112x64xf32, #tpu.memory_space<vmem_shared>> -> memref<10112x64xf32, #tpu.memory_space<vmem_shared>>
            tpu.wait_indirect_dma semaphore(%arg17 : memref<!tpu.dma_semaphore, #tpu.memory_space<semaphore_mem>>) src(%dma_wait3A_311 : memref<128x64xf32, #tpu.memory_space<vmem>>) dst(%dma_wait3A_317 : memref<10112x64xf32, #tpu.memory_space<vmem_shared>>)
          } else {
          }
          %add3A_293 = arith.constant 3 : i32
          %add3A_294 = arith.addi %scan3A_137, %add3A_293 : i32
          %dma_start3A_295 = arith.constant 4 : i32
          %dma_start3A_296 = arith.constant 0 : i32
          %dma_start3A_297 = arith.constant 0 : i32
          %dma_start3A_298 = tpu.memref_slice %arg11[%dma_start3A_295, %dma_start3A_296, %dma_start3A_297] : memref<6x128x64xf32, #tpu.memory_space<vmem>> -> memref<1x128x64xf32, #tpu.memory_space<vmem>>
          %dma_start3A_299 = tpu.memref_squeeze %dma_start3A_298 : memref<1x128x64xf32, #tpu.memory_space<vmem>> -> memref<128x64xf32, #tpu.memory_space<vmem>>
          %dma_start3A_300 = arith.constant 0 : i32
          %dma_start3A_301 = tpu.memref_slice %arg9[%add3A_294, %dma_start3A_300] : memref<80x128xi32, #tpu.memory_space<vmem>> -> memref<1x128xi32, #tpu.memory_space<vmem>>
          %dma_start3A_302 = tpu.memref_squeeze %dma_start3A_301 : memref<1x128xi32, #tpu.memory_space<vmem>> -> memref<128xi32, #tpu.memory_space<vmem>>
          %dma_start3A_303 = arith.constant 0 : i32
          %dma_start3A_304 = arith.constant 0 : i32
          %dma_start3A_305 = tpu.memref_slice %arg2[%dma_start3A_303, %dma_start3A_304] : memref<10000x64xf32, #tpu.memory_space<hbm>> -> memref<10000x64xf32, #tpu.memory_space<hbm>>
          tpu.enqueue_indirect_dma source(%dma_start3A_305 : memref<10000x64xf32, #tpu.memory_space<hbm>>) target(%dma_start3A_299 : memref<128x64xf32, #tpu.memory_space<vmem>>) offsets(%dma_start3A_302 : memref<128xi32, #tpu.memory_space<vmem>>) semaphore(%arg14 : memref<!tpu.dma_semaphore, #tpu.memory_space<semaphore_mem>>)
        } else {
        }
        %dma_start3A_278 = arith.constant 1 : i32
        %dma_start3A_279 = arith.constant 0 : i32
        %dma_start3A_280 = arith.constant 0 : i32
        %dma_start3A_281 = tpu.memref_slice %arg11[%dma_start3A_278, %dma_start3A_279, %dma_start3A_280] : memref<6x128x64xf32, #tpu.memory_space<vmem>> -> memref<1x128x64xf32, #tpu.memory_space<vmem>>
        %dma_start3A_282 = tpu.memref_squeeze %dma_start3A_281 : memref<1x128x64xf32, #tpu.memory_space<vmem>> -> memref<128x64xf32, #tpu.memory_space<vmem>>
        %dma_start3A_283 = arith.constant 0 : i32
        %dma_start3A_284 = tpu.memref_slice %arg10[%scan3A_137, %dma_start3A_283] : memref<80x128xi32, #tpu.memory_space<vmem>> -> memref<1x128xi32, #tpu.memory_space<vmem>>
        %dma_start3A_285 = tpu.memref_squeeze %dma_start3A_284 : memref<1x128xi32, #tpu.memory_space<vmem>> -> memref<128xi32, #tpu.memory_space<vmem>>
        %dma_start3A_286 = arith.constant 0 : i32
        %dma_start3A_287 = arith.constant 0 : i32
        %dma_start3A_288 = tpu.memref_slice %arg12[%dma_start3A_286, %dma_start3A_287] : memref<10112x64xf32, #tpu.memory_space<vmem_shared>> -> memref<10112x64xf32, #tpu.memory_space<vmem_shared>>
        tpu.enqueue_indirect_dma source(%dma_start3A_282 : memref<128x64xf32, #tpu.memory_space<vmem>>) target(%dma_start3A_288 : memref<10112x64xf32, #tpu.memory_space<vmem_shared>>) offsets(%dma_start3A_285 : memref<128xi32, #tpu.memory_space<vmem>>) semaphore(%arg17 : memref<!tpu.dma_semaphore, #tpu.memory_space<semaphore_mem>>) {add = true}
      } else {
      }
      %jit3A_175 = arith.constant 6 : i32
      %eq3A_176 = arith.constant 0 : i32
      %eq3A_177 = arith.cmpi eq, %jit3A_175, %eq3A_176 : i32
      %jit3A_178 = arith.constant 1 : i32
      %select_n3A_179 = arith.select %eq3A_177, %jit3A_178, %jit3A_175 : i32
      %rem3A_180 = arith.remsi %scan3A_137, %select_n3A_179 : i32
      %ne3A_181 = arith.constant 0 : i32
      %ne3A_182 = arith.cmpi ne, %rem3A_180, %ne3A_181 : i32
      %lt3A_183 = arith.constant 0 : i32
      %lt3A_184 = arith.cmpi slt, %rem3A_180, %lt3A_183 : i32
      %lt3A_185 = arith.constant 0 : i32
      %lt3A_186 = arith.cmpi slt, %select_n3A_179, %lt3A_185 : i32
      %ne3A_187 = arith.xori %lt3A_184, %lt3A_186 : i1
      %and3A_188 = arith.andi %ne3A_187, %ne3A_182 : i1
      %add3A_189 = arith.addi %rem3A_180, %select_n3A_179 : i32
      %select_n3A_190 = arith.select %and3A_188, %add3A_189, %rem3A_180 : i32
      %eq3A_191 = arith.constant 2 : i32
      %eq3A_192 = arith.cmpi eq, %select_n3A_190, %eq3A_191 : i32
      %convert_element_type3A_193 = arith.extui %eq3A_192 : i1 to i32
      %cond3A_194 = arith.constant 0 : i32
      %cond3A_195 = arith.cmpi ne, %convert_element_type3A_193, %cond3A_194 : i32
      scf.if %cond3A_195 {
        %dma_wait3A_259 = arith.constant 0 : i32
        %dma_wait3A_260 = arith.constant 2 : i32
        %dma_wait3A_261 = arith.constant 0 : i32
        %dma_wait3A_262 = arith.constant 0 : i32
        %dma_wait3A_263 = tpu.memref_slice %arg11[%dma_wait3A_260, %dma_wait3A_261, %dma_wait3A_262] : memref<6x128x64xf32, #tpu.memory_space<vmem>> -> memref<1x128x64xf32, #tpu.memory_space<vmem>>
        %dma_wait3A_264 = tpu.memref_squeeze %dma_wait3A_263 : memref<1x128x64xf32, #tpu.memory_space<vmem>> -> memref<128x64xf32, #tpu.memory_space<vmem>>
        %dma_wait3A_265 = arith.constant 0 : i32
        %dma_wait3A_266 = tpu.memref_slice %arg9[%dma_wait3A_259, %dma_wait3A_265] : memref<80x128xi32, #tpu.memory_space<vmem>> -> memref<1x128xi32, #tpu.memory_space<vmem>>
        %dma_wait3A_267 = tpu.memref_squeeze %dma_wait3A_266 : memref<1x128xi32, #tpu.memory_space<vmem>> -> memref<128xi32, #tpu.memory_space<vmem>>
        %dma_wait3A_268 = arith.constant 0 : i32
        %dma_wait3A_269 = arith.constant 0 : i32
        %dma_wait3A_270 = tpu.memref_slice %arg2[%dma_wait3A_268, %dma_wait3A_269] : memref<10000x64xf32, #tpu.memory_space<hbm>> -> memref<10000x64xf32, #tpu.memory_space<hbm>>
        tpu.wait_indirect_dma semaphore(%arg15 : memref<!tpu.dma_semaphore, #tpu.memory_space<semaphore_mem>>) src(%dma_wait3A_270 : memref<10000x64xf32, #tpu.memory_space<hbm>>) dst(%dma_wait3A_264 : memref<128x64xf32, #tpu.memory_space<vmem>>)
        %add3A_271 = arith.constant 3 : i32
        %add3A_272 = arith.addi %scan3A_137, %add3A_271 : i32
        %lt3A_273 = arith.constant 80 : i32
        %lt3A_274 = arith.cmpi slt, %add3A_272, %lt3A_273 : i32
        %convert_element_type3A_275 = arith.extui %lt3A_274 : i1 to i32
        %cond3A_276 = arith.constant 0 : i32
        %cond3A_277 = arith.cmpi ne, %convert_element_type3A_275, %cond3A_276 : i32
        scf.if %cond3A_277 {
          %ge3A = arith.constant 3 : i32
          %ge3A_289 = arith.cmpi sge, %scan3A_137, %ge3A : i32
          %convert_element_type3A_290 = arith.extui %ge3A_289 : i1 to i32
          %cond3A_291 = arith.constant 0 : i32
          %cond3A_292 = arith.cmpi ne, %convert_element_type3A_290, %cond3A_291 : i32
          scf.if %cond3A_292 {
            %dma_wait3A_306 = arith.constant 5 : i32
            %dma_wait3A_307 = arith.constant 0 : i32
            %dma_wait3A_308 = arith.constant 0 : i32
            %dma_wait3A_309 = arith.constant 0 : i32
            %dma_wait3A_310 = tpu.memref_slice %arg11[%dma_wait3A_306, %dma_wait3A_308, %dma_wait3A_309] : memref<6x128x64xf32, #tpu.memory_space<vmem>> -> memref<1x128x64xf32, #tpu.memory_space<vmem>>
            %dma_wait3A_311 = tpu.memref_squeeze %dma_wait3A_310 : memref<1x128x64xf32, #tpu.memory_space<vmem>> -> memref<128x64xf32, #tpu.memory_space<vmem>>
            %dma_wait3A_312 = arith.constant 0 : i32
            %dma_wait3A_313 = tpu.memref_slice %arg10[%dma_wait3A_307, %dma_wait3A_312] : memref<80x128xi32, #tpu.memory_space<vmem>> -> memref<1x128xi32, #tpu.memory_space<vmem>>
            %dma_wait3A_314 = tpu.memref_squeeze %dma_wait3A_313 : memref<1x128xi32, #tpu.memory_space<vmem>> -> memref<128xi32, #tpu.memory_space<vmem>>
            %dma_wait3A_315 = arith.constant 0 : i32
            %dma_wait3A_316 = arith.constant 0 : i32
            %dma_wait3A_317 = tpu.memref_slice %arg12[%dma_wait3A_315, %dma_wait3A_316] : memref<10112x64xf32, #tpu.memory_space<vmem_shared>> -> memref<10112x64xf32, #tpu.memory_space<vmem_shared>>
            tpu.wait_indirect_dma semaphore(%arg18 : memref<!tpu.dma_semaphore, #tpu.memory_space<semaphore_mem>>) src(%dma_wait3A_311 : memref<128x64xf32, #tpu.memory_space<vmem>>) dst(%dma_wait3A_317 : memref<10112x64xf32, #tpu.memory_space<vmem_shared>>)
          } else {
          }
          %add3A_293 = arith.constant 3 : i32
          %add3A_294 = arith.addi %scan3A_137, %add3A_293 : i32
          %dma_start3A_295 = arith.constant 5 : i32
          %dma_start3A_296 = arith.constant 0 : i32
          %dma_start3A_297 = arith.constant 0 : i32
          %dma_start3A_298 = tpu.memref_slice %arg11[%dma_start3A_295, %dma_start3A_296, %dma_start3A_297] : memref<6x128x64xf32, #tpu.memory_space<vmem>> -> memref<1x128x64xf32, #tpu.memory_space<vmem>>
          %dma_start3A_299 = tpu.memref_squeeze %dma_start3A_298 : memref<1x128x64xf32, #tpu.memory_space<vmem>> -> memref<128x64xf32, #tpu.memory_space<vmem>>
          %dma_start3A_300 = arith.constant 0 : i32
          %dma_start3A_301 = tpu.memref_slice %arg9[%add3A_294, %dma_start3A_300] : memref<80x128xi32, #tpu.memory_space<vmem>> -> memref<1x128xi32, #tpu.memory_space<vmem>>
          %dma_start3A_302 = tpu.memref_squeeze %dma_start3A_301 : memref<1x128xi32, #tpu.memory_space<vmem>> -> memref<128xi32, #tpu.memory_space<vmem>>
          %dma_start3A_303 = arith.constant 0 : i32
          %dma_start3A_304 = arith.constant 0 : i32
          %dma_start3A_305 = tpu.memref_slice %arg2[%dma_start3A_303, %dma_start3A_304] : memref<10000x64xf32, #tpu.memory_space<hbm>> -> memref<10000x64xf32, #tpu.memory_space<hbm>>
          tpu.enqueue_indirect_dma source(%dma_start3A_305 : memref<10000x64xf32, #tpu.memory_space<hbm>>) target(%dma_start3A_299 : memref<128x64xf32, #tpu.memory_space<vmem>>) offsets(%dma_start3A_302 : memref<128xi32, #tpu.memory_space<vmem>>) semaphore(%arg15 : memref<!tpu.dma_semaphore, #tpu.memory_space<semaphore_mem>>)
        } else {
        }
        %dma_start3A_278 = arith.constant 2 : i32
        %dma_start3A_279 = arith.constant 0 : i32
        %dma_start3A_280 = arith.constant 0 : i32
        %dma_start3A_281 = tpu.memref_slice %arg11[%dma_start3A_278, %dma_start3A_279, %dma_start3A_280] : memref<6x128x64xf32, #tpu.memory_space<vmem>> -> memref<1x128x64xf32, #tpu.memory_space<vmem>>
        %dma_start3A_282 = tpu.memref_squeeze %dma_start3A_281 : memref<1x128x64xf32, #tpu.memory_space<vmem>> -> memref<128x64xf32, #tpu.memory_space<vmem>>
        %dma_start3A_283 = arith.constant 0 : i32
        %dma_start3A_284 = tpu.memref_slice %arg10[%scan3A_137, %dma_start3A_283] : memref<80x128xi32, #tpu.memory_space<vmem>> -> memref<1x128xi32, #tpu.memory_space<vmem>>
        %dma_start3A_285 = tpu.memref_squeeze %dma_start3A_284 : memref<1x128xi32, #tpu.memory_space<vmem>> -> memref<128xi32, #tpu.memory_space<vmem>>
        %dma_start3A_286 = arith.constant 0 : i32
        %dma_start3A_287 = arith.constant 0 : i32
        %dma_start3A_288 = tpu.memref_slice %arg12[%dma_start3A_286, %dma_start3A_287] : memref<10112x64xf32, #tpu.memory_space<vmem_shared>> -> memref<10112x64xf32, #tpu.memory_space<vmem_shared>>
        tpu.enqueue_indirect_dma source(%dma_start3A_282 : memref<128x64xf32, #tpu.memory_space<vmem>>) target(%dma_start3A_288 : memref<10112x64xf32, #tpu.memory_space<vmem_shared>>) offsets(%dma_start3A_285 : memref<128xi32, #tpu.memory_space<vmem>>) semaphore(%arg18 : memref<!tpu.dma_semaphore, #tpu.memory_space<semaphore_mem>>) {add = true}
      } else {
      }
      %jit3A_196 = arith.constant 6 : i32
      %eq3A_197 = arith.constant 0 : i32
      %eq3A_198 = arith.cmpi eq, %jit3A_196, %eq3A_197 : i32
      %jit3A_199 = arith.constant 1 : i32
      %select_n3A_200 = arith.select %eq3A_198, %jit3A_199, %jit3A_196 : i32
      %rem3A_201 = arith.remsi %scan3A_137, %select_n3A_200 : i32
      %ne3A_202 = arith.constant 0 : i32
      %ne3A_203 = arith.cmpi ne, %rem3A_201, %ne3A_202 : i32
      %lt3A_204 = arith.constant 0 : i32
      %lt3A_205 = arith.cmpi slt, %rem3A_201, %lt3A_204 : i32
      %lt3A_206 = arith.constant 0 : i32
      %lt3A_207 = arith.cmpi slt, %select_n3A_200, %lt3A_206 : i32
      %ne3A_208 = arith.xori %lt3A_205, %lt3A_207 : i1
      %and3A_209 = arith.andi %ne3A_208, %ne3A_203 : i1
      %add3A_210 = arith.addi %rem3A_201, %select_n3A_200 : i32
      %select_n3A_211 = arith.select %and3A_209, %add3A_210, %rem3A_201 : i32
      %eq3A_212 = arith.constant 3 : i32
      %eq3A_213 = arith.cmpi eq, %select_n3A_211, %eq3A_212 : i32
      %convert_element_type3A_214 = arith.extui %eq3A_213 : i1 to i32
      %cond3A_215 = arith.constant 0 : i32
      %cond3A_216 = arith.cmpi ne, %convert_element_type3A_214, %cond3A_215 : i32
      scf.if %cond3A_216 {
        %dma_wait3A_259 = arith.constant 0 : i32
        %dma_wait3A_260 = arith.constant 3 : i32
        %dma_wait3A_261 = arith.constant 0 : i32
        %dma_wait3A_262 = arith.constant 0 : i32
        %dma_wait3A_263 = tpu.memref_slice %arg11[%dma_wait3A_260, %dma_wait3A_261, %dma_wait3A_262] : memref<6x128x64xf32, #tpu.memory_space<vmem>> -> memref<1x128x64xf32, #tpu.memory_space<vmem>>
        %dma_wait3A_264 = tpu.memref_squeeze %dma_wait3A_263 : memref<1x128x64xf32, #tpu.memory_space<vmem>> -> memref<128x64xf32, #tpu.memory_space<vmem>>
        %dma_wait3A_265 = arith.constant 0 : i32
        %dma_wait3A_266 = tpu.memref_slice %arg9[%dma_wait3A_259, %dma_wait3A_265] : memref<80x128xi32, #tpu.memory_space<vmem>> -> memref<1x128xi32, #tpu.memory_space<vmem>>
        %dma_wait3A_267 = tpu.memref_squeeze %dma_wait3A_266 : memref<1x128xi32, #tpu.memory_space<vmem>> -> memref<128xi32, #tpu.memory_space<vmem>>
        %dma_wait3A_268 = arith.constant 0 : i32
        %dma_wait3A_269 = arith.constant 0 : i32
        %dma_wait3A_270 = tpu.memref_slice %arg2[%dma_wait3A_268, %dma_wait3A_269] : memref<10000x64xf32, #tpu.memory_space<hbm>> -> memref<10000x64xf32, #tpu.memory_space<hbm>>
        tpu.wait_indirect_dma semaphore(%arg13 : memref<!tpu.dma_semaphore, #tpu.memory_space<semaphore_mem>>) src(%dma_wait3A_270 : memref<10000x64xf32, #tpu.memory_space<hbm>>) dst(%dma_wait3A_264 : memref<128x64xf32, #tpu.memory_space<vmem>>)
        %add3A_271 = arith.constant 3 : i32
        %add3A_272 = arith.addi %scan3A_137, %add3A_271 : i32
        %lt3A_273 = arith.constant 80 : i32
        %lt3A_274 = arith.cmpi slt, %add3A_272, %lt3A_273 : i32
        %convert_element_type3A_275 = arith.extui %lt3A_274 : i1 to i32
        %cond3A_276 = arith.constant 0 : i32
        %cond3A_277 = arith.cmpi ne, %convert_element_type3A_275, %cond3A_276 : i32
        scf.if %cond3A_277 {
          %ge3A = arith.constant 3 : i32
          %ge3A_289 = arith.cmpi sge, %scan3A_137, %ge3A : i32
          %convert_element_type3A_290 = arith.extui %ge3A_289 : i1 to i32
          %cond3A_291 = arith.constant 0 : i32
          %cond3A_292 = arith.cmpi ne, %convert_element_type3A_290, %cond3A_291 : i32
          scf.if %cond3A_292 {
            %dma_wait3A_306 = arith.constant 0 : i32
            %dma_wait3A_307 = arith.constant 0 : i32
            %dma_wait3A_308 = arith.constant 0 : i32
            %dma_wait3A_309 = arith.constant 0 : i32
            %dma_wait3A_310 = tpu.memref_slice %arg11[%dma_wait3A_306, %dma_wait3A_308, %dma_wait3A_309] : memref<6x128x64xf32, #tpu.memory_space<vmem>> -> memref<1x128x64xf32, #tpu.memory_space<vmem>>
            %dma_wait3A_311 = tpu.memref_squeeze %dma_wait3A_310 : memref<1x128x64xf32, #tpu.memory_space<vmem>> -> memref<128x64xf32, #tpu.memory_space<vmem>>
            %dma_wait3A_312 = arith.constant 0 : i32
            %dma_wait3A_313 = tpu.memref_slice %arg10[%dma_wait3A_307, %dma_wait3A_312] : memref<80x128xi32, #tpu.memory_space<vmem>> -> memref<1x128xi32, #tpu.memory_space<vmem>>
            %dma_wait3A_314 = tpu.memref_squeeze %dma_wait3A_313 : memref<1x128xi32, #tpu.memory_space<vmem>> -> memref<128xi32, #tpu.memory_space<vmem>>
            %dma_wait3A_315 = arith.constant 0 : i32
            %dma_wait3A_316 = arith.constant 0 : i32
            %dma_wait3A_317 = tpu.memref_slice %arg12[%dma_wait3A_315, %dma_wait3A_316] : memref<10112x64xf32, #tpu.memory_space<vmem_shared>> -> memref<10112x64xf32, #tpu.memory_space<vmem_shared>>
            tpu.wait_indirect_dma semaphore(%arg16 : memref<!tpu.dma_semaphore, #tpu.memory_space<semaphore_mem>>) src(%dma_wait3A_311 : memref<128x64xf32, #tpu.memory_space<vmem>>) dst(%dma_wait3A_317 : memref<10112x64xf32, #tpu.memory_space<vmem_shared>>)
          } else {
          }
          %add3A_293 = arith.constant 3 : i32
          %add3A_294 = arith.addi %scan3A_137, %add3A_293 : i32
          %dma_start3A_295 = arith.constant 0 : i32
          %dma_start3A_296 = arith.constant 0 : i32
          %dma_start3A_297 = arith.constant 0 : i32
          %dma_start3A_298 = tpu.memref_slice %arg11[%dma_start3A_295, %dma_start3A_296, %dma_start3A_297] : memref<6x128x64xf32, #tpu.memory_space<vmem>> -> memref<1x128x64xf32, #tpu.memory_space<vmem>>
          %dma_start3A_299 = tpu.memref_squeeze %dma_start3A_298 : memref<1x128x64xf32, #tpu.memory_space<vmem>> -> memref<128x64xf32, #tpu.memory_space<vmem>>
          %dma_start3A_300 = arith.constant 0 : i32
          %dma_start3A_301 = tpu.memref_slice %arg9[%add3A_294, %dma_start3A_300] : memref<80x128xi32, #tpu.memory_space<vmem>> -> memref<1x128xi32, #tpu.memory_space<vmem>>
          %dma_start3A_302 = tpu.memref_squeeze %dma_start3A_301 : memref<1x128xi32, #tpu.memory_space<vmem>> -> memref<128xi32, #tpu.memory_space<vmem>>
          %dma_start3A_303 = arith.constant 0 : i32
          %dma_start3A_304 = arith.constant 0 : i32
          %dma_start3A_305 = tpu.memref_slice %arg2[%dma_start3A_303, %dma_start3A_304] : memref<10000x64xf32, #tpu.memory_space<hbm>> -> memref<10000x64xf32, #tpu.memory_space<hbm>>
          tpu.enqueue_indirect_dma source(%dma_start3A_305 : memref<10000x64xf32, #tpu.memory_space<hbm>>) target(%dma_start3A_299 : memref<128x64xf32, #tpu.memory_space<vmem>>) offsets(%dma_start3A_302 : memref<128xi32, #tpu.memory_space<vmem>>) semaphore(%arg13 : memref<!tpu.dma_semaphore, #tpu.memory_space<semaphore_mem>>)
        } else {
        }
        %dma_start3A_278 = arith.constant 3 : i32
        %dma_start3A_279 = arith.constant 0 : i32
        %dma_start3A_280 = arith.constant 0 : i32
        %dma_start3A_281 = tpu.memref_slice %arg11[%dma_start3A_278, %dma_start3A_279, %dma_start3A_280] : memref<6x128x64xf32, #tpu.memory_space<vmem>> -> memref<1x128x64xf32, #tpu.memory_space<vmem>>
        %dma_start3A_282 = tpu.memref_squeeze %dma_start3A_281 : memref<1x128x64xf32, #tpu.memory_space<vmem>> -> memref<128x64xf32, #tpu.memory_space<vmem>>
        %dma_start3A_283 = arith.constant 0 : i32
        %dma_start3A_284 = tpu.memref_slice %arg10[%scan3A_137, %dma_start3A_283] : memref<80x128xi32, #tpu.memory_space<vmem>> -> memref<1x128xi32, #tpu.memory_space<vmem>>
        %dma_start3A_285 = tpu.memref_squeeze %dma_start3A_284 : memref<1x128xi32, #tpu.memory_space<vmem>> -> memref<128xi32, #tpu.memory_space<vmem>>
        %dma_start3A_286 = arith.constant 0 : i32
        %dma_start3A_287 = arith.constant 0 : i32
        %dma_start3A_288 = tpu.memref_slice %arg12[%dma_start3A_286, %dma_start3A_287] : memref<10112x64xf32, #tpu.memory_space<vmem_shared>> -> memref<10112x64xf32, #tpu.memory_space<vmem_shared>>
        tpu.enqueue_indirect_dma source(%dma_start3A_282 : memref<128x64xf32, #tpu.memory_space<vmem>>) target(%dma_start3A_288 : memref<10112x64xf32, #tpu.memory_space<vmem_shared>>) offsets(%dma_start3A_285 : memref<128xi32, #tpu.memory_space<vmem>>) semaphore(%arg16 : memref<!tpu.dma_semaphore, #tpu.memory_space<semaphore_mem>>) {add = true}
      } else {
      }
      %jit3A_217 = arith.constant 6 : i32
      %eq3A_218 = arith.constant 0 : i32
      %eq3A_219 = arith.cmpi eq, %jit3A_217, %eq3A_218 : i32
      %jit3A_220 = arith.constant 1 : i32
      %select_n3A_221 = arith.select %eq3A_219, %jit3A_220, %jit3A_217 : i32
      %rem3A_222 = arith.remsi %scan3A_137, %select_n3A_221 : i32
      %ne3A_223 = arith.constant 0 : i32
      %ne3A_224 = arith.cmpi ne, %rem3A_222, %ne3A_223 : i32
      %lt3A_225 = arith.constant 0 : i32
      %lt3A_226 = arith.cmpi slt, %rem3A_222, %lt3A_225 : i32
      %lt3A_227 = arith.constant 0 : i32
      %lt3A_228 = arith.cmpi slt, %select_n3A_221, %lt3A_227 : i32
      %ne3A_229 = arith.xori %lt3A_226, %lt3A_228 : i1
      %and3A_230 = arith.andi %ne3A_229, %ne3A_224 : i1
      %add3A_231 = arith.addi %rem3A_222, %select_n3A_221 : i32
      %select_n3A_232 = arith.select %and3A_230, %add3A_231, %rem3A_222 : i32
      %eq3A_233 = arith.constant 4 : i32
      %eq3A_234 = arith.cmpi eq, %select_n3A_232, %eq3A_233 : i32
      %convert_element_type3A_235 = arith.extui %eq3A_234 : i1 to i32
      %cond3A_236 = arith.constant 0 : i32
      %cond3A_237 = arith.cmpi ne, %convert_element_type3A_235, %cond3A_236 : i32
      scf.if %cond3A_237 {
        %dma_wait3A_259 = arith.constant 0 : i32
        %dma_wait3A_260 = arith.constant 4 : i32
        %dma_wait3A_261 = arith.constant 0 : i32
        %dma_wait3A_262 = arith.constant 0 : i32
        %dma_wait3A_263 = tpu.memref_slice %arg11[%dma_wait3A_260, %dma_wait3A_261, %dma_wait3A_262] : memref<6x128x64xf32, #tpu.memory_space<vmem>> -> memref<1x128x64xf32, #tpu.memory_space<vmem>>
        %dma_wait3A_264 = tpu.memref_squeeze %dma_wait3A_263 : memref<1x128x64xf32, #tpu.memory_space<vmem>> -> memref<128x64xf32, #tpu.memory_space<vmem>>
        %dma_wait3A_265 = arith.constant 0 : i32
        %dma_wait3A_266 = tpu.memref_slice %arg9[%dma_wait3A_259, %dma_wait3A_265] : memref<80x128xi32, #tpu.memory_space<vmem>> -> memref<1x128xi32, #tpu.memory_space<vmem>>
        %dma_wait3A_267 = tpu.memref_squeeze %dma_wait3A_266 : memref<1x128xi32, #tpu.memory_space<vmem>> -> memref<128xi32, #tpu.memory_space<vmem>>
        %dma_wait3A_268 = arith.constant 0 : i32
        %dma_wait3A_269 = arith.constant 0 : i32
        %dma_wait3A_270 = tpu.memref_slice %arg2[%dma_wait3A_268, %dma_wait3A_269] : memref<10000x64xf32, #tpu.memory_space<hbm>> -> memref<10000x64xf32, #tpu.memory_space<hbm>>
        tpu.wait_indirect_dma semaphore(%arg14 : memref<!tpu.dma_semaphore, #tpu.memory_space<semaphore_mem>>) src(%dma_wait3A_270 : memref<10000x64xf32, #tpu.memory_space<hbm>>) dst(%dma_wait3A_264 : memref<128x64xf32, #tpu.memory_space<vmem>>)
        %add3A_271 = arith.constant 3 : i32
        %add3A_272 = arith.addi %scan3A_137, %add3A_271 : i32
        %lt3A_273 = arith.constant 80 : i32
        %lt3A_274 = arith.cmpi slt, %add3A_272, %lt3A_273 : i32
        %convert_element_type3A_275 = arith.extui %lt3A_274 : i1 to i32
        %cond3A_276 = arith.constant 0 : i32
        %cond3A_277 = arith.cmpi ne, %convert_element_type3A_275, %cond3A_276 : i32
        scf.if %cond3A_277 {
          %ge3A = arith.constant 3 : i32
          %ge3A_289 = arith.cmpi sge, %scan3A_137, %ge3A : i32
          %convert_element_type3A_290 = arith.extui %ge3A_289 : i1 to i32
          %cond3A_291 = arith.constant 0 : i32
          %cond3A_292 = arith.cmpi ne, %convert_element_type3A_290, %cond3A_291 : i32
          scf.if %cond3A_292 {
            %dma_wait3A_306 = arith.constant 1 : i32
            %dma_wait3A_307 = arith.constant 0 : i32
            %dma_wait3A_308 = arith.constant 0 : i32
            %dma_wait3A_309 = arith.constant 0 : i32
            %dma_wait3A_310 = tpu.memref_slice %arg11[%dma_wait3A_306, %dma_wait3A_308, %dma_wait3A_309] : memref<6x128x64xf32, #tpu.memory_space<vmem>> -> memref<1x128x64xf32, #tpu.memory_space<vmem>>
            %dma_wait3A_311 = tpu.memref_squeeze %dma_wait3A_310 : memref<1x128x64xf32, #tpu.memory_space<vmem>> -> memref<128x64xf32, #tpu.memory_space<vmem>>
            %dma_wait3A_312 = arith.constant 0 : i32
            %dma_wait3A_313 = tpu.memref_slice %arg10[%dma_wait3A_307, %dma_wait3A_312] : memref<80x128xi32, #tpu.memory_space<vmem>> -> memref<1x128xi32, #tpu.memory_space<vmem>>
            %dma_wait3A_314 = tpu.memref_squeeze %dma_wait3A_313 : memref<1x128xi32, #tpu.memory_space<vmem>> -> memref<128xi32, #tpu.memory_space<vmem>>
            %dma_wait3A_315 = arith.constant 0 : i32
            %dma_wait3A_316 = arith.constant 0 : i32
            %dma_wait3A_317 = tpu.memref_slice %arg12[%dma_wait3A_315, %dma_wait3A_316] : memref<10112x64xf32, #tpu.memory_space<vmem_shared>> -> memref<10112x64xf32, #tpu.memory_space<vmem_shared>>
            tpu.wait_indirect_dma semaphore(%arg17 : memref<!tpu.dma_semaphore, #tpu.memory_space<semaphore_mem>>) src(%dma_wait3A_311 : memref<128x64xf32, #tpu.memory_space<vmem>>) dst(%dma_wait3A_317 : memref<10112x64xf32, #tpu.memory_space<vmem_shared>>)
          } else {
          }
          %add3A_293 = arith.constant 3 : i32
          %add3A_294 = arith.addi %scan3A_137, %add3A_293 : i32
          %dma_start3A_295 = arith.constant 1 : i32
          %dma_start3A_296 = arith.constant 0 : i32
          %dma_start3A_297 = arith.constant 0 : i32
          %dma_start3A_298 = tpu.memref_slice %arg11[%dma_start3A_295, %dma_start3A_296, %dma_start3A_297] : memref<6x128x64xf32, #tpu.memory_space<vmem>> -> memref<1x128x64xf32, #tpu.memory_space<vmem>>
          %dma_start3A_299 = tpu.memref_squeeze %dma_start3A_298 : memref<1x128x64xf32, #tpu.memory_space<vmem>> -> memref<128x64xf32, #tpu.memory_space<vmem>>
          %dma_start3A_300 = arith.constant 0 : i32
          %dma_start3A_301 = tpu.memref_slice %arg9[%add3A_294, %dma_start3A_300] : memref<80x128xi32, #tpu.memory_space<vmem>> -> memref<1x128xi32, #tpu.memory_space<vmem>>
          %dma_start3A_302 = tpu.memref_squeeze %dma_start3A_301 : memref<1x128xi32, #tpu.memory_space<vmem>> -> memref<128xi32, #tpu.memory_space<vmem>>
          %dma_start3A_303 = arith.constant 0 : i32
          %dma_start3A_304 = arith.constant 0 : i32
          %dma_start3A_305 = tpu.memref_slice %arg2[%dma_start3A_303, %dma_start3A_304] : memref<10000x64xf32, #tpu.memory_space<hbm>> -> memref<10000x64xf32, #tpu.memory_space<hbm>>
          tpu.enqueue_indirect_dma source(%dma_start3A_305 : memref<10000x64xf32, #tpu.memory_space<hbm>>) target(%dma_start3A_299 : memref<128x64xf32, #tpu.memory_space<vmem>>) offsets(%dma_start3A_302 : memref<128xi32, #tpu.memory_space<vmem>>) semaphore(%arg14 : memref<!tpu.dma_semaphore, #tpu.memory_space<semaphore_mem>>)
        } else {
        }
        %dma_start3A_278 = arith.constant 4 : i32
        %dma_start3A_279 = arith.constant 0 : i32
        %dma_start3A_280 = arith.constant 0 : i32
        %dma_start3A_281 = tpu.memref_slice %arg11[%dma_start3A_278, %dma_start3A_279, %dma_start3A_280] : memref<6x128x64xf32, #tpu.memory_space<vmem>> -> memref<1x128x64xf32, #tpu.memory_space<vmem>>
        %dma_start3A_282 = tpu.memref_squeeze %dma_start3A_281 : memref<1x128x64xf32, #tpu.memory_space<vmem>> -> memref<128x64xf32, #tpu.memory_space<vmem>>
        %dma_start3A_283 = arith.constant 0 : i32
        %dma_start3A_284 = tpu.memref_slice %arg10[%scan3A_137, %dma_start3A_283] : memref<80x128xi32, #tpu.memory_space<vmem>> -> memref<1x128xi32, #tpu.memory_space<vmem>>
        %dma_start3A_285 = tpu.memref_squeeze %dma_start3A_284 : memref<1x128xi32, #tpu.memory_space<vmem>> -> memref<128xi32, #tpu.memory_space<vmem>>
        %dma_start3A_286 = arith.constant 0 : i32
        %dma_start3A_287 = arith.constant 0 : i32
        %dma_start3A_288 = tpu.memref_slice %arg12[%dma_start3A_286, %dma_start3A_287] : memref<10112x64xf32, #tpu.memory_space<vmem_shared>> -> memref<10112x64xf32, #tpu.memory_space<vmem_shared>>
        tpu.enqueue_indirect_dma source(%dma_start3A_282 : memref<128x64xf32, #tpu.memory_space<vmem>>) target(%dma_start3A_288 : memref<10112x64xf32, #tpu.memory_space<vmem_shared>>) offsets(%dma_start3A_285 : memref<128xi32, #tpu.memory_space<vmem>>) semaphore(%arg17 : memref<!tpu.dma_semaphore, #tpu.memory_space<semaphore_mem>>) {add = true}
      } else {
      }
      %jit3A_238 = arith.constant 6 : i32
      %eq3A_239 = arith.constant 0 : i32
      %eq3A_240 = arith.cmpi eq, %jit3A_238, %eq3A_239 : i32
      %jit3A_241 = arith.constant 1 : i32
      %select_n3A_242 = arith.select %eq3A_240, %jit3A_241, %jit3A_238 : i32
      %rem3A_243 = arith.remsi %scan3A_137, %select_n3A_242 : i32
      %ne3A_244 = arith.constant 0 : i32
      %ne3A_245 = arith.cmpi ne, %rem3A_243, %ne3A_244 : i32
      %lt3A_246 = arith.constant 0 : i32
      %lt3A_247 = arith.cmpi slt, %rem3A_243, %lt3A_246 : i32
      %lt3A_248 = arith.constant 0 : i32
      %lt3A_249 = arith.cmpi slt, %select_n3A_242, %lt3A_248 : i32
      %ne3A_250 = arith.xori %lt3A_247, %lt3A_249 : i1
      %and3A_251 = arith.andi %ne3A_250, %ne3A_245 : i1
      %add3A_252 = arith.addi %rem3A_243, %select_n3A_242 : i32
      %select_n3A_253 = arith.select %and3A_251, %add3A_252, %rem3A_243 : i32
      %eq3A_254 = arith.constant 5 : i32
      %eq3A_255 = arith.cmpi eq, %select_n3A_253, %eq3A_254 : i32
      %convert_element_type3A_256 = arith.extui %eq3A_255 : i1 to i32
      %cond3A_257 = arith.constant 0 : i32
      %cond3A_258 = arith.cmpi ne, %convert_element_type3A_256, %cond3A_257 : i32
      scf.if %cond3A_258 {
        %dma_wait3A_259 = arith.constant 0 : i32
        %dma_wait3A_260 = arith.constant 5 : i32
        %dma_wait3A_261 = arith.constant 0 : i32
        %dma_wait3A_262 = arith.constant 0 : i32
        %dma_wait3A_263 = tpu.memref_slice %arg11[%dma_wait3A_260, %dma_wait3A_261, %dma_wait3A_262] : memref<6x128x64xf32, #tpu.memory_space<vmem>> -> memref<1x128x64xf32, #tpu.memory_space<vmem>>
        %dma_wait3A_264 = tpu.memref_squeeze %dma_wait3A_263 : memref<1x128x64xf32, #tpu.memory_space<vmem>> -> memref<128x64xf32, #tpu.memory_space<vmem>>
        %dma_wait3A_265 = arith.constant 0 : i32
        %dma_wait3A_266 = tpu.memref_slice %arg9[%dma_wait3A_259, %dma_wait3A_265] : memref<80x128xi32, #tpu.memory_space<vmem>> -> memref<1x128xi32, #tpu.memory_space<vmem>>
        %dma_wait3A_267 = tpu.memref_squeeze %dma_wait3A_266 : memref<1x128xi32, #tpu.memory_space<vmem>> -> memref<128xi32, #tpu.memory_space<vmem>>
        %dma_wait3A_268 = arith.constant 0 : i32
        %dma_wait3A_269 = arith.constant 0 : i32
        %dma_wait3A_270 = tpu.memref_slice %arg2[%dma_wait3A_268, %dma_wait3A_269] : memref<10000x64xf32, #tpu.memory_space<hbm>> -> memref<10000x64xf32, #tpu.memory_space<hbm>>
        tpu.wait_indirect_dma semaphore(%arg15 : memref<!tpu.dma_semaphore, #tpu.memory_space<semaphore_mem>>) src(%dma_wait3A_270 : memref<10000x64xf32, #tpu.memory_space<hbm>>) dst(%dma_wait3A_264 : memref<128x64xf32, #tpu.memory_space<vmem>>)
        %add3A_271 = arith.constant 3 : i32
        %add3A_272 = arith.addi %scan3A_137, %add3A_271 : i32
        %lt3A_273 = arith.constant 80 : i32
        %lt3A_274 = arith.cmpi slt, %add3A_272, %lt3A_273 : i32
        %convert_element_type3A_275 = arith.extui %lt3A_274 : i1 to i32
        %cond3A_276 = arith.constant 0 : i32
        %cond3A_277 = arith.cmpi ne, %convert_element_type3A_275, %cond3A_276 : i32
        scf.if %cond3A_277 {
          %ge3A = arith.constant 3 : i32
          %ge3A_289 = arith.cmpi sge, %scan3A_137, %ge3A : i32
          %convert_element_type3A_290 = arith.extui %ge3A_289 : i1 to i32
          %cond3A_291 = arith.constant 0 : i32
          %cond3A_292 = arith.cmpi ne, %convert_element_type3A_290, %cond3A_291 : i32
          scf.if %cond3A_292 {
            %dma_wait3A_306 = arith.constant 2 : i32
            %dma_wait3A_307 = arith.constant 0 : i32
            %dma_wait3A_308 = arith.constant 0 : i32
            %dma_wait3A_309 = arith.constant 0 : i32
            %dma_wait3A_310 = tpu.memref_slice %arg11[%dma_wait3A_306, %dma_wait3A_308, %dma_wait3A_309] : memref<6x128x64xf32, #tpu.memory_space<vmem>> -> memref<1x128x64xf32, #tpu.memory_space<vmem>>
            %dma_wait3A_311 = tpu.memref_squeeze %dma_wait3A_310 : memref<1x128x64xf32, #tpu.memory_space<vmem>> -> memref<128x64xf32, #tpu.memory_space<vmem>>
            %dma_wait3A_312 = arith.constant 0 : i32
            %dma_wait3A_313 = tpu.memref_slice %arg10[%dma_wait3A_307, %dma_wait3A_312] : memref<80x128xi32, #tpu.memory_space<vmem>> -> memref<1x128xi32, #tpu.memory_space<vmem>>
            %dma_wait3A_314 = tpu.memref_squeeze %dma_wait3A_313 : memref<1x128xi32, #tpu.memory_space<vmem>> -> memref<128xi32, #tpu.memory_space<vmem>>
            %dma_wait3A_315 = arith.constant 0 : i32
            %dma_wait3A_316 = arith.constant 0 : i32
            %dma_wait3A_317 = tpu.memref_slice %arg12[%dma_wait3A_315, %dma_wait3A_316] : memref<10112x64xf32, #tpu.memory_space<vmem_shared>> -> memref<10112x64xf32, #tpu.memory_space<vmem_shared>>
            tpu.wait_indirect_dma semaphore(%arg18 : memref<!tpu.dma_semaphore, #tpu.memory_space<semaphore_mem>>) src(%dma_wait3A_311 : memref<128x64xf32, #tpu.memory_space<vmem>>) dst(%dma_wait3A_317 : memref<10112x64xf32, #tpu.memory_space<vmem_shared>>)
          } else {
          }
          %add3A_293 = arith.constant 3 : i32
          %add3A_294 = arith.addi %scan3A_137, %add3A_293 : i32
          %dma_start3A_295 = arith.constant 2 : i32
          %dma_start3A_296 = arith.constant 0 : i32
          %dma_start3A_297 = arith.constant 0 : i32
          %dma_start3A_298 = tpu.memref_slice %arg11[%dma_start3A_295, %dma_start3A_296, %dma_start3A_297] : memref<6x128x64xf32, #tpu.memory_space<vmem>> -> memref<1x128x64xf32, #tpu.memory_space<vmem>>
          %dma_start3A_299 = tpu.memref_squeeze %dma_start3A_298 : memref<1x128x64xf32, #tpu.memory_space<vmem>> -> memref<128x64xf32, #tpu.memory_space<vmem>>
          %dma_start3A_300 = arith.constant 0 : i32
          %dma_start3A_301 = tpu.memref_slice %arg9[%add3A_294, %dma_start3A_300] : memref<80x128xi32, #tpu.memory_space<vmem>> -> memref<1x128xi32, #tpu.memory_space<vmem>>
          %dma_start3A_302 = tpu.memref_squeeze %dma_start3A_301 : memref<1x128xi32, #tpu.memory_space<vmem>> -> memref<128xi32, #tpu.memory_space<vmem>>
          %dma_start3A_303 = arith.constant 0 : i32
          %dma_start3A_304 = arith.constant 0 : i32
          %dma_start3A_305 = tpu.memref_slice %arg2[%dma_start3A_303, %dma_start3A_304] : memref<10000x64xf32, #tpu.memory_space<hbm>> -> memref<10000x64xf32, #tpu.memory_space<hbm>>
          tpu.enqueue_indirect_dma source(%dma_start3A_305 : memref<10000x64xf32, #tpu.memory_space<hbm>>) target(%dma_start3A_299 : memref<128x64xf32, #tpu.memory_space<vmem>>) offsets(%dma_start3A_302 : memref<128xi32, #tpu.memory_space<vmem>>) semaphore(%arg15 : memref<!tpu.dma_semaphore, #tpu.memory_space<semaphore_mem>>)
        } else {
        }
        %dma_start3A_278 = arith.constant 5 : i32
        %dma_start3A_279 = arith.constant 0 : i32
        %dma_start3A_280 = arith.constant 0 : i32
        %dma_start3A_281 = tpu.memref_slice %arg11[%dma_start3A_278, %dma_start3A_279, %dma_start3A_280] : memref<6x128x64xf32, #tpu.memory_space<vmem>> -> memref<1x128x64xf32, #tpu.memory_space<vmem>>
        %dma_start3A_282 = tpu.memref_squeeze %dma_start3A_281 : memref<1x128x64xf32, #tpu.memory_space<vmem>> -> memref<128x64xf32, #tpu.memory_space<vmem>>
        %dma_start3A_283 = arith.constant 0 : i32
        %dma_start3A_284 = tpu.memref_slice %arg10[%scan3A_137, %dma_start3A_283] : memref<80x128xi32, #tpu.memory_space<vmem>> -> memref<1x128xi32, #tpu.memory_space<vmem>>
        %dma_start3A_285 = tpu.memref_squeeze %dma_start3A_284 : memref<1x128xi32, #tpu.memory_space<vmem>> -> memref<128xi32, #tpu.memory_space<vmem>>
        %dma_start3A_286 = arith.constant 0 : i32
        %dma_start3A_287 = arith.constant 0 : i32
        %dma_start3A_288 = tpu.memref_slice %arg12[%dma_start3A_286, %dma_start3A_287] : memref<10112x64xf32, #tpu.memory_space<vmem_shared>> -> memref<10112x64xf32, #tpu.memory_space<vmem_shared>>
        tpu.enqueue_indirect_dma source(%dma_start3A_282 : memref<128x64xf32, #tpu.memory_space<vmem>>) target(%dma_start3A_288 : memref<10112x64xf32, #tpu.memory_space<vmem_shared>>) offsets(%dma_start3A_285 : memref<128xi32, #tpu.memory_space<vmem>>) semaphore(%arg18 : memref<!tpu.dma_semaphore, #tpu.memory_space<semaphore_mem>>) {add = true}
      } else {
      }
    }
    %scan3A_58 = arith.constant 80 : i32
    %dma_wait3A = arith.constant 0 : i32
    %dma_wait3A_59 = arith.constant 0 : i32
    %dma_wait3A_60 = arith.constant 0 : i32
    %dma_wait3A_61 = arith.constant 0 : i32
    %dma_wait3A_62 = tpu.memref_slice %arg11[%dma_wait3A, %dma_wait3A_60, %dma_wait3A_61] : memref<6x128x64xf32, #tpu.memory_space<vmem>> -> memref<1x128x64xf32, #tpu.memory_space<vmem>>
    %dma_wait3A_63 = tpu.memref_squeeze %dma_wait3A_62 : memref<1x128x64xf32, #tpu.memory_space<vmem>> -> memref<128x64xf32, #tpu.memory_space<vmem>>
    %dma_wait3A_64 = arith.constant 0 : i32
    %dma_wait3A_65 = tpu.memref_slice %arg10[%dma_wait3A_59, %dma_wait3A_64] : memref<80x128xi32, #tpu.memory_space<vmem>> -> memref<1x128xi32, #tpu.memory_space<vmem>>
    %dma_wait3A_66 = tpu.memref_squeeze %dma_wait3A_65 : memref<1x128xi32, #tpu.memory_space<vmem>> -> memref<128xi32, #tpu.memory_space<vmem>>
    %dma_wait3A_67 = arith.constant 0 : i32
    %dma_wait3A_68 = arith.constant 0 : i32
    %dma_wait3A_69 = tpu.memref_slice %arg12[%dma_wait3A_67, %dma_wait3A_68] : memref<10112x64xf32, #tpu.memory_space<vmem_shared>> -> memref<10112x64xf32, #tpu.memory_space<vmem_shared>>
    tpu.wait_indirect_dma semaphore(%arg16 : memref<!tpu.dma_semaphore, #tpu.memory_space<semaphore_mem>>) src(%dma_wait3A_63 : memref<128x64xf32, #tpu.memory_space<vmem>>) dst(%dma_wait3A_69 : memref<10112x64xf32, #tpu.memory_space<vmem_shared>>)
    %dma_wait3A_70 = arith.constant 0 : i32
    %dma_wait3A_71 = arith.constant 0 : i32
    %dma_wait3A_72 = arith.constant 0 : i32
    %dma_wait3A_73 = arith.constant 0 : i32
    %dma_wait3A_74 = tpu.memref_slice %arg11[%dma_wait3A_70, %dma_wait3A_72, %dma_wait3A_73] : memref<6x128x64xf32, #tpu.memory_space<vmem>> -> memref<1x128x64xf32, #tpu.memory_space<vmem>>
    %dma_wait3A_75 = tpu.memref_squeeze %dma_wait3A_74 : memref<1x128x64xf32, #tpu.memory_space<vmem>> -> memref<128x64xf32, #tpu.memory_space<vmem>>
    %dma_wait3A_76 = arith.constant 0 : i32
    %dma_wait3A_77 = tpu.memref_slice %arg10[%dma_wait3A_71, %dma_wait3A_76] : memref<80x128xi32, #tpu.memory_space<vmem>> -> memref<1x128xi32, #tpu.memory_space<vmem>>
    %dma_wait3A_78 = tpu.memref_squeeze %dma_wait3A_77 : memref<1x128xi32, #tpu.memory_space<vmem>> -> memref<128xi32, #tpu.memory_space<vmem>>
    %dma_wait3A_79 = arith.constant 0 : i32
    %dma_wait3A_80 = arith.constant 0 : i32
    %dma_wait3A_81 = tpu.memref_slice %arg12[%dma_wait3A_79, %dma_wait3A_80] : memref<10112x64xf32, #tpu.memory_space<vmem_shared>> -> memref<10112x64xf32, #tpu.memory_space<vmem_shared>>
    tpu.wait_indirect_dma semaphore(%arg16 : memref<!tpu.dma_semaphore, #tpu.memory_space<semaphore_mem>>) src(%dma_wait3A_75 : memref<128x64xf32, #tpu.memory_space<vmem>>) dst(%dma_wait3A_81 : memref<10112x64xf32, #tpu.memory_space<vmem_shared>>)
    %dma_wait3A_82 = arith.constant 0 : i32
    %dma_wait3A_83 = arith.constant 0 : i32
    %dma_wait3A_84 = arith.constant 0 : i32
    %dma_wait3A_85 = arith.constant 0 : i32
    %dma_wait3A_86 = tpu.memref_slice %arg11[%dma_wait3A_82, %dma_wait3A_84, %dma_wait3A_85] : memref<6x128x64xf32, #tpu.memory_space<vmem>> -> memref<1x128x64xf32, #tpu.memory_space<vmem>>
    %dma_wait3A_87 = tpu.memref_squeeze %dma_wait3A_86 : memref<1x128x64xf32, #tpu.memory_space<vmem>> -> memref<128x64xf32, #tpu.memory_space<vmem>>
    %dma_wait3A_88 = arith.constant 0 : i32
    %dma_wait3A_89 = tpu.memref_slice %arg10[%dma_wait3A_83, %dma_wait3A_88] : memref<80x128xi32, #tpu.memory_space<vmem>> -> memref<1x128xi32, #tpu.memory_space<vmem>>
    %dma_wait3A_90 = tpu.memref_squeeze %dma_wait3A_89 : memref<1x128xi32, #tpu.memory_space<vmem>> -> memref<128xi32, #tpu.memory_space<vmem>>
    %dma_wait3A_91 = arith.constant 0 : i32
    %dma_wait3A_92 = arith.constant 0 : i32
    %dma_wait3A_93 = tpu.memref_slice %arg12[%dma_wait3A_91, %dma_wait3A_92] : memref<10112x64xf32, #tpu.memory_space<vmem_shared>> -> memref<10112x64xf32, #tpu.memory_space<vmem_shared>>
    tpu.wait_indirect_dma semaphore(%arg17 : memref<!tpu.dma_semaphore, #tpu.memory_space<semaphore_mem>>) src(%dma_wait3A_87 : memref<128x64xf32, #tpu.memory_space<vmem>>) dst(%dma_wait3A_93 : memref<10112x64xf32, #tpu.memory_space<vmem_shared>>)
    %dma_wait3A_94 = arith.constant 0 : i32
    %dma_wait3A_95 = arith.constant 0 : i32
    %dma_wait3A_96 = arith.constant 0 : i32
    %dma_wait3A_97 = arith.constant 0 : i32
    %dma_wait3A_98 = tpu.memref_slice %arg11[%dma_wait3A_94, %dma_wait3A_96, %dma_wait3A_97] : memref<6x128x64xf32, #tpu.memory_space<vmem>> -> memref<1x128x64xf32, #tpu.memory_space<vmem>>
    %dma_wait3A_99 = tpu.memref_squeeze %dma_wait3A_98 : memref<1x128x64xf32, #tpu.memory_space<vmem>> -> memref<128x64xf32, #tpu.memory_space<vmem>>
    %dma_wait3A_100 = arith.constant 0 : i32
    %dma_wait3A_101 = tpu.memref_slice %arg10[%dma_wait3A_95, %dma_wait3A_100] : memref<80x128xi32, #tpu.memory_space<vmem>> -> memref<1x128xi32, #tpu.memory_space<vmem>>
    %dma_wait3A_102 = tpu.memref_squeeze %dma_wait3A_101 : memref<1x128xi32, #tpu.memory_space<vmem>> -> memref<128xi32, #tpu.memory_space<vmem>>
    %dma_wait3A_103 = arith.constant 0 : i32
    %dma_wait3A_104 = arith.constant 0 : i32
    %dma_wait3A_105 = tpu.memref_slice %arg12[%dma_wait3A_103, %dma_wait3A_104] : memref<10112x64xf32, #tpu.memory_space<vmem_shared>> -> memref<10112x64xf32, #tpu.memory_space<vmem_shared>>
    tpu.wait_indirect_dma semaphore(%arg17 : memref<!tpu.dma_semaphore, #tpu.memory_space<semaphore_mem>>) src(%dma_wait3A_99 : memref<128x64xf32, #tpu.memory_space<vmem>>) dst(%dma_wait3A_105 : memref<10112x64xf32, #tpu.memory_space<vmem_shared>>)
    %dma_wait3A_106 = arith.constant 0 : i32
    %dma_wait3A_107 = arith.constant 0 : i32
    %dma_wait3A_108 = arith.constant 0 : i32
    %dma_wait3A_109 = arith.constant 0 : i32
    %dma_wait3A_110 = tpu.memref_slice %arg11[%dma_wait3A_106, %dma_wait3A_108, %dma_wait3A_109] : memref<6x128x64xf32, #tpu.memory_space<vmem>> -> memref<1x128x64xf32, #tpu.memory_space<vmem>>
    %dma_wait3A_111 = tpu.memref_squeeze %dma_wait3A_110 : memref<1x128x64xf32, #tpu.memory_space<vmem>> -> memref<128x64xf32, #tpu.memory_space<vmem>>
    %dma_wait3A_112 = arith.constant 0 : i32
    %dma_wait3A_113 = tpu.memref_slice %arg10[%dma_wait3A_107, %dma_wait3A_112] : memref<80x128xi32, #tpu.memory_space<vmem>> -> memref<1x128xi32, #tpu.memory_space<vmem>>
    %dma_wait3A_114 = tpu.memref_squeeze %dma_wait3A_113 : memref<1x128xi32, #tpu.memory_space<vmem>> -> memref<128xi32, #tpu.memory_space<vmem>>
    %dma_wait3A_115 = arith.constant 0 : i32
    %dma_wait3A_116 = arith.constant 0 : i32
    %dma_wait3A_117 = tpu.memref_slice %arg12[%dma_wait3A_115, %dma_wait3A_116] : memref<10112x64xf32, #tpu.memory_space<vmem_shared>> -> memref<10112x64xf32, #tpu.memory_space<vmem_shared>>
    tpu.wait_indirect_dma semaphore(%arg18 : memref<!tpu.dma_semaphore, #tpu.memory_space<semaphore_mem>>) src(%dma_wait3A_111 : memref<128x64xf32, #tpu.memory_space<vmem>>) dst(%dma_wait3A_117 : memref<10112x64xf32, #tpu.memory_space<vmem_shared>>)
    %dma_wait3A_118 = arith.constant 0 : i32
    %dma_wait3A_119 = arith.constant 0 : i32
    %dma_wait3A_120 = arith.constant 0 : i32
    %dma_wait3A_121 = arith.constant 0 : i32
    %dma_wait3A_122 = tpu.memref_slice %arg11[%dma_wait3A_118, %dma_wait3A_120, %dma_wait3A_121] : memref<6x128x64xf32, #tpu.memory_space<vmem>> -> memref<1x128x64xf32, #tpu.memory_space<vmem>>
    %dma_wait3A_123 = tpu.memref_squeeze %dma_wait3A_122 : memref<1x128x64xf32, #tpu.memory_space<vmem>> -> memref<128x64xf32, #tpu.memory_space<vmem>>
    %dma_wait3A_124 = arith.constant 0 : i32
    %dma_wait3A_125 = tpu.memref_slice %arg10[%dma_wait3A_119, %dma_wait3A_124] : memref<80x128xi32, #tpu.memory_space<vmem>> -> memref<1x128xi32, #tpu.memory_space<vmem>>
    %dma_wait3A_126 = tpu.memref_squeeze %dma_wait3A_125 : memref<1x128xi32, #tpu.memory_space<vmem>> -> memref<128xi32, #tpu.memory_space<vmem>>
    %dma_wait3A_127 = arith.constant 0 : i32
    %dma_wait3A_128 = arith.constant 0 : i32
    %dma_wait3A_129 = tpu.memref_slice %arg12[%dma_wait3A_127, %dma_wait3A_128] : memref<10112x64xf32, #tpu.memory_space<vmem_shared>> -> memref<10112x64xf32, #tpu.memory_space<vmem_shared>>
    tpu.wait_indirect_dma semaphore(%arg18 : memref<!tpu.dma_semaphore, #tpu.memory_space<semaphore_mem>>) src(%dma_wait3A_123 : memref<128x64xf32, #tpu.memory_space<vmem>>) dst(%dma_wait3A_129 : memref<10112x64xf32, #tpu.memory_space<vmem_shared>>)
    %barrier3A_130 = arith.constant 0 : index
    tpu.barrier barrier_id(%barrier3A_130)
    %mul3A_131 = arith.constant 632 : i32
    %mul3A_132 = arith.muli %arg1, %mul3A_131 : i32
    %mul3A_133 = arith.constant 632 : i32
    %mul3A_134 = arith.muli %arg1, %mul3A_133 : i32
    %mul3A_135 = arith.constant 64 : i32
    %mul3A_136 = arith.muli %arg0, %mul3A_135 : i32
    "tpu.region"() ({
      %run_scoped3A = tpu.sem_alloc : memref<!tpu.dma_semaphore, #tpu.memory_space<semaphore_mem>>
      %dma_start3A_137 = tpu.memref_slice %arg8[%mul3A_134, %mul3A_136] : memref<10112x128xf32, #tpu.memory_space<hbm>> -> memref<632x64xf32, #tpu.memory_space<hbm>>
      %dma_start3A_138 = arith.constant 0 : i32
      %dma_start3A_139 = tpu.memref_slice %arg12[%mul3A_132, %dma_start3A_138] : memref<10112x64xf32, #tpu.memory_space<vmem_shared>> -> memref<632x64xf32, #tpu.memory_space<vmem_shared>>
      tpu.enqueue_dma source(%dma_start3A_139 : memref<632x64xf32, #tpu.memory_space<vmem_shared>>) target(%dma_start3A_137 : memref<632x64xf32, #tpu.memory_space<hbm>>) target_semaphore(%run_scoped3A : memref<!tpu.dma_semaphore, #tpu.memory_space<semaphore_mem>>)
      %dma_wait3A_140 = tpu.memref_slice %arg8[%mul3A_134, %mul3A_136] : memref<10112x128xf32, #tpu.memory_space<hbm>> -> memref<632x64xf32, #tpu.memory_space<hbm>>
      %dma_wait3A_141 = arith.constant 0 : i32
      %dma_wait3A_142 = tpu.memref_slice %arg12[%mul3A_132, %dma_wait3A_141] : memref<10112x64xf32, #tpu.memory_space<vmem_shared>> -> memref<632x64xf32, #tpu.memory_space<vmem_shared>>
      tpu.wait_dma2 semaphore(%run_scoped3A : memref<!tpu.dma_semaphore, #tpu.memory_space<semaphore_mem>>) src(%dma_wait3A_142 : memref<632x64xf32, #tpu.memory_space<vmem_shared>>) dst(%dma_wait3A_140 : memref<632x64xf32, #tpu.memory_space<hbm>>)
      tpu.yield
    }) : () -> ()
    return
  }
}

#map = affine_map<(d0, d1) -> (0, 0)>
#map1 = affine_map<(d0, d1) -> (0, 0, 0)>
module attributes {stable_mosaic.version = 14 : i64} {
  func.func @deg_kernel(%arg0: i32, %arg1: i32, %arg2: memref<2500x128xi32, #tpu.memory_space<hbm>>, %arg3: memref<64x128xi32, #tpu.memory_space<hbm>>, %arg4: memref<128x8xf32, #tpu.memory_space<hbm>>, %arg5: memref<632x8xf32, #tpu.memory_space<hbm>>, %arg6: memref<2x10112x8xf32, #tpu.memory_space<hbm>>, %arg7: memref<80x128xi32, #tpu.memory_space<vmem>>, %arg8: memref<128x8xf32, #tpu.memory_space<vmem>>, %arg9: memref<10112x8xf32, #tpu.memory_space<vmem_shared>>, %arg10: memref<!tpu.dma_semaphore, #tpu.memory_space<semaphore_mem>>, %arg11: memref<!tpu.dma_semaphore, #tpu.memory_space<semaphore_mem>>) attributes {dimension_semantics = [#tpu.dimension_semantics<core_parallel>, #tpu.dimension_semantics<subcore_parallel>], iteration_bounds = array<i64: 2, 16>, scalar_prefetch = 0 : i64, scratch_operands = 5 : i64, tpu.core_type = #tpu.core_type<sc_vector_subcore>, window_params = [{transform_indices = #map}, {transform_indices = #map}, {transform_indices = #map}, {transform_indices = #map}, {transform_indices = #map1}]} {
    %mul3A = arith.constant 16 : i32
    %mul3A_0 = arith.muli %arg0, %mul3A : i32
    %add3A = arith.addi %mul3A_0, %arg1 : i32
    %lt3A = arith.constant 31 : i32
    %lt3A_1 = arith.cmpi slt, %add3A, %lt3A : i32
    %convert_element_type3A = arith.extui %lt3A_1 : i1 to i32
    %cond3A = arith.constant 0 : i32
    %cond3A_2 = arith.cmpi ne, %convert_element_type3A, %cond3A : i32
    scf.if %cond3A_2 {
      %mul3A_32 = arith.constant 80 : i32
      %mul3A_33 = arith.muli %mul3A_32, %add3A : i32
      "tpu.region"() ({
        %run_scoped3A = tpu.sem_alloc : memref<!tpu.dma_semaphore, #tpu.memory_space<semaphore_mem>>
        %dma_start3A = arith.constant 0 : i32
        %dma_start3A_34 = tpu.memref_slice %arg2[%mul3A_33, %dma_start3A] : memref<2500x128xi32, #tpu.memory_space<hbm>> -> memref<80x128xi32, #tpu.memory_space<hbm>>
        %dma_start3A_35 = arith.constant 0 : i32
        %dma_start3A_36 = tpu.memref_slice %arg2[%mul3A_33, %dma_start3A_35] : memref<2500x128xi32, #tpu.memory_space<hbm>> -> memref<80x128xi32, #tpu.memory_space<hbm>>
        tpu.enqueue_dma source(%dma_start3A_36 : memref<80x128xi32, #tpu.memory_space<hbm>>) target(%arg7 : memref<80x128xi32, #tpu.memory_space<vmem>>) target_semaphore(%run_scoped3A : memref<!tpu.dma_semaphore, #tpu.memory_space<semaphore_mem>>)
        %dma_wait3A_37 = arith.constant 0 : i32
        %dma_wait3A_38 = tpu.memref_slice %arg2[%mul3A_33, %dma_wait3A_37] : memref<2500x128xi32, #tpu.memory_space<hbm>> -> memref<80x128xi32, #tpu.memory_space<hbm>>
        %dma_wait3A_39 = arith.constant 0 : i32
        %dma_wait3A_40 = tpu.memref_slice %arg2[%mul3A_33, %dma_wait3A_39] : memref<2500x128xi32, #tpu.memory_space<hbm>> -> memref<80x128xi32, #tpu.memory_space<hbm>>
        tpu.wait_dma2 semaphore(%run_scoped3A : memref<!tpu.dma_semaphore, #tpu.memory_space<semaphore_mem>>) src(%dma_wait3A_40 : memref<80x128xi32, #tpu.memory_space<hbm>>) dst(%arg7 : memref<80x128xi32, #tpu.memory_space<vmem>>)
        tpu.yield
      }) : () -> ()
    } else {
    }
    %eq3A = arith.constant 31 : i32
    %eq3A_3 = arith.cmpi eq, %add3A, %eq3A : i32
    %convert_element_type3A_4 = arith.extui %eq3A_3 : i1 to i32
    %cond3A_5 = arith.constant 0 : i32
    %cond3A_6 = arith.cmpi ne, %convert_element_type3A_4, %cond3A_5 : i32
    scf.if %cond3A_6 {
      "tpu.region"() ({
        %run_scoped3A = tpu.sem_alloc : memref<!tpu.dma_semaphore, #tpu.memory_space<semaphore_mem>>
        %dma_start3A = arith.constant 16 : i32
        %dma_start3A_32 = arith.constant 0 : i32
        %dma_start3A_33 = tpu.memref_slice %arg7[%dma_start3A, %dma_start3A_32] : memref<80x128xi32, #tpu.memory_space<vmem>> -> memref<64x128xi32, #tpu.memory_space<vmem>>
        %dma_start3A_34 = arith.constant 16 : i32
        %dma_start3A_35 = arith.constant 0 : i32
        %dma_start3A_36 = tpu.memref_slice %arg7[%dma_start3A_34, %dma_start3A_35] : memref<80x128xi32, #tpu.memory_space<vmem>> -> memref<64x128xi32, #tpu.memory_space<vmem>>
        tpu.enqueue_dma source(%arg3 : memref<64x128xi32, #tpu.memory_space<hbm>>) target(%dma_start3A_36 : memref<64x128xi32, #tpu.memory_space<vmem>>) target_semaphore(%run_scoped3A : memref<!tpu.dma_semaphore, #tpu.memory_space<semaphore_mem>>)
        %dma_wait3A_37 = arith.constant 16 : i32
        %dma_wait3A_38 = arith.constant 0 : i32
        %dma_wait3A_39 = tpu.memref_slice %arg7[%dma_wait3A_37, %dma_wait3A_38] : memref<80x128xi32, #tpu.memory_space<vmem>> -> memref<64x128xi32, #tpu.memory_space<vmem>>
        %dma_wait3A_40 = arith.constant 16 : i32
        %dma_wait3A_41 = arith.constant 0 : i32
        %dma_wait3A_42 = tpu.memref_slice %arg7[%dma_wait3A_40, %dma_wait3A_41] : memref<80x128xi32, #tpu.memory_space<vmem>> -> memref<64x128xi32, #tpu.memory_space<vmem>>
        tpu.wait_dma2 semaphore(%run_scoped3A : memref<!tpu.dma_semaphore, #tpu.memory_space<semaphore_mem>>) src(%arg3 : memref<64x128xi32, #tpu.memory_space<hbm>>) dst(%dma_wait3A_42 : memref<64x128xi32, #tpu.memory_space<vmem>>)
        tpu.yield
      }) : () -> ()
      "tpu.region"() ({
        %run_scoped3A = tpu.sem_alloc : memref<!tpu.dma_semaphore, #tpu.memory_space<semaphore_mem>>
        %dma_start3A = arith.constant 0 : i32
        %dma_start3A_32 = arith.constant 0 : i32
        %dma_start3A_33 = tpu.memref_slice %arg7[%dma_start3A, %dma_start3A_32] : memref<80x128xi32, #tpu.memory_space<vmem>> -> memref<20x128xi32, #tpu.memory_space<vmem>>
        %dma_start3A_34 = arith.constant 2480 : i32
        %dma_start3A_35 = arith.constant 0 : i32
        %dma_start3A_36 = tpu.memref_slice %arg2[%dma_start3A_34, %dma_start3A_35] : memref<2500x128xi32, #tpu.memory_space<hbm>> -> memref<20x128xi32, #tpu.memory_space<hbm>>
        %dma_start3A_37 = arith.constant 0 : i32
        %dma_start3A_38 = arith.constant 0 : i32
        %dma_start3A_39 = tpu.memref_slice %arg7[%dma_start3A_37, %dma_start3A_38] : memref<80x128xi32, #tpu.memory_space<vmem>> -> memref<20x128xi32, #tpu.memory_space<vmem>>
        %dma_start3A_40 = arith.constant 2480 : i32
        %dma_start3A_41 = arith.constant 0 : i32
        %dma_start3A_42 = tpu.memref_slice %arg2[%dma_start3A_40, %dma_start3A_41] : memref<2500x128xi32, #tpu.memory_space<hbm>> -> memref<20x128xi32, #tpu.memory_space<hbm>>
        tpu.enqueue_dma source(%dma_start3A_42 : memref<20x128xi32, #tpu.memory_space<hbm>>) target(%dma_start3A_39 : memref<20x128xi32, #tpu.memory_space<vmem>>) target_semaphore(%run_scoped3A : memref<!tpu.dma_semaphore, #tpu.memory_space<semaphore_mem>>)
        %dma_wait3A_43 = arith.constant 0 : i32
        %dma_wait3A_44 = arith.constant 0 : i32
        %dma_wait3A_45 = tpu.memref_slice %arg7[%dma_wait3A_43, %dma_wait3A_44] : memref<80x128xi32, #tpu.memory_space<vmem>> -> memref<20x128xi32, #tpu.memory_space<vmem>>
        %dma_wait3A_46 = arith.constant 2480 : i32
        %dma_wait3A_47 = arith.constant 0 : i32
        %dma_wait3A_48 = tpu.memref_slice %arg2[%dma_wait3A_46, %dma_wait3A_47] : memref<2500x128xi32, #tpu.memory_space<hbm>> -> memref<20x128xi32, #tpu.memory_space<hbm>>
        %dma_wait3A_49 = arith.constant 0 : i32
        %dma_wait3A_50 = arith.constant 0 : i32
        %dma_wait3A_51 = tpu.memref_slice %arg7[%dma_wait3A_49, %dma_wait3A_50] : memref<80x128xi32, #tpu.memory_space<vmem>> -> memref<20x128xi32, #tpu.memory_space<vmem>>
        %dma_wait3A_52 = arith.constant 2480 : i32
        %dma_wait3A_53 = arith.constant 0 : i32
        %dma_wait3A_54 = tpu.memref_slice %arg2[%dma_wait3A_52, %dma_wait3A_53] : memref<2500x128xi32, #tpu.memory_space<hbm>> -> memref<20x128xi32, #tpu.memory_space<hbm>>
        tpu.wait_dma2 semaphore(%run_scoped3A : memref<!tpu.dma_semaphore, #tpu.memory_space<semaphore_mem>>) src(%dma_wait3A_54 : memref<20x128xi32, #tpu.memory_space<hbm>>) dst(%dma_wait3A_51 : memref<20x128xi32, #tpu.memory_space<vmem>>)
        tpu.yield
      }) : () -> ()
    } else {
    }
    "tpu.region"() ({
      %run_scoped3A = tpu.sem_alloc : memref<!tpu.dma_semaphore, #tpu.memory_space<semaphore_mem>>
      tpu.enqueue_dma source(%arg4 : memref<128x8xf32, #tpu.memory_space<hbm>>) target(%arg8 : memref<128x8xf32, #tpu.memory_space<vmem>>) target_semaphore(%run_scoped3A : memref<!tpu.dma_semaphore, #tpu.memory_space<semaphore_mem>>)
      tpu.wait_dma2 semaphore(%run_scoped3A : memref<!tpu.dma_semaphore, #tpu.memory_space<semaphore_mem>>) src(%arg4 : memref<128x8xf32, #tpu.memory_space<hbm>>) dst(%arg8 : memref<128x8xf32, #tpu.memory_space<vmem>>)
      tpu.yield
    }) : () -> ()
    %mul3A_7 = arith.constant 632 : i32
    %mul3A_8 = arith.muli %arg1, %mul3A_7 : i32
    "tpu.region"() ({
      %run_scoped3A = tpu.sem_alloc : memref<!tpu.dma_semaphore, #tpu.memory_space<semaphore_mem>>
      %dma_start3A = arith.constant 0 : i32
      %dma_start3A_32 = tpu.memref_slice %arg9[%mul3A_8, %dma_start3A] : memref<10112x8xf32, #tpu.memory_space<vmem_shared>> -> memref<632x8xf32, #tpu.memory_space<vmem_shared>>
      tpu.enqueue_dma source(%arg5 : memref<632x8xf32, #tpu.memory_space<hbm>>) target(%dma_start3A_32 : memref<632x8xf32, #tpu.memory_space<vmem_shared>>) target_semaphore(%run_scoped3A : memref<!tpu.dma_semaphore, #tpu.memory_space<semaphore_mem>>)
      %dma_wait3A_33 = arith.constant 0 : i32
      %dma_wait3A_34 = tpu.memref_slice %arg9[%mul3A_8, %dma_wait3A_33] : memref<10112x8xf32, #tpu.memory_space<vmem_shared>> -> memref<632x8xf32, #tpu.memory_space<vmem_shared>>
      tpu.wait_dma2 semaphore(%run_scoped3A : memref<!tpu.dma_semaphore, #tpu.memory_space<semaphore_mem>>) src(%arg5 : memref<632x8xf32, #tpu.memory_space<hbm>>) dst(%dma_wait3A_34 : memref<632x8xf32, #tpu.memory_space<vmem_shared>>)
      tpu.yield
    }) : () -> ()
    %barrier3A = arith.constant 0 : index
    tpu.barrier barrier_id(%barrier3A)
    %scan3A = arith.constant 0 : i32
    %scan3A_9 = arith.constant 0 : i32
    %scan3A_10 = arith.constant 80 : i32
    %scan3A_11 = arith.addi %scan3A_9, %scan3A_10 : i32
    %scan3A_12 = arith.constant 1 : i32
    scf.for %scan3A_32 = %scan3A_9 to %scan3A_11 step %scan3A_12  : i32 {
      %jit3A = arith.constant 2 : i32
      %eq3A_33 = arith.constant 0 : i32
      %eq3A_34 = arith.cmpi eq, %jit3A, %eq3A_33 : i32
      %jit3A_35 = arith.constant 1 : i32
      %select_n3A = arith.select %eq3A_34, %jit3A_35, %jit3A : i32
      %rem3A = arith.remsi %scan3A_32, %select_n3A : i32
      %ne3A = arith.constant 0 : i32
      %ne3A_36 = arith.cmpi ne, %rem3A, %ne3A : i32
      %lt3A_37 = arith.constant 0 : i32
      %lt3A_38 = arith.cmpi slt, %rem3A, %lt3A_37 : i32
      %lt3A_39 = arith.constant 0 : i32
      %lt3A_40 = arith.cmpi slt, %select_n3A, %lt3A_39 : i32
      %ne3A_41 = arith.xori %lt3A_38, %lt3A_40 : i1
      %and3A = arith.andi %ne3A_41, %ne3A_36 : i1
      %add3A_42 = arith.addi %rem3A, %select_n3A : i32
      %select_n3A_43 = arith.select %and3A, %add3A_42, %rem3A : i32
      %eq3A_44 = arith.constant 0 : i32
      %eq3A_45 = arith.cmpi eq, %select_n3A_43, %eq3A_44 : i32
      %convert_element_type3A_46 = arith.extui %eq3A_45 : i1 to i32
      %cond3A_47 = arith.constant 0 : i32
      %cond3A_48 = arith.cmpi ne, %convert_element_type3A_46, %cond3A_47 : i32
      scf.if %cond3A_48 {
        %ge3A = arith.constant 2 : i32
        %ge3A_70 = arith.cmpi sge, %scan3A_32, %ge3A : i32
        %convert_element_type3A_71 = arith.extui %ge3A_70 : i1 to i32
        %cond3A_72 = arith.constant 0 : i32
        %cond3A_73 = arith.cmpi ne, %convert_element_type3A_71, %cond3A_72 : i32
        scf.if %cond3A_73 {
          %dma_wait3A_79 = arith.constant 0 : i32
          %dma_wait3A_80 = arith.constant 0 : i32
          %dma_wait3A_81 = tpu.memref_slice %arg7[%dma_wait3A_79, %dma_wait3A_80] : memref<80x128xi32, #tpu.memory_space<vmem>> -> memref<1x128xi32, #tpu.memory_space<vmem>>
          %dma_wait3A_82 = tpu.memref_squeeze %dma_wait3A_81 : memref<1x128xi32, #tpu.memory_space<vmem>> -> memref<128xi32, #tpu.memory_space<vmem>>
          %dma_wait3A_83 = arith.constant 0 : i32
          %dma_wait3A_84 = arith.constant 0 : i32
          %dma_wait3A_85 = tpu.memref_slice %arg9[%dma_wait3A_83, %dma_wait3A_84] : memref<10112x8xf32, #tpu.memory_space<vmem_shared>> -> memref<10112x8xf32, #tpu.memory_space<vmem_shared>>
          tpu.wait_indirect_dma semaphore(%arg10 : memref<!tpu.dma_semaphore, #tpu.memory_space<semaphore_mem>>) src(%arg8 : memref<128x8xf32, #tpu.memory_space<vmem>>) dst(%dma_wait3A_85 : memref<10112x8xf32, #tpu.memory_space<vmem_shared>>)
        } else {
        }
        %dma_start3A = arith.constant 0 : i32
        %dma_start3A_74 = tpu.memref_slice %arg7[%scan3A_32, %dma_start3A] : memref<80x128xi32, #tpu.memory_space<vmem>> -> memref<1x128xi32, #tpu.memory_space<vmem>>
        %dma_start3A_75 = tpu.memref_squeeze %dma_start3A_74 : memref<1x128xi32, #tpu.memory_space<vmem>> -> memref<128xi32, #tpu.memory_space<vmem>>
        %dma_start3A_76 = arith.constant 0 : i32
        %dma_start3A_77 = arith.constant 0 : i32
        %dma_start3A_78 = tpu.memref_slice %arg9[%dma_start3A_76, %dma_start3A_77] : memref<10112x8xf32, #tpu.memory_space<vmem_shared>> -> memref<10112x8xf32, #tpu.memory_space<vmem_shared>>
        tpu.enqueue_indirect_dma source(%arg8 : memref<128x8xf32, #tpu.memory_space<vmem>>) target(%dma_start3A_78 : memref<10112x8xf32, #tpu.memory_space<vmem_shared>>) offsets(%dma_start3A_75 : memref<128xi32, #tpu.memory_space<vmem>>) semaphore(%arg10 : memref<!tpu.dma_semaphore, #tpu.memory_space<semaphore_mem>>) {add = true}
      } else {
      }
      %jit3A_49 = arith.constant 2 : i32
      %eq3A_50 = arith.constant 0 : i32
      %eq3A_51 = arith.cmpi eq, %jit3A_49, %eq3A_50 : i32
      %jit3A_52 = arith.constant 1 : i32
      %select_n3A_53 = arith.select %eq3A_51, %jit3A_52, %jit3A_49 : i32
      %rem3A_54 = arith.remsi %scan3A_32, %select_n3A_53 : i32
      %ne3A_55 = arith.constant 0 : i32
      %ne3A_56 = arith.cmpi ne, %rem3A_54, %ne3A_55 : i32
      %lt3A_57 = arith.constant 0 : i32
      %lt3A_58 = arith.cmpi slt, %rem3A_54, %lt3A_57 : i32
      %lt3A_59 = arith.constant 0 : i32
      %lt3A_60 = arith.cmpi slt, %select_n3A_53, %lt3A_59 : i32
      %ne3A_61 = arith.xori %lt3A_58, %lt3A_60 : i1
      %and3A_62 = arith.andi %ne3A_61, %ne3A_56 : i1
      %add3A_63 = arith.addi %rem3A_54, %select_n3A_53 : i32
      %select_n3A_64 = arith.select %and3A_62, %add3A_63, %rem3A_54 : i32
      %eq3A_65 = arith.constant 1 : i32
      %eq3A_66 = arith.cmpi eq, %select_n3A_64, %eq3A_65 : i32
      %convert_element_type3A_67 = arith.extui %eq3A_66 : i1 to i32
      %cond3A_68 = arith.constant 0 : i32
      %cond3A_69 = arith.cmpi ne, %convert_element_type3A_67, %cond3A_68 : i32
      scf.if %cond3A_69 {
        %ge3A = arith.constant 2 : i32
        %ge3A_70 = arith.cmpi sge, %scan3A_32, %ge3A : i32
        %convert_element_type3A_71 = arith.extui %ge3A_70 : i1 to i32
        %cond3A_72 = arith.constant 0 : i32
        %cond3A_73 = arith.cmpi ne, %convert_element_type3A_71, %cond3A_72 : i32
        scf.if %cond3A_73 {
          %dma_wait3A_79 = arith.constant 0 : i32
          %dma_wait3A_80 = arith.constant 0 : i32
          %dma_wait3A_81 = tpu.memref_slice %arg7[%dma_wait3A_79, %dma_wait3A_80] : memref<80x128xi32, #tpu.memory_space<vmem>> -> memref<1x128xi32, #tpu.memory_space<vmem>>
          %dma_wait3A_82 = tpu.memref_squeeze %dma_wait3A_81 : memref<1x128xi32, #tpu.memory_space<vmem>> -> memref<128xi32, #tpu.memory_space<vmem>>
          %dma_wait3A_83 = arith.constant 0 : i32
          %dma_wait3A_84 = arith.constant 0 : i32
          %dma_wait3A_85 = tpu.memref_slice %arg9[%dma_wait3A_83, %dma_wait3A_84] : memref<10112x8xf32, #tpu.memory_space<vmem_shared>> -> memref<10112x8xf32, #tpu.memory_space<vmem_shared>>
          tpu.wait_indirect_dma semaphore(%arg11 : memref<!tpu.dma_semaphore, #tpu.memory_space<semaphore_mem>>) src(%arg8 : memref<128x8xf32, #tpu.memory_space<vmem>>) dst(%dma_wait3A_85 : memref<10112x8xf32, #tpu.memory_space<vmem_shared>>)
        } else {
        }
        %dma_start3A = arith.constant 0 : i32
        %dma_start3A_74 = tpu.memref_slice %arg7[%scan3A_32, %dma_start3A] : memref<80x128xi32, #tpu.memory_space<vmem>> -> memref<1x128xi32, #tpu.memory_space<vmem>>
        %dma_start3A_75 = tpu.memref_squeeze %dma_start3A_74 : memref<1x128xi32, #tpu.memory_space<vmem>> -> memref<128xi32, #tpu.memory_space<vmem>>
        %dma_start3A_76 = arith.constant 0 : i32
        %dma_start3A_77 = arith.constant 0 : i32
        %dma_start3A_78 = tpu.memref_slice %arg9[%dma_start3A_76, %dma_start3A_77] : memref<10112x8xf32, #tpu.memory_space<vmem_shared>> -> memref<10112x8xf32, #tpu.memory_space<vmem_shared>>
        tpu.enqueue_indirect_dma source(%arg8 : memref<128x8xf32, #tpu.memory_space<vmem>>) target(%dma_start3A_78 : memref<10112x8xf32, #tpu.memory_space<vmem_shared>>) offsets(%dma_start3A_75 : memref<128xi32, #tpu.memory_space<vmem>>) semaphore(%arg11 : memref<!tpu.dma_semaphore, #tpu.memory_space<semaphore_mem>>) {add = true}
      } else {
      }
    }
    %scan3A_13 = arith.constant 80 : i32
    %dma_wait3A = arith.constant 0 : i32
    %dma_wait3A_14 = arith.constant 0 : i32
    %dma_wait3A_15 = tpu.memref_slice %arg7[%dma_wait3A, %dma_wait3A_14] : memref<80x128xi32, #tpu.memory_space<vmem>> -> memref<1x128xi32, #tpu.memory_space<vmem>>
    %dma_wait3A_16 = tpu.memref_squeeze %dma_wait3A_15 : memref<1x128xi32, #tpu.memory_space<vmem>> -> memref<128xi32, #tpu.memory_space<vmem>>
    %dma_wait3A_17 = arith.constant 0 : i32
    %dma_wait3A_18 = arith.constant 0 : i32
    %dma_wait3A_19 = tpu.memref_slice %arg9[%dma_wait3A_17, %dma_wait3A_18] : memref<10112x8xf32, #tpu.memory_space<vmem_shared>> -> memref<10112x8xf32, #tpu.memory_space<vmem_shared>>
    tpu.wait_indirect_dma semaphore(%arg10 : memref<!tpu.dma_semaphore, #tpu.memory_space<semaphore_mem>>) src(%arg8 : memref<128x8xf32, #tpu.memory_space<vmem>>) dst(%dma_wait3A_19 : memref<10112x8xf32, #tpu.memory_space<vmem_shared>>)
    %dma_wait3A_20 = arith.constant 0 : i32
    %dma_wait3A_21 = arith.constant 0 : i32
    %dma_wait3A_22 = tpu.memref_slice %arg7[%dma_wait3A_20, %dma_wait3A_21] : memref<80x128xi32, #tpu.memory_space<vmem>> -> memref<1x128xi32, #tpu.memory_space<vmem>>
    %dma_wait3A_23 = tpu.memref_squeeze %dma_wait3A_22 : memref<1x128xi32, #tpu.memory_space<vmem>> -> memref<128xi32, #tpu.memory_space<vmem>>
    %dma_wait3A_24 = arith.constant 0 : i32
    %dma_wait3A_25 = arith.constant 0 : i32
    %dma_wait3A_26 = tpu.memref_slice %arg9[%dma_wait3A_24, %dma_wait3A_25] : memref<10112x8xf32, #tpu.memory_space<vmem_shared>> -> memref<10112x8xf32, #tpu.memory_space<vmem_shared>>
    tpu.wait_indirect_dma semaphore(%arg11 : memref<!tpu.dma_semaphore, #tpu.memory_space<semaphore_mem>>) src(%arg8 : memref<128x8xf32, #tpu.memory_space<vmem>>) dst(%dma_wait3A_26 : memref<10112x8xf32, #tpu.memory_space<vmem_shared>>)
    %barrier3A_27 = arith.constant 0 : index
    tpu.barrier barrier_id(%barrier3A_27)
    %mul3A_28 = arith.constant 632 : i32
    %mul3A_29 = arith.muli %arg1, %mul3A_28 : i32
    %mul3A_30 = arith.constant 632 : i32
    %mul3A_31 = arith.muli %arg1, %mul3A_30 : i32
    "tpu.region"() ({
      %run_scoped3A = tpu.sem_alloc : memref<!tpu.dma_semaphore, #tpu.memory_space<semaphore_mem>>
      %dma_start3A = arith.constant 0 : i32
      %dma_start3A_32 = tpu.memref_slice %arg6[%arg0, %mul3A_31, %dma_start3A] : memref<2x10112x8xf32, #tpu.memory_space<hbm>> -> memref<1x632x8xf32, #tpu.memory_space<hbm>>
      %dma_start3A_33 = tpu.memref_squeeze %dma_start3A_32 : memref<1x632x8xf32, #tpu.memory_space<hbm>> -> memref<632x8xf32, #tpu.memory_space<hbm>>
      %dma_start3A_34 = arith.constant 0 : i32
      %dma_start3A_35 = tpu.memref_slice %arg9[%mul3A_29, %dma_start3A_34] : memref<10112x8xf32, #tpu.memory_space<vmem_shared>> -> memref<632x8xf32, #tpu.memory_space<vmem_shared>>
      tpu.enqueue_dma source(%dma_start3A_35 : memref<632x8xf32, #tpu.memory_space<vmem_shared>>) target(%dma_start3A_33 : memref<632x8xf32, #tpu.memory_space<hbm>>) target_semaphore(%run_scoped3A : memref<!tpu.dma_semaphore, #tpu.memory_space<semaphore_mem>>)
      %dma_wait3A_36 = arith.constant 0 : i32
      %dma_wait3A_37 = tpu.memref_slice %arg6[%arg0, %mul3A_31, %dma_wait3A_36] : memref<2x10112x8xf32, #tpu.memory_space<hbm>> -> memref<1x632x8xf32, #tpu.memory_space<hbm>>
      %dma_wait3A_38 = tpu.memref_squeeze %dma_wait3A_37 : memref<1x632x8xf32, #tpu.memory_space<hbm>> -> memref<632x8xf32, #tpu.memory_space<hbm>>
      %dma_wait3A_39 = arith.constant 0 : i32
      %dma_wait3A_40 = tpu.memref_slice %arg9[%mul3A_29, %dma_wait3A_39] : memref<10112x8xf32, #tpu.memory_space<vmem_shared>> -> memref<632x8xf32, #tpu.memory_space<vmem_shared>>
      tpu.wait_dma2 semaphore(%run_scoped3A : memref<!tpu.dma_semaphore, #tpu.memory_space<semaphore_mem>>) src(%dma_wait3A_40 : memref<632x8xf32, #tpu.memory_space<vmem_shared>>) dst(%dma_wait3A_38 : memref<632x8xf32, #tpu.memory_space<hbm>>)
      tpu.yield
    }) : () -> ()
    return
  }
}

#map = affine_map<(d0, d1) -> (0, 0)>
#map1 = affine_map<(d0, d1) -> (0, 0, 0)>
module attributes {stable_mosaic.version = 14 : i64} {
  func.func @gs_kernel(%arg0: i32, %arg1: i32, %arg2: memref<20000x64xf32, #tpu.memory_space<hbm>>, %arg3: memref<2x2500x128xi32, #tpu.memory_space<hbm>>, %arg4: memref<2x64x128xi32, #tpu.memory_space<hbm>>, %arg5: memref<2500x128xi32, #tpu.memory_space<hbm>>, %arg6: memref<64x128xi32, #tpu.memory_space<hbm>>, %arg7: memref<632x64xf32, #tpu.memory_space<hbm>>, %arg8: memref<10112x128xf32, #tpu.memory_space<hbm>>, %arg9: memref<160x128xi32, #tpu.memory_space<vmem>>, %arg10: memref<160x128xi32, #tpu.memory_space<vmem>>, %arg11: memref<6x128x64xf32, #tpu.memory_space<vmem>>, %arg12: memref<10112x64xf32, #tpu.memory_space<vmem_shared>>, %arg13: memref<!tpu.dma_semaphore, #tpu.memory_space<semaphore_mem>>, %arg14: memref<!tpu.dma_semaphore, #tpu.memory_space<semaphore_mem>>, %arg15: memref<!tpu.dma_semaphore, #tpu.memory_space<semaphore_mem>>, %arg16: memref<!tpu.dma_semaphore, #tpu.memory_space<semaphore_mem>>, %arg17: memref<!tpu.dma_semaphore, #tpu.memory_space<semaphore_mem>>, %arg18: memref<!tpu.dma_semaphore, #tpu.memory_space<semaphore_mem>>) attributes {dimension_semantics = [#tpu.dimension_semantics<core_parallel>, #tpu.dimension_semantics<subcore_parallel>], iteration_bounds = array<i64: 2, 16>, scalar_prefetch = 0 : i64, scratch_operands = 10 : i64, tpu.core_type = #tpu.core_type<sc_vector_subcore>, window_params = [{transform_indices = #map}, {transform_indices = #map1}, {transform_indices = #map1}, {transform_indices = #map}, {transform_indices = #map}, {transform_indices = #map}, {transform_indices = #map}]} {
    %lt3A = arith.constant 15 : i32
    %lt3A_0 = arith.cmpi slt, %arg1, %lt3A : i32
    %convert_element_type3A = arith.extui %lt3A_0 : i1 to i32
    %cond3A = arith.constant 0 : i32
    %cond3A_1 = arith.cmpi ne, %convert_element_type3A, %cond3A : i32
    scf.if %cond3A_1 {
      %mul3A_135 = arith.constant 160 : i32
      %mul3A_136 = arith.muli %mul3A_135, %arg1 : i32
      "tpu.region"() ({
        %run_scoped3A = tpu.sem_alloc : memref<!tpu.dma_semaphore, #tpu.memory_space<semaphore_mem>>
        %dma_start3A_137 = arith.constant 0 : i32
        %dma_start3A_138 = arith.constant 0 : i32
        %dma_start3A_139 = tpu.memref_slice %arg3[%arg0, %dma_start3A_137, %dma_start3A_138] : memref<2x2500x128xi32, #tpu.memory_space<hbm>> -> memref<1x2500x128xi32, #tpu.memory_space<hbm>>
        %dma_start3A_140 = tpu.memref_squeeze %dma_start3A_139 : memref<1x2500x128xi32, #tpu.memory_space<hbm>> -> memref<2500x128xi32, #tpu.memory_space<hbm>>
        %dma_start3A_141 = arith.constant 0 : i32
        %dma_start3A_142 = tpu.memref_slice %dma_start3A_140[%mul3A_136, %dma_start3A_141] : memref<2500x128xi32, #tpu.memory_space<hbm>> -> memref<160x128xi32, #tpu.memory_space<hbm>>
        %dma_start3A_143 = arith.constant 0 : i32
        %dma_start3A_144 = arith.constant 0 : i32
        %dma_start3A_145 = tpu.memref_slice %arg3[%arg0, %dma_start3A_143, %dma_start3A_144] : memref<2x2500x128xi32, #tpu.memory_space<hbm>> -> memref<1x2500x128xi32, #tpu.memory_space<hbm>>
        %dma_start3A_146 = tpu.memref_squeeze %dma_start3A_145 : memref<1x2500x128xi32, #tpu.memory_space<hbm>> -> memref<2500x128xi32, #tpu.memory_space<hbm>>
        %dma_start3A_147 = arith.constant 0 : i32
        %dma_start3A_148 = tpu.memref_slice %dma_start3A_146[%mul3A_136, %dma_start3A_147] : memref<2500x128xi32, #tpu.memory_space<hbm>> -> memref<160x128xi32, #tpu.memory_space<hbm>>
        tpu.enqueue_dma source(%dma_start3A_148 : memref<160x128xi32, #tpu.memory_space<hbm>>) target(%arg9 : memref<160x128xi32, #tpu.memory_space<vmem>>) target_semaphore(%run_scoped3A : memref<!tpu.dma_semaphore, #tpu.memory_space<semaphore_mem>>)
        %dma_wait3A_149 = arith.constant 0 : i32
        %dma_wait3A_150 = arith.constant 0 : i32
        %dma_wait3A_151 = tpu.memref_slice %arg3[%arg0, %dma_wait3A_149, %dma_wait3A_150] : memref<2x2500x128xi32, #tpu.memory_space<hbm>> -> memref<1x2500x128xi32, #tpu.memory_space<hbm>>
        %dma_wait3A_152 = tpu.memref_squeeze %dma_wait3A_151 : memref<1x2500x128xi32, #tpu.memory_space<hbm>> -> memref<2500x128xi32, #tpu.memory_space<hbm>>
        %dma_wait3A_153 = arith.constant 0 : i32
        %dma_wait3A_154 = tpu.memref_slice %dma_wait3A_152[%mul3A_136, %dma_wait3A_153] : memref<2500x128xi32, #tpu.memory_space<hbm>> -> memref<160x128xi32, #tpu.memory_space<hbm>>
        %dma_wait3A_155 = arith.constant 0 : i32
        %dma_wait3A_156 = arith.constant 0 : i32
        %dma_wait3A_157 = tpu.memref_slice %arg3[%arg0, %dma_wait3A_155, %dma_wait3A_156] : memref<2x2500x128xi32, #tpu.memory_space<hbm>> -> memref<1x2500x128xi32, #tpu.memory_space<hbm>>
        %dma_wait3A_158 = tpu.memref_squeeze %dma_wait3A_157 : memref<1x2500x128xi32, #tpu.memory_space<hbm>> -> memref<2500x128xi32, #tpu.memory_space<hbm>>
        %dma_wait3A_159 = arith.constant 0 : i32
        %dma_wait3A_160 = tpu.memref_slice %dma_wait3A_158[%mul3A_136, %dma_wait3A_159] : memref<2500x128xi32, #tpu.memory_space<hbm>> -> memref<160x128xi32, #tpu.memory_space<hbm>>
        tpu.wait_dma2 semaphore(%run_scoped3A : memref<!tpu.dma_semaphore, #tpu.memory_space<semaphore_mem>>) src(%dma_wait3A_160 : memref<160x128xi32, #tpu.memory_space<hbm>>) dst(%arg9 : memref<160x128xi32, #tpu.memory_space<vmem>>)
        tpu.yield
      }) : () -> ()
    } else {
    }
    %eq3A = arith.constant 15 : i32
    %eq3A_2 = arith.cmpi eq, %arg1, %eq3A : i32
    %convert_element_type3A_3 = arith.extui %eq3A_2 : i1 to i32
    %cond3A_4 = arith.constant 0 : i32
    %cond3A_5 = arith.cmpi ne, %convert_element_type3A_3, %cond3A_4 : i32
    scf.if %cond3A_5 {
      "tpu.region"() ({
        %run_scoped3A = tpu.sem_alloc : memref<!tpu.dma_semaphore, #tpu.memory_space<semaphore_mem>>
        %dma_start3A_135 = arith.constant 96 : i32
        %dma_start3A_136 = arith.constant 0 : i32
        %dma_start3A_137 = tpu.memref_slice %arg9[%dma_start3A_135, %dma_start3A_136] : memref<160x128xi32, #tpu.memory_space<vmem>> -> memref<64x128xi32, #tpu.memory_space<vmem>>
        %dma_start3A_138 = arith.constant 0 : i32
        %dma_start3A_139 = arith.constant 0 : i32
        %dma_start3A_140 = tpu.memref_slice %arg4[%arg0, %dma_start3A_138, %dma_start3A_139] : memref<2x64x128xi32, #tpu.memory_space<hbm>> -> memref<1x64x128xi32, #tpu.memory_space<hbm>>
        %dma_start3A_141 = tpu.memref_squeeze %dma_start3A_140 : memref<1x64x128xi32, #tpu.memory_space<hbm>> -> memref<64x128xi32, #tpu.memory_space<hbm>>
        %dma_start3A_142 = arith.constant 96 : i32
        %dma_start3A_143 = arith.constant 0 : i32
        %dma_start3A_144 = tpu.memref_slice %arg9[%dma_start3A_142, %dma_start3A_143] : memref<160x128xi32, #tpu.memory_space<vmem>> -> memref<64x128xi32, #tpu.memory_space<vmem>>
        %dma_start3A_145 = arith.constant 0 : i32
        %dma_start3A_146 = arith.constant 0 : i32
        %dma_start3A_147 = tpu.memref_slice %arg4[%arg0, %dma_start3A_145, %dma_start3A_146] : memref<2x64x128xi32, #tpu.memory_space<hbm>> -> memref<1x64x128xi32, #tpu.memory_space<hbm>>
        %dma_start3A_148 = tpu.memref_squeeze %dma_start3A_147 : memref<1x64x128xi32, #tpu.memory_space<hbm>> -> memref<64x128xi32, #tpu.memory_space<hbm>>
        tpu.enqueue_dma source(%dma_start3A_148 : memref<64x128xi32, #tpu.memory_space<hbm>>) target(%dma_start3A_144 : memref<64x128xi32, #tpu.memory_space<vmem>>) target_semaphore(%run_scoped3A : memref<!tpu.dma_semaphore, #tpu.memory_space<semaphore_mem>>)
        %dma_wait3A_149 = arith.constant 96 : i32
        %dma_wait3A_150 = arith.constant 0 : i32
        %dma_wait3A_151 = tpu.memref_slice %arg9[%dma_wait3A_149, %dma_wait3A_150] : memref<160x128xi32, #tpu.memory_space<vmem>> -> memref<64x128xi32, #tpu.memory_space<vmem>>
        %dma_wait3A_152 = arith.constant 0 : i32
        %dma_wait3A_153 = arith.constant 0 : i32
        %dma_wait3A_154 = tpu.memref_slice %arg4[%arg0, %dma_wait3A_152, %dma_wait3A_153] : memref<2x64x128xi32, #tpu.memory_space<hbm>> -> memref<1x64x128xi32, #tpu.memory_space<hbm>>
        %dma_wait3A_155 = tpu.memref_squeeze %dma_wait3A_154 : memref<1x64x128xi32, #tpu.memory_space<hbm>> -> memref<64x128xi32, #tpu.memory_space<hbm>>
        %dma_wait3A_156 = arith.constant 96 : i32
        %dma_wait3A_157 = arith.constant 0 : i32
        %dma_wait3A_158 = tpu.memref_slice %arg9[%dma_wait3A_156, %dma_wait3A_157] : memref<160x128xi32, #tpu.memory_space<vmem>> -> memref<64x128xi32, #tpu.memory_space<vmem>>
        %dma_wait3A_159 = arith.constant 0 : i32
        %dma_wait3A_160 = arith.constant 0 : i32
        %dma_wait3A_161 = tpu.memref_slice %arg4[%arg0, %dma_wait3A_159, %dma_wait3A_160] : memref<2x64x128xi32, #tpu.memory_space<hbm>> -> memref<1x64x128xi32, #tpu.memory_space<hbm>>
        %dma_wait3A_162 = tpu.memref_squeeze %dma_wait3A_161 : memref<1x64x128xi32, #tpu.memory_space<hbm>> -> memref<64x128xi32, #tpu.memory_space<hbm>>
        tpu.wait_dma2 semaphore(%run_scoped3A : memref<!tpu.dma_semaphore, #tpu.memory_space<semaphore_mem>>) src(%dma_wait3A_162 : memref<64x128xi32, #tpu.memory_space<hbm>>) dst(%dma_wait3A_158 : memref<64x128xi32, #tpu.memory_space<vmem>>)
        tpu.yield
      }) : () -> ()
      "tpu.region"() ({
        %run_scoped3A = tpu.sem_alloc : memref<!tpu.dma_semaphore, #tpu.memory_space<semaphore_mem>>
        %dma_start3A_135 = arith.constant 0 : i32
        %dma_start3A_136 = arith.constant 0 : i32
        %dma_start3A_137 = tpu.memref_slice %arg9[%dma_start3A_135, %dma_start3A_136] : memref<160x128xi32, #tpu.memory_space<vmem>> -> memref<100x128xi32, #tpu.memory_space<vmem>>
        %dma_start3A_138 = arith.constant 0 : i32
        %dma_start3A_139 = arith.constant 0 : i32
        %dma_start3A_140 = tpu.memref_slice %arg3[%arg0, %dma_start3A_138, %dma_start3A_139] : memref<2x2500x128xi32, #tpu.memory_space<hbm>> -> memref<1x2500x128xi32, #tpu.memory_space<hbm>>
        %dma_start3A_141 = tpu.memref_squeeze %dma_start3A_140 : memref<1x2500x128xi32, #tpu.memory_space<hbm>> -> memref<2500x128xi32, #tpu.memory_space<hbm>>
        %dma_start3A_142 = arith.constant 2400 : i32
        %dma_start3A_143 = arith.constant 0 : i32
        %dma_start3A_144 = tpu.memref_slice %dma_start3A_141[%dma_start3A_142, %dma_start3A_143] : memref<2500x128xi32, #tpu.memory_space<hbm>> -> memref<100x128xi32, #tpu.memory_space<hbm>>
        %dma_start3A_145 = arith.constant 0 : i32
        %dma_start3A_146 = arith.constant 0 : i32
        %dma_start3A_147 = tpu.memref_slice %arg9[%dma_start3A_145, %dma_start3A_146] : memref<160x128xi32, #tpu.memory_space<vmem>> -> memref<100x128xi32, #tpu.memory_space<vmem>>
        %dma_start3A_148 = arith.constant 0 : i32
        %dma_start3A_149 = arith.constant 0 : i32
        %dma_start3A_150 = tpu.memref_slice %arg3[%arg0, %dma_start3A_148, %dma_start3A_149] : memref<2x2500x128xi32, #tpu.memory_space<hbm>> -> memref<1x2500x128xi32, #tpu.memory_space<hbm>>
        %dma_start3A_151 = tpu.memref_squeeze %dma_start3A_150 : memref<1x2500x128xi32, #tpu.memory_space<hbm>> -> memref<2500x128xi32, #tpu.memory_space<hbm>>
        %dma_start3A_152 = arith.constant 2400 : i32
        %dma_start3A_153 = arith.constant 0 : i32
        %dma_start3A_154 = tpu.memref_slice %dma_start3A_151[%dma_start3A_152, %dma_start3A_153] : memref<2500x128xi32, #tpu.memory_space<hbm>> -> memref<100x128xi32, #tpu.memory_space<hbm>>
        tpu.enqueue_dma source(%dma_start3A_154 : memref<100x128xi32, #tpu.memory_space<hbm>>) target(%dma_start3A_147 : memref<100x128xi32, #tpu.memory_space<vmem>>) target_semaphore(%run_scoped3A : memref<!tpu.dma_semaphore, #tpu.memory_space<semaphore_mem>>)
        %dma_wait3A_155 = arith.constant 0 : i32
        %dma_wait3A_156 = arith.constant 0 : i32
        %dma_wait3A_157 = tpu.memref_slice %arg9[%dma_wait3A_155, %dma_wait3A_156] : memref<160x128xi32, #tpu.memory_space<vmem>> -> memref<100x128xi32, #tpu.memory_space<vmem>>
        %dma_wait3A_158 = arith.constant 0 : i32
        %dma_wait3A_159 = arith.constant 0 : i32
        %dma_wait3A_160 = tpu.memref_slice %arg3[%arg0, %dma_wait3A_158, %dma_wait3A_159] : memref<2x2500x128xi32, #tpu.memory_space<hbm>> -> memref<1x2500x128xi32, #tpu.memory_space<hbm>>
        %dma_wait3A_161 = tpu.memref_squeeze %dma_wait3A_160 : memref<1x2500x128xi32, #tpu.memory_space<hbm>> -> memref<2500x128xi32, #tpu.memory_space<hbm>>
        %dma_wait3A_162 = arith.constant 2400 : i32
        %dma_wait3A_163 = arith.constant 0 : i32
        %dma_wait3A_164 = tpu.memref_slice %dma_wait3A_161[%dma_wait3A_162, %dma_wait3A_163] : memref<2500x128xi32, #tpu.memory_space<hbm>> -> memref<100x128xi32, #tpu.memory_space<hbm>>
        %dma_wait3A_165 = arith.constant 0 : i32
        %dma_wait3A_166 = arith.constant 0 : i32
        %dma_wait3A_167 = tpu.memref_slice %arg9[%dma_wait3A_165, %dma_wait3A_166] : memref<160x128xi32, #tpu.memory_space<vmem>> -> memref<100x128xi32, #tpu.memory_space<vmem>>
        %dma_wait3A_168 = arith.constant 0 : i32
        %dma_wait3A_169 = arith.constant 0 : i32
        %dma_wait3A_170 = tpu.memref_slice %arg3[%arg0, %dma_wait3A_168, %dma_wait3A_169] : memref<2x2500x128xi32, #tpu.memory_space<hbm>> -> memref<1x2500x128xi32, #tpu.memory_space<hbm>>
        %dma_wait3A_171 = tpu.memref_squeeze %dma_wait3A_170 : memref<1x2500x128xi32, #tpu.memory_space<hbm>> -> memref<2500x128xi32, #tpu.memory_space<hbm>>
        %dma_wait3A_172 = arith.constant 2400 : i32
        %dma_wait3A_173 = arith.constant 0 : i32
        %dma_wait3A_174 = tpu.memref_slice %dma_wait3A_171[%dma_wait3A_172, %dma_wait3A_173] : memref<2500x128xi32, #tpu.memory_space<hbm>> -> memref<100x128xi32, #tpu.memory_space<hbm>>
        tpu.wait_dma2 semaphore(%run_scoped3A : memref<!tpu.dma_semaphore, #tpu.memory_space<semaphore_mem>>) src(%dma_wait3A_174 : memref<100x128xi32, #tpu.memory_space<hbm>>) dst(%dma_wait3A_167 : memref<100x128xi32, #tpu.memory_space<vmem>>)
        tpu.yield
      }) : () -> ()
    } else {
    }
    %lt3A_6 = arith.constant 15 : i32
    %lt3A_7 = arith.cmpi slt, %arg1, %lt3A_6 : i32
    %convert_element_type3A_8 = arith.extui %lt3A_7 : i1 to i32
    %cond3A_9 = arith.constant 0 : i32
    %cond3A_10 = arith.cmpi ne, %convert_element_type3A_8, %cond3A_9 : i32
    scf.if %cond3A_10 {
      %mul3A_135 = arith.constant 160 : i32
      %mul3A_136 = arith.muli %mul3A_135, %arg1 : i32
      "tpu.region"() ({
        %run_scoped3A = tpu.sem_alloc : memref<!tpu.dma_semaphore, #tpu.memory_space<semaphore_mem>>
        %dma_start3A_137 = arith.constant 0 : i32
        %dma_start3A_138 = tpu.memref_slice %arg5[%mul3A_136, %dma_start3A_137] : memref<2500x128xi32, #tpu.memory_space<hbm>> -> memref<160x128xi32, #tpu.memory_space<hbm>>
        %dma_start3A_139 = arith.constant 0 : i32
        %dma_start3A_140 = tpu.memref_slice %arg5[%mul3A_136, %dma_start3A_139] : memref<2500x128xi32, #tpu.memory_space<hbm>> -> memref<160x128xi32, #tpu.memory_space<hbm>>
        tpu.enqueue_dma source(%dma_start3A_140 : memref<160x128xi32, #tpu.memory_space<hbm>>) target(%arg10 : memref<160x128xi32, #tpu.memory_space<vmem>>) target_semaphore(%run_scoped3A : memref<!tpu.dma_semaphore, #tpu.memory_space<semaphore_mem>>)
        %dma_wait3A_141 = arith.constant 0 : i32
        %dma_wait3A_142 = tpu.memref_slice %arg5[%mul3A_136, %dma_wait3A_141] : memref<2500x128xi32, #tpu.memory_space<hbm>> -> memref<160x128xi32, #tpu.memory_space<hbm>>
        %dma_wait3A_143 = arith.constant 0 : i32
        %dma_wait3A_144 = tpu.memref_slice %arg5[%mul3A_136, %dma_wait3A_143] : memref<2500x128xi32, #tpu.memory_space<hbm>> -> memref<160x128xi32, #tpu.memory_space<hbm>>
        tpu.wait_dma2 semaphore(%run_scoped3A : memref<!tpu.dma_semaphore, #tpu.memory_space<semaphore_mem>>) src(%dma_wait3A_144 : memref<160x128xi32, #tpu.memory_space<hbm>>) dst(%arg10 : memref<160x128xi32, #tpu.memory_space<vmem>>)
        tpu.yield
      }) : () -> ()
    } else {
    }
    %eq3A_11 = arith.constant 15 : i32
    %eq3A_12 = arith.cmpi eq, %arg1, %eq3A_11 : i32
    %convert_element_type3A_13 = arith.extui %eq3A_12 : i1 to i32
    %cond3A_14 = arith.constant 0 : i32
    %cond3A_15 = arith.cmpi ne, %convert_element_type3A_13, %cond3A_14 : i32
    scf.if %cond3A_15 {
      "tpu.region"() ({
        %run_scoped3A = tpu.sem_alloc : memref<!tpu.dma_semaphore, #tpu.memory_space<semaphore_mem>>
        %dma_start3A_135 = arith.constant 96 : i32
        %dma_start3A_136 = arith.constant 0 : i32
        %dma_start3A_137 = tpu.memref_slice %arg10[%dma_start3A_135, %dma_start3A_136] : memref<160x128xi32, #tpu.memory_space<vmem>> -> memref<64x128xi32, #tpu.memory_space<vmem>>
        %dma_start3A_138 = arith.constant 96 : i32
        %dma_start3A_139 = arith.constant 0 : i32
        %dma_start3A_140 = tpu.memref_slice %arg10[%dma_start3A_138, %dma_start3A_139] : memref<160x128xi32, #tpu.memory_space<vmem>> -> memref<64x128xi32, #tpu.memory_space<vmem>>
        tpu.enqueue_dma source(%arg6 : memref<64x128xi32, #tpu.memory_space<hbm>>) target(%dma_start3A_140 : memref<64x128xi32, #tpu.memory_space<vmem>>) target_semaphore(%run_scoped3A : memref<!tpu.dma_semaphore, #tpu.memory_space<semaphore_mem>>)
        %dma_wait3A_141 = arith.constant 96 : i32
        %dma_wait3A_142 = arith.constant 0 : i32
        %dma_wait3A_143 = tpu.memref_slice %arg10[%dma_wait3A_141, %dma_wait3A_142] : memref<160x128xi32, #tpu.memory_space<vmem>> -> memref<64x128xi32, #tpu.memory_space<vmem>>
        %dma_wait3A_144 = arith.constant 96 : i32
        %dma_wait3A_145 = arith.constant 0 : i32
        %dma_wait3A_146 = tpu.memref_slice %arg10[%dma_wait3A_144, %dma_wait3A_145] : memref<160x128xi32, #tpu.memory_space<vmem>> -> memref<64x128xi32, #tpu.memory_space<vmem>>
        tpu.wait_dma2 semaphore(%run_scoped3A : memref<!tpu.dma_semaphore, #tpu.memory_space<semaphore_mem>>) src(%arg6 : memref<64x128xi32, #tpu.memory_space<hbm>>) dst(%dma_wait3A_146 : memref<64x128xi32, #tpu.memory_space<vmem>>)
        tpu.yield
      }) : () -> ()
      "tpu.region"() ({
        %run_scoped3A = tpu.sem_alloc : memref<!tpu.dma_semaphore, #tpu.memory_space<semaphore_mem>>
        %dma_start3A_135 = arith.constant 0 : i32
        %dma_start3A_136 = arith.constant 0 : i32
        %dma_start3A_137 = tpu.memref_slice %arg10[%dma_start3A_135, %dma_start3A_136] : memref<160x128xi32, #tpu.memory_space<vmem>> -> memref<100x128xi32, #tpu.memory_space<vmem>>
        %dma_start3A_138 = arith.constant 2400 : i32
        %dma_start3A_139 = arith.constant 0 : i32
        %dma_start3A_140 = tpu.memref_slice %arg5[%dma_start3A_138, %dma_start3A_139] : memref<2500x128xi32, #tpu.memory_space<hbm>> -> memref<100x128xi32, #tpu.memory_space<hbm>>
        %dma_start3A_141 = arith.constant 0 : i32
        %dma_start3A_142 = arith.constant 0 : i32
        %dma_start3A_143 = tpu.memref_slice %arg10[%dma_start3A_141, %dma_start3A_142] : memref<160x128xi32, #tpu.memory_space<vmem>> -> memref<100x128xi32, #tpu.memory_space<vmem>>
        %dma_start3A_144 = arith.constant 2400 : i32
        %dma_start3A_145 = arith.constant 0 : i32
        %dma_start3A_146 = tpu.memref_slice %arg5[%dma_start3A_144, %dma_start3A_145] : memref<2500x128xi32, #tpu.memory_space<hbm>> -> memref<100x128xi32, #tpu.memory_space<hbm>>
        tpu.enqueue_dma source(%dma_start3A_146 : memref<100x128xi32, #tpu.memory_space<hbm>>) target(%dma_start3A_143 : memref<100x128xi32, #tpu.memory_space<vmem>>) target_semaphore(%run_scoped3A : memref<!tpu.dma_semaphore, #tpu.memory_space<semaphore_mem>>)
        %dma_wait3A_147 = arith.constant 0 : i32
        %dma_wait3A_148 = arith.constant 0 : i32
        %dma_wait3A_149 = tpu.memref_slice %arg10[%dma_wait3A_147, %dma_wait3A_148] : memref<160x128xi32, #tpu.memory_space<vmem>> -> memref<100x128xi32, #tpu.memory_space<vmem>>
        %dma_wait3A_150 = arith.constant 2400 : i32
        %dma_wait3A_151 = arith.constant 0 : i32
        %dma_wait3A_152 = tpu.memref_slice %arg5[%dma_wait3A_150, %dma_wait3A_151] : memref<2500x128xi32, #tpu.memory_space<hbm>> -> memref<100x128xi32, #tpu.memory_space<hbm>>
        %dma_wait3A_153 = arith.constant 0 : i32
        %dma_wait3A_154 = arith.constant 0 : i32
        %dma_wait3A_155 = tpu.memref_slice %arg10[%dma_wait3A_153, %dma_wait3A_154] : memref<160x128xi32, #tpu.memory_space<vmem>> -> memref<100x128xi32, #tpu.memory_space<vmem>>
        %dma_wait3A_156 = arith.constant 2400 : i32
        %dma_wait3A_157 = arith.constant 0 : i32
        %dma_wait3A_158 = tpu.memref_slice %arg5[%dma_wait3A_156, %dma_wait3A_157] : memref<2500x128xi32, #tpu.memory_space<hbm>> -> memref<100x128xi32, #tpu.memory_space<hbm>>
        tpu.wait_dma2 semaphore(%run_scoped3A : memref<!tpu.dma_semaphore, #tpu.memory_space<semaphore_mem>>) src(%dma_wait3A_158 : memref<100x128xi32, #tpu.memory_space<hbm>>) dst(%dma_wait3A_155 : memref<100x128xi32, #tpu.memory_space<vmem>>)
        tpu.yield
      }) : () -> ()
    } else {
    }
    %mul3A = arith.constant 632 : i32
    %mul3A_16 = arith.muli %arg1, %mul3A : i32
    "tpu.region"() ({
      %run_scoped3A = tpu.sem_alloc : memref<!tpu.dma_semaphore, #tpu.memory_space<semaphore_mem>>
      %dma_start3A_135 = arith.constant 0 : i32
      %dma_start3A_136 = tpu.memref_slice %arg12[%mul3A_16, %dma_start3A_135] : memref<10112x64xf32, #tpu.memory_space<vmem_shared>> -> memref<632x64xf32, #tpu.memory_space<vmem_shared>>
      tpu.enqueue_dma source(%arg7 : memref<632x64xf32, #tpu.memory_space<hbm>>) target(%dma_start3A_136 : memref<632x64xf32, #tpu.memory_space<vmem_shared>>) target_semaphore(%run_scoped3A : memref<!tpu.dma_semaphore, #tpu.memory_space<semaphore_mem>>)
      %dma_wait3A_137 = arith.constant 0 : i32
      %dma_wait3A_138 = tpu.memref_slice %arg12[%mul3A_16, %dma_wait3A_137] : memref<10112x64xf32, #tpu.memory_space<vmem_shared>> -> memref<632x64xf32, #tpu.memory_space<vmem_shared>>
      tpu.wait_dma2 semaphore(%run_scoped3A : memref<!tpu.dma_semaphore, #tpu.memory_space<semaphore_mem>>) src(%arg7 : memref<632x64xf32, #tpu.memory_space<hbm>>) dst(%dma_wait3A_138 : memref<632x64xf32, #tpu.memory_space<vmem_shared>>)
      tpu.yield
    }) : () -> ()
    %barrier3A = arith.constant 0 : index
    tpu.barrier barrier_id(%barrier3A)
    %dma_start3A = arith.constant 0 : i32
    %dma_start3A_17 = arith.constant 0 : i32
    %dma_start3A_18 = arith.constant 0 : i32
    %dma_start3A_19 = arith.constant 0 : i32
    %dma_start3A_20 = tpu.memref_slice %arg11[%dma_start3A_17, %dma_start3A_18, %dma_start3A_19] : memref<6x128x64xf32, #tpu.memory_space<vmem>> -> memref<1x128x64xf32, #tpu.memory_space<vmem>>
    %dma_start3A_21 = tpu.memref_squeeze %dma_start3A_20 : memref<1x128x64xf32, #tpu.memory_space<vmem>> -> memref<128x64xf32, #tpu.memory_space<vmem>>
    %dma_start3A_22 = arith.constant 0 : i32
    %dma_start3A_23 = tpu.memref_slice %arg9[%dma_start3A, %dma_start3A_22] : memref<160x128xi32, #tpu.memory_space<vmem>> -> memref<1x128xi32, #tpu.memory_space<vmem>>
    %dma_start3A_24 = tpu.memref_squeeze %dma_start3A_23 : memref<1x128xi32, #tpu.memory_space<vmem>> -> memref<128xi32, #tpu.memory_space<vmem>>
    %dma_start3A_25 = arith.constant 0 : i32
    %dma_start3A_26 = arith.constant 0 : i32
    %dma_start3A_27 = tpu.memref_slice %arg2[%dma_start3A_25, %dma_start3A_26] : memref<20000x64xf32, #tpu.memory_space<hbm>> -> memref<20000x64xf32, #tpu.memory_space<hbm>>
    tpu.enqueue_indirect_dma source(%dma_start3A_27 : memref<20000x64xf32, #tpu.memory_space<hbm>>) target(%dma_start3A_21 : memref<128x64xf32, #tpu.memory_space<vmem>>) offsets(%dma_start3A_24 : memref<128xi32, #tpu.memory_space<vmem>>) semaphore(%arg13 : memref<!tpu.dma_semaphore, #tpu.memory_space<semaphore_mem>>)
    %dma_start3A_28 = arith.constant 1 : i32
    %dma_start3A_29 = arith.constant 1 : i32
    %dma_start3A_30 = arith.constant 0 : i32
    %dma_start3A_31 = arith.constant 0 : i32
    %dma_start3A_32 = tpu.memref_slice %arg11[%dma_start3A_29, %dma_start3A_30, %dma_start3A_31] : memref<6x128x64xf32, #tpu.memory_space<vmem>> -> memref<1x128x64xf32, #tpu.memory_space<vmem>>
    %dma_start3A_33 = tpu.memref_squeeze %dma_start3A_32 : memref<1x128x64xf32, #tpu.memory_space<vmem>> -> memref<128x64xf32, #tpu.memory_space<vmem>>
    %dma_start3A_34 = arith.constant 0 : i32
    %dma_start3A_35 = tpu.memref_slice %arg9[%dma_start3A_28, %dma_start3A_34] : memref<160x128xi32, #tpu.memory_space<vmem>> -> memref<1x128xi32, #tpu.memory_space<vmem>>
    %dma_start3A_36 = tpu.memref_squeeze %dma_start3A_35 : memref<1x128xi32, #tpu.memory_space<vmem>> -> memref<128xi32, #tpu.memory_space<vmem>>
    %dma_start3A_37 = arith.constant 0 : i32
    %dma_start3A_38 = arith.constant 0 : i32
    %dma_start3A_39 = tpu.memref_slice %arg2[%dma_start3A_37, %dma_start3A_38] : memref<20000x64xf32, #tpu.memory_space<hbm>> -> memref<20000x64xf32, #tpu.memory_space<hbm>>
    tpu.enqueue_indirect_dma source(%dma_start3A_39 : memref<20000x64xf32, #tpu.memory_space<hbm>>) target(%dma_start3A_33 : memref<128x64xf32, #tpu.memory_space<vmem>>) offsets(%dma_start3A_36 : memref<128xi32, #tpu.memory_space<vmem>>) semaphore(%arg14 : memref<!tpu.dma_semaphore, #tpu.memory_space<semaphore_mem>>)
    %dma_start3A_40 = arith.constant 2 : i32
    %dma_start3A_41 = arith.constant 2 : i32
    %dma_start3A_42 = arith.constant 0 : i32
    %dma_start3A_43 = arith.constant 0 : i32
    %dma_start3A_44 = tpu.memref_slice %arg11[%dma_start3A_41, %dma_start3A_42, %dma_start3A_43] : memref<6x128x64xf32, #tpu.memory_space<vmem>> -> memref<1x128x64xf32, #tpu.memory_space<vmem>>
    %dma_start3A_45 = tpu.memref_squeeze %dma_start3A_44 : memref<1x128x64xf32, #tpu.memory_space<vmem>> -> memref<128x64xf32, #tpu.memory_space<vmem>>
    %dma_start3A_46 = arith.constant 0 : i32
    %dma_start3A_47 = tpu.memref_slice %arg9[%dma_start3A_40, %dma_start3A_46] : memref<160x128xi32, #tpu.memory_space<vmem>> -> memref<1x128xi32, #tpu.memory_space<vmem>>
    %dma_start3A_48 = tpu.memref_squeeze %dma_start3A_47 : memref<1x128xi32, #tpu.memory_space<vmem>> -> memref<128xi32, #tpu.memory_space<vmem>>
    %dma_start3A_49 = arith.constant 0 : i32
    %dma_start3A_50 = arith.constant 0 : i32
    %dma_start3A_51 = tpu.memref_slice %arg2[%dma_start3A_49, %dma_start3A_50] : memref<20000x64xf32, #tpu.memory_space<hbm>> -> memref<20000x64xf32, #tpu.memory_space<hbm>>
    tpu.enqueue_indirect_dma source(%dma_start3A_51 : memref<20000x64xf32, #tpu.memory_space<hbm>>) target(%dma_start3A_45 : memref<128x64xf32, #tpu.memory_space<vmem>>) offsets(%dma_start3A_48 : memref<128xi32, #tpu.memory_space<vmem>>) semaphore(%arg15 : memref<!tpu.dma_semaphore, #tpu.memory_space<semaphore_mem>>)
    %scan3A = arith.constant 0 : i32
    %scan3A_52 = arith.constant 0 : i32
    %scan3A_53 = arith.constant 160 : i32
    %scan3A_54 = arith.addi %scan3A_52, %scan3A_53 : i32
    %scan3A_55 = arith.constant 1 : i32
    scf.for %scan3A_135 = %scan3A_52 to %scan3A_54 step %scan3A_55  : i32 {
      %jit3A = arith.constant 6 : i32
      %eq3A_136 = arith.constant 0 : i32
      %eq3A_137 = arith.cmpi eq, %jit3A, %eq3A_136 : i32
      %jit3A_138 = arith.constant 1 : i32
      %select_n3A = arith.select %eq3A_137, %jit3A_138, %jit3A : i32
      %rem3A = arith.remsi %scan3A_135, %select_n3A : i32
      %ne3A = arith.constant 0 : i32
      %ne3A_139 = arith.cmpi ne, %rem3A, %ne3A : i32
      %lt3A_140 = arith.constant 0 : i32
      %lt3A_141 = arith.cmpi slt, %rem3A, %lt3A_140 : i32
      %lt3A_142 = arith.constant 0 : i32
      %lt3A_143 = arith.cmpi slt, %select_n3A, %lt3A_142 : i32
      %ne3A_144 = arith.xori %lt3A_141, %lt3A_143 : i1
      %and3A = arith.andi %ne3A_144, %ne3A_139 : i1
      %add3A = arith.addi %rem3A, %select_n3A : i32
      %select_n3A_145 = arith.select %and3A, %add3A, %rem3A : i32
      %eq3A_146 = arith.constant 0 : i32
      %eq3A_147 = arith.cmpi eq, %select_n3A_145, %eq3A_146 : i32
      %convert_element_type3A_148 = arith.extui %eq3A_147 : i1 to i32
      %cond3A_149 = arith.constant 0 : i32
      %cond3A_150 = arith.cmpi ne, %convert_element_type3A_148, %cond3A_149 : i32
      scf.if %cond3A_150 {
        %dma_wait3A_256 = arith.constant 0 : i32
        %dma_wait3A_257 = arith.constant 0 : i32
        %dma_wait3A_258 = arith.constant 0 : i32
        %dma_wait3A_259 = arith.constant 0 : i32
        %dma_wait3A_260 = tpu.memref_slice %arg11[%dma_wait3A_257, %dma_wait3A_258, %dma_wait3A_259] : memref<6x128x64xf32, #tpu.memory_space<vmem>> -> memref<1x128x64xf32, #tpu.memory_space<vmem>>
        %dma_wait3A_261 = tpu.memref_squeeze %dma_wait3A_260 : memref<1x128x64xf32, #tpu.memory_space<vmem>> -> memref<128x64xf32, #tpu.memory_space<vmem>>
        %dma_wait3A_262 = arith.constant 0 : i32
        %dma_wait3A_263 = tpu.memref_slice %arg9[%dma_wait3A_256, %dma_wait3A_262] : memref<160x128xi32, #tpu.memory_space<vmem>> -> memref<1x128xi32, #tpu.memory_space<vmem>>
        %dma_wait3A_264 = tpu.memref_squeeze %dma_wait3A_263 : memref<1x128xi32, #tpu.memory_space<vmem>> -> memref<128xi32, #tpu.memory_space<vmem>>
        %dma_wait3A_265 = arith.constant 0 : i32
        %dma_wait3A_266 = arith.constant 0 : i32
        %dma_wait3A_267 = tpu.memref_slice %arg2[%dma_wait3A_265, %dma_wait3A_266] : memref<20000x64xf32, #tpu.memory_space<hbm>> -> memref<20000x64xf32, #tpu.memory_space<hbm>>
        tpu.wait_indirect_dma semaphore(%arg13 : memref<!tpu.dma_semaphore, #tpu.memory_space<semaphore_mem>>) src(%dma_wait3A_267 : memref<20000x64xf32, #tpu.memory_space<hbm>>) dst(%dma_wait3A_261 : memref<128x64xf32, #tpu.memory_space<vmem>>)
        %add3A_268 = arith.constant 3 : i32
        %add3A_269 = arith.addi %scan3A_135, %add3A_268 : i32
        %lt3A_270 = arith.constant 160 : i32
        %lt3A_271 = arith.cmpi slt, %add3A_269, %lt3A_270 : i32
        %convert_element_type3A_272 = arith.extui %lt3A_271 : i1 to i32
        %cond3A_273 = arith.constant 0 : i32
        %cond3A_274 = arith.cmpi ne, %convert_element_type3A_272, %cond3A_273 : i32
        scf.if %cond3A_274 {
          %ge3A = arith.constant 3 : i32
          %ge3A_286 = arith.cmpi sge, %scan3A_135, %ge3A : i32
          %convert_element_type3A_287 = arith.extui %ge3A_286 : i1 to i32
          %cond3A_288 = arith.constant 0 : i32
          %cond3A_289 = arith.cmpi ne, %convert_element_type3A_287, %cond3A_288 : i32
          scf.if %cond3A_289 {
            %dma_wait3A_303 = arith.constant 3 : i32
            %dma_wait3A_304 = arith.constant 0 : i32
            %dma_wait3A_305 = arith.constant 0 : i32
            %dma_wait3A_306 = arith.constant 0 : i32
            %dma_wait3A_307 = tpu.memref_slice %arg11[%dma_wait3A_303, %dma_wait3A_305, %dma_wait3A_306] : memref<6x128x64xf32, #tpu.memory_space<vmem>> -> memref<1x128x64xf32, #tpu.memory_space<vmem>>
            %dma_wait3A_308 = tpu.memref_squeeze %dma_wait3A_307 : memref<1x128x64xf32, #tpu.memory_space<vmem>> -> memref<128x64xf32, #tpu.memory_space<vmem>>
            %dma_wait3A_309 = arith.constant 0 : i32
            %dma_wait3A_310 = tpu.memref_slice %arg10[%dma_wait3A_304, %dma_wait3A_309] : memref<160x128xi32, #tpu.memory_space<vmem>> -> memref<1x128xi32, #tpu.memory_space<vmem>>
            %dma_wait3A_311 = tpu.memref_squeeze %dma_wait3A_310 : memref<1x128xi32, #tpu.memory_space<vmem>> -> memref<128xi32, #tpu.memory_space<vmem>>
            %dma_wait3A_312 = arith.constant 0 : i32
            %dma_wait3A_313 = arith.constant 0 : i32
            %dma_wait3A_314 = tpu.memref_slice %arg12[%dma_wait3A_312, %dma_wait3A_313] : memref<10112x64xf32, #tpu.memory_space<vmem_shared>> -> memref<10112x64xf32, #tpu.memory_space<vmem_shared>>
            tpu.wait_indirect_dma semaphore(%arg16 : memref<!tpu.dma_semaphore, #tpu.memory_space<semaphore_mem>>) src(%dma_wait3A_308 : memref<128x64xf32, #tpu.memory_space<vmem>>) dst(%dma_wait3A_314 : memref<10112x64xf32, #tpu.memory_space<vmem_shared>>)
          } else {
          }
          %add3A_290 = arith.constant 3 : i32
          %add3A_291 = arith.addi %scan3A_135, %add3A_290 : i32
          %dma_start3A_292 = arith.constant 3 : i32
          %dma_start3A_293 = arith.constant 0 : i32
          %dma_start3A_294 = arith.constant 0 : i32
          %dma_start3A_295 = tpu.memref_slice %arg11[%dma_start3A_292, %dma_start3A_293, %dma_start3A_294] : memref<6x128x64xf32, #tpu.memory_space<vmem>> -> memref<1x128x64xf32, #tpu.memory_space<vmem>>
          %dma_start3A_296 = tpu.memref_squeeze %dma_start3A_295 : memref<1x128x64xf32, #tpu.memory_space<vmem>> -> memref<128x64xf32, #tpu.memory_space<vmem>>
          %dma_start3A_297 = arith.constant 0 : i32
          %dma_start3A_298 = tpu.memref_slice %arg9[%add3A_291, %dma_start3A_297] : memref<160x128xi32, #tpu.memory_space<vmem>> -> memref<1x128xi32, #tpu.memory_space<vmem>>
          %dma_start3A_299 = tpu.memref_squeeze %dma_start3A_298 : memref<1x128xi32, #tpu.memory_space<vmem>> -> memref<128xi32, #tpu.memory_space<vmem>>
          %dma_start3A_300 = arith.constant 0 : i32
          %dma_start3A_301 = arith.constant 0 : i32
          %dma_start3A_302 = tpu.memref_slice %arg2[%dma_start3A_300, %dma_start3A_301] : memref<20000x64xf32, #tpu.memory_space<hbm>> -> memref<20000x64xf32, #tpu.memory_space<hbm>>
          tpu.enqueue_indirect_dma source(%dma_start3A_302 : memref<20000x64xf32, #tpu.memory_space<hbm>>) target(%dma_start3A_296 : memref<128x64xf32, #tpu.memory_space<vmem>>) offsets(%dma_start3A_299 : memref<128xi32, #tpu.memory_space<vmem>>) semaphore(%arg13 : memref<!tpu.dma_semaphore, #tpu.memory_space<semaphore_mem>>)
        } else {
        }
        %dma_start3A_275 = arith.constant 0 : i32
        %dma_start3A_276 = arith.constant 0 : i32
        %dma_start3A_277 = arith.constant 0 : i32
        %dma_start3A_278 = tpu.memref_slice %arg11[%dma_start3A_275, %dma_start3A_276, %dma_start3A_277] : memref<6x128x64xf32, #tpu.memory_space<vmem>> -> memref<1x128x64xf32, #tpu.memory_space<vmem>>
        %dma_start3A_279 = tpu.memref_squeeze %dma_start3A_278 : memref<1x128x64xf32, #tpu.memory_space<vmem>> -> memref<128x64xf32, #tpu.memory_space<vmem>>
        %dma_start3A_280 = arith.constant 0 : i32
        %dma_start3A_281 = tpu.memref_slice %arg10[%scan3A_135, %dma_start3A_280] : memref<160x128xi32, #tpu.memory_space<vmem>> -> memref<1x128xi32, #tpu.memory_space<vmem>>
        %dma_start3A_282 = tpu.memref_squeeze %dma_start3A_281 : memref<1x128xi32, #tpu.memory_space<vmem>> -> memref<128xi32, #tpu.memory_space<vmem>>
        %dma_start3A_283 = arith.constant 0 : i32
        %dma_start3A_284 = arith.constant 0 : i32
        %dma_start3A_285 = tpu.memref_slice %arg12[%dma_start3A_283, %dma_start3A_284] : memref<10112x64xf32, #tpu.memory_space<vmem_shared>> -> memref<10112x64xf32, #tpu.memory_space<vmem_shared>>
        tpu.enqueue_indirect_dma source(%dma_start3A_279 : memref<128x64xf32, #tpu.memory_space<vmem>>) target(%dma_start3A_285 : memref<10112x64xf32, #tpu.memory_space<vmem_shared>>) offsets(%dma_start3A_282 : memref<128xi32, #tpu.memory_space<vmem>>) semaphore(%arg16 : memref<!tpu.dma_semaphore, #tpu.memory_space<semaphore_mem>>) {add = true}
      } else {
      }
      %jit3A_151 = arith.constant 6 : i32
      %eq3A_152 = arith.constant 0 : i32
      %eq3A_153 = arith.cmpi eq, %jit3A_151, %eq3A_152 : i32
      %jit3A_154 = arith.constant 1 : i32
      %select_n3A_155 = arith.select %eq3A_153, %jit3A_154, %jit3A_151 : i32
      %rem3A_156 = arith.remsi %scan3A_135, %select_n3A_155 : i32
      %ne3A_157 = arith.constant 0 : i32
      %ne3A_158 = arith.cmpi ne, %rem3A_156, %ne3A_157 : i32
      %lt3A_159 = arith.constant 0 : i32
      %lt3A_160 = arith.cmpi slt, %rem3A_156, %lt3A_159 : i32
      %lt3A_161 = arith.constant 0 : i32
      %lt3A_162 = arith.cmpi slt, %select_n3A_155, %lt3A_161 : i32
      %ne3A_163 = arith.xori %lt3A_160, %lt3A_162 : i1
      %and3A_164 = arith.andi %ne3A_163, %ne3A_158 : i1
      %add3A_165 = arith.addi %rem3A_156, %select_n3A_155 : i32
      %select_n3A_166 = arith.select %and3A_164, %add3A_165, %rem3A_156 : i32
      %eq3A_167 = arith.constant 1 : i32
      %eq3A_168 = arith.cmpi eq, %select_n3A_166, %eq3A_167 : i32
      %convert_element_type3A_169 = arith.extui %eq3A_168 : i1 to i32
      %cond3A_170 = arith.constant 0 : i32
      %cond3A_171 = arith.cmpi ne, %convert_element_type3A_169, %cond3A_170 : i32
      scf.if %cond3A_171 {
        %dma_wait3A_256 = arith.constant 0 : i32
        %dma_wait3A_257 = arith.constant 1 : i32
        %dma_wait3A_258 = arith.constant 0 : i32
        %dma_wait3A_259 = arith.constant 0 : i32
        %dma_wait3A_260 = tpu.memref_slice %arg11[%dma_wait3A_257, %dma_wait3A_258, %dma_wait3A_259] : memref<6x128x64xf32, #tpu.memory_space<vmem>> -> memref<1x128x64xf32, #tpu.memory_space<vmem>>
        %dma_wait3A_261 = tpu.memref_squeeze %dma_wait3A_260 : memref<1x128x64xf32, #tpu.memory_space<vmem>> -> memref<128x64xf32, #tpu.memory_space<vmem>>
        %dma_wait3A_262 = arith.constant 0 : i32
        %dma_wait3A_263 = tpu.memref_slice %arg9[%dma_wait3A_256, %dma_wait3A_262] : memref<160x128xi32, #tpu.memory_space<vmem>> -> memref<1x128xi32, #tpu.memory_space<vmem>>
        %dma_wait3A_264 = tpu.memref_squeeze %dma_wait3A_263 : memref<1x128xi32, #tpu.memory_space<vmem>> -> memref<128xi32, #tpu.memory_space<vmem>>
        %dma_wait3A_265 = arith.constant 0 : i32
        %dma_wait3A_266 = arith.constant 0 : i32
        %dma_wait3A_267 = tpu.memref_slice %arg2[%dma_wait3A_265, %dma_wait3A_266] : memref<20000x64xf32, #tpu.memory_space<hbm>> -> memref<20000x64xf32, #tpu.memory_space<hbm>>
        tpu.wait_indirect_dma semaphore(%arg14 : memref<!tpu.dma_semaphore, #tpu.memory_space<semaphore_mem>>) src(%dma_wait3A_267 : memref<20000x64xf32, #tpu.memory_space<hbm>>) dst(%dma_wait3A_261 : memref<128x64xf32, #tpu.memory_space<vmem>>)
        %add3A_268 = arith.constant 3 : i32
        %add3A_269 = arith.addi %scan3A_135, %add3A_268 : i32
        %lt3A_270 = arith.constant 160 : i32
        %lt3A_271 = arith.cmpi slt, %add3A_269, %lt3A_270 : i32
        %convert_element_type3A_272 = arith.extui %lt3A_271 : i1 to i32
        %cond3A_273 = arith.constant 0 : i32
        %cond3A_274 = arith.cmpi ne, %convert_element_type3A_272, %cond3A_273 : i32
        scf.if %cond3A_274 {
          %ge3A = arith.constant 3 : i32
          %ge3A_286 = arith.cmpi sge, %scan3A_135, %ge3A : i32
          %convert_element_type3A_287 = arith.extui %ge3A_286 : i1 to i32
          %cond3A_288 = arith.constant 0 : i32
          %cond3A_289 = arith.cmpi ne, %convert_element_type3A_287, %cond3A_288 : i32
          scf.if %cond3A_289 {
            %dma_wait3A_303 = arith.constant 4 : i32
            %dma_wait3A_304 = arith.constant 0 : i32
            %dma_wait3A_305 = arith.constant 0 : i32
            %dma_wait3A_306 = arith.constant 0 : i32
            %dma_wait3A_307 = tpu.memref_slice %arg11[%dma_wait3A_303, %dma_wait3A_305, %dma_wait3A_306] : memref<6x128x64xf32, #tpu.memory_space<vmem>> -> memref<1x128x64xf32, #tpu.memory_space<vmem>>
            %dma_wait3A_308 = tpu.memref_squeeze %dma_wait3A_307 : memref<1x128x64xf32, #tpu.memory_space<vmem>> -> memref<128x64xf32, #tpu.memory_space<vmem>>
            %dma_wait3A_309 = arith.constant 0 : i32
            %dma_wait3A_310 = tpu.memref_slice %arg10[%dma_wait3A_304, %dma_wait3A_309] : memref<160x128xi32, #tpu.memory_space<vmem>> -> memref<1x128xi32, #tpu.memory_space<vmem>>
            %dma_wait3A_311 = tpu.memref_squeeze %dma_wait3A_310 : memref<1x128xi32, #tpu.memory_space<vmem>> -> memref<128xi32, #tpu.memory_space<vmem>>
            %dma_wait3A_312 = arith.constant 0 : i32
            %dma_wait3A_313 = arith.constant 0 : i32
            %dma_wait3A_314 = tpu.memref_slice %arg12[%dma_wait3A_312, %dma_wait3A_313] : memref<10112x64xf32, #tpu.memory_space<vmem_shared>> -> memref<10112x64xf32, #tpu.memory_space<vmem_shared>>
            tpu.wait_indirect_dma semaphore(%arg17 : memref<!tpu.dma_semaphore, #tpu.memory_space<semaphore_mem>>) src(%dma_wait3A_308 : memref<128x64xf32, #tpu.memory_space<vmem>>) dst(%dma_wait3A_314 : memref<10112x64xf32, #tpu.memory_space<vmem_shared>>)
          } else {
          }
          %add3A_290 = arith.constant 3 : i32
          %add3A_291 = arith.addi %scan3A_135, %add3A_290 : i32
          %dma_start3A_292 = arith.constant 4 : i32
          %dma_start3A_293 = arith.constant 0 : i32
          %dma_start3A_294 = arith.constant 0 : i32
          %dma_start3A_295 = tpu.memref_slice %arg11[%dma_start3A_292, %dma_start3A_293, %dma_start3A_294] : memref<6x128x64xf32, #tpu.memory_space<vmem>> -> memref<1x128x64xf32, #tpu.memory_space<vmem>>
          %dma_start3A_296 = tpu.memref_squeeze %dma_start3A_295 : memref<1x128x64xf32, #tpu.memory_space<vmem>> -> memref<128x64xf32, #tpu.memory_space<vmem>>
          %dma_start3A_297 = arith.constant 0 : i32
          %dma_start3A_298 = tpu.memref_slice %arg9[%add3A_291, %dma_start3A_297] : memref<160x128xi32, #tpu.memory_space<vmem>> -> memref<1x128xi32, #tpu.memory_space<vmem>>
          %dma_start3A_299 = tpu.memref_squeeze %dma_start3A_298 : memref<1x128xi32, #tpu.memory_space<vmem>> -> memref<128xi32, #tpu.memory_space<vmem>>
          %dma_start3A_300 = arith.constant 0 : i32
          %dma_start3A_301 = arith.constant 0 : i32
          %dma_start3A_302 = tpu.memref_slice %arg2[%dma_start3A_300, %dma_start3A_301] : memref<20000x64xf32, #tpu.memory_space<hbm>> -> memref<20000x64xf32, #tpu.memory_space<hbm>>
          tpu.enqueue_indirect_dma source(%dma_start3A_302 : memref<20000x64xf32, #tpu.memory_space<hbm>>) target(%dma_start3A_296 : memref<128x64xf32, #tpu.memory_space<vmem>>) offsets(%dma_start3A_299 : memref<128xi32, #tpu.memory_space<vmem>>) semaphore(%arg14 : memref<!tpu.dma_semaphore, #tpu.memory_space<semaphore_mem>>)
        } else {
        }
        %dma_start3A_275 = arith.constant 1 : i32
        %dma_start3A_276 = arith.constant 0 : i32
        %dma_start3A_277 = arith.constant 0 : i32
        %dma_start3A_278 = tpu.memref_slice %arg11[%dma_start3A_275, %dma_start3A_276, %dma_start3A_277] : memref<6x128x64xf32, #tpu.memory_space<vmem>> -> memref<1x128x64xf32, #tpu.memory_space<vmem>>
        %dma_start3A_279 = tpu.memref_squeeze %dma_start3A_278 : memref<1x128x64xf32, #tpu.memory_space<vmem>> -> memref<128x64xf32, #tpu.memory_space<vmem>>
        %dma_start3A_280 = arith.constant 0 : i32
        %dma_start3A_281 = tpu.memref_slice %arg10[%scan3A_135, %dma_start3A_280] : memref<160x128xi32, #tpu.memory_space<vmem>> -> memref<1x128xi32, #tpu.memory_space<vmem>>
        %dma_start3A_282 = tpu.memref_squeeze %dma_start3A_281 : memref<1x128xi32, #tpu.memory_space<vmem>> -> memref<128xi32, #tpu.memory_space<vmem>>
        %dma_start3A_283 = arith.constant 0 : i32
        %dma_start3A_284 = arith.constant 0 : i32
        %dma_start3A_285 = tpu.memref_slice %arg12[%dma_start3A_283, %dma_start3A_284] : memref<10112x64xf32, #tpu.memory_space<vmem_shared>> -> memref<10112x64xf32, #tpu.memory_space<vmem_shared>>
        tpu.enqueue_indirect_dma source(%dma_start3A_279 : memref<128x64xf32, #tpu.memory_space<vmem>>) target(%dma_start3A_285 : memref<10112x64xf32, #tpu.memory_space<vmem_shared>>) offsets(%dma_start3A_282 : memref<128xi32, #tpu.memory_space<vmem>>) semaphore(%arg17 : memref<!tpu.dma_semaphore, #tpu.memory_space<semaphore_mem>>) {add = true}
      } else {
      }
      %jit3A_172 = arith.constant 6 : i32
      %eq3A_173 = arith.constant 0 : i32
      %eq3A_174 = arith.cmpi eq, %jit3A_172, %eq3A_173 : i32
      %jit3A_175 = arith.constant 1 : i32
      %select_n3A_176 = arith.select %eq3A_174, %jit3A_175, %jit3A_172 : i32
      %rem3A_177 = arith.remsi %scan3A_135, %select_n3A_176 : i32
      %ne3A_178 = arith.constant 0 : i32
      %ne3A_179 = arith.cmpi ne, %rem3A_177, %ne3A_178 : i32
      %lt3A_180 = arith.constant 0 : i32
      %lt3A_181 = arith.cmpi slt, %rem3A_177, %lt3A_180 : i32
      %lt3A_182 = arith.constant 0 : i32
      %lt3A_183 = arith.cmpi slt, %select_n3A_176, %lt3A_182 : i32
      %ne3A_184 = arith.xori %lt3A_181, %lt3A_183 : i1
      %and3A_185 = arith.andi %ne3A_184, %ne3A_179 : i1
      %add3A_186 = arith.addi %rem3A_177, %select_n3A_176 : i32
      %select_n3A_187 = arith.select %and3A_185, %add3A_186, %rem3A_177 : i32
      %eq3A_188 = arith.constant 2 : i32
      %eq3A_189 = arith.cmpi eq, %select_n3A_187, %eq3A_188 : i32
      %convert_element_type3A_190 = arith.extui %eq3A_189 : i1 to i32
      %cond3A_191 = arith.constant 0 : i32
      %cond3A_192 = arith.cmpi ne, %convert_element_type3A_190, %cond3A_191 : i32
      scf.if %cond3A_192 {
        %dma_wait3A_256 = arith.constant 0 : i32
        %dma_wait3A_257 = arith.constant 2 : i32
        %dma_wait3A_258 = arith.constant 0 : i32
        %dma_wait3A_259 = arith.constant 0 : i32
        %dma_wait3A_260 = tpu.memref_slice %arg11[%dma_wait3A_257, %dma_wait3A_258, %dma_wait3A_259] : memref<6x128x64xf32, #tpu.memory_space<vmem>> -> memref<1x128x64xf32, #tpu.memory_space<vmem>>
        %dma_wait3A_261 = tpu.memref_squeeze %dma_wait3A_260 : memref<1x128x64xf32, #tpu.memory_space<vmem>> -> memref<128x64xf32, #tpu.memory_space<vmem>>
        %dma_wait3A_262 = arith.constant 0 : i32
        %dma_wait3A_263 = tpu.memref_slice %arg9[%dma_wait3A_256, %dma_wait3A_262] : memref<160x128xi32, #tpu.memory_space<vmem>> -> memref<1x128xi32, #tpu.memory_space<vmem>>
        %dma_wait3A_264 = tpu.memref_squeeze %dma_wait3A_263 : memref<1x128xi32, #tpu.memory_space<vmem>> -> memref<128xi32, #tpu.memory_space<vmem>>
        %dma_wait3A_265 = arith.constant 0 : i32
        %dma_wait3A_266 = arith.constant 0 : i32
        %dma_wait3A_267 = tpu.memref_slice %arg2[%dma_wait3A_265, %dma_wait3A_266] : memref<20000x64xf32, #tpu.memory_space<hbm>> -> memref<20000x64xf32, #tpu.memory_space<hbm>>
        tpu.wait_indirect_dma semaphore(%arg15 : memref<!tpu.dma_semaphore, #tpu.memory_space<semaphore_mem>>) src(%dma_wait3A_267 : memref<20000x64xf32, #tpu.memory_space<hbm>>) dst(%dma_wait3A_261 : memref<128x64xf32, #tpu.memory_space<vmem>>)
        %add3A_268 = arith.constant 3 : i32
        %add3A_269 = arith.addi %scan3A_135, %add3A_268 : i32
        %lt3A_270 = arith.constant 160 : i32
        %lt3A_271 = arith.cmpi slt, %add3A_269, %lt3A_270 : i32
        %convert_element_type3A_272 = arith.extui %lt3A_271 : i1 to i32
        %cond3A_273 = arith.constant 0 : i32
        %cond3A_274 = arith.cmpi ne, %convert_element_type3A_272, %cond3A_273 : i32
        scf.if %cond3A_274 {
          %ge3A = arith.constant 3 : i32
          %ge3A_286 = arith.cmpi sge, %scan3A_135, %ge3A : i32
          %convert_element_type3A_287 = arith.extui %ge3A_286 : i1 to i32
          %cond3A_288 = arith.constant 0 : i32
          %cond3A_289 = arith.cmpi ne, %convert_element_type3A_287, %cond3A_288 : i32
          scf.if %cond3A_289 {
            %dma_wait3A_303 = arith.constant 5 : i32
            %dma_wait3A_304 = arith.constant 0 : i32
            %dma_wait3A_305 = arith.constant 0 : i32
            %dma_wait3A_306 = arith.constant 0 : i32
            %dma_wait3A_307 = tpu.memref_slice %arg11[%dma_wait3A_303, %dma_wait3A_305, %dma_wait3A_306] : memref<6x128x64xf32, #tpu.memory_space<vmem>> -> memref<1x128x64xf32, #tpu.memory_space<vmem>>
            %dma_wait3A_308 = tpu.memref_squeeze %dma_wait3A_307 : memref<1x128x64xf32, #tpu.memory_space<vmem>> -> memref<128x64xf32, #tpu.memory_space<vmem>>
            %dma_wait3A_309 = arith.constant 0 : i32
            %dma_wait3A_310 = tpu.memref_slice %arg10[%dma_wait3A_304, %dma_wait3A_309] : memref<160x128xi32, #tpu.memory_space<vmem>> -> memref<1x128xi32, #tpu.memory_space<vmem>>
            %dma_wait3A_311 = tpu.memref_squeeze %dma_wait3A_310 : memref<1x128xi32, #tpu.memory_space<vmem>> -> memref<128xi32, #tpu.memory_space<vmem>>
            %dma_wait3A_312 = arith.constant 0 : i32
            %dma_wait3A_313 = arith.constant 0 : i32
            %dma_wait3A_314 = tpu.memref_slice %arg12[%dma_wait3A_312, %dma_wait3A_313] : memref<10112x64xf32, #tpu.memory_space<vmem_shared>> -> memref<10112x64xf32, #tpu.memory_space<vmem_shared>>
            tpu.wait_indirect_dma semaphore(%arg18 : memref<!tpu.dma_semaphore, #tpu.memory_space<semaphore_mem>>) src(%dma_wait3A_308 : memref<128x64xf32, #tpu.memory_space<vmem>>) dst(%dma_wait3A_314 : memref<10112x64xf32, #tpu.memory_space<vmem_shared>>)
          } else {
          }
          %add3A_290 = arith.constant 3 : i32
          %add3A_291 = arith.addi %scan3A_135, %add3A_290 : i32
          %dma_start3A_292 = arith.constant 5 : i32
          %dma_start3A_293 = arith.constant 0 : i32
          %dma_start3A_294 = arith.constant 0 : i32
          %dma_start3A_295 = tpu.memref_slice %arg11[%dma_start3A_292, %dma_start3A_293, %dma_start3A_294] : memref<6x128x64xf32, #tpu.memory_space<vmem>> -> memref<1x128x64xf32, #tpu.memory_space<vmem>>
          %dma_start3A_296 = tpu.memref_squeeze %dma_start3A_295 : memref<1x128x64xf32, #tpu.memory_space<vmem>> -> memref<128x64xf32, #tpu.memory_space<vmem>>
          %dma_start3A_297 = arith.constant 0 : i32
          %dma_start3A_298 = tpu.memref_slice %arg9[%add3A_291, %dma_start3A_297] : memref<160x128xi32, #tpu.memory_space<vmem>> -> memref<1x128xi32, #tpu.memory_space<vmem>>
          %dma_start3A_299 = tpu.memref_squeeze %dma_start3A_298 : memref<1x128xi32, #tpu.memory_space<vmem>> -> memref<128xi32, #tpu.memory_space<vmem>>
          %dma_start3A_300 = arith.constant 0 : i32
          %dma_start3A_301 = arith.constant 0 : i32
          %dma_start3A_302 = tpu.memref_slice %arg2[%dma_start3A_300, %dma_start3A_301] : memref<20000x64xf32, #tpu.memory_space<hbm>> -> memref<20000x64xf32, #tpu.memory_space<hbm>>
          tpu.enqueue_indirect_dma source(%dma_start3A_302 : memref<20000x64xf32, #tpu.memory_space<hbm>>) target(%dma_start3A_296 : memref<128x64xf32, #tpu.memory_space<vmem>>) offsets(%dma_start3A_299 : memref<128xi32, #tpu.memory_space<vmem>>) semaphore(%arg15 : memref<!tpu.dma_semaphore, #tpu.memory_space<semaphore_mem>>)
        } else {
        }
        %dma_start3A_275 = arith.constant 2 : i32
        %dma_start3A_276 = arith.constant 0 : i32
        %dma_start3A_277 = arith.constant 0 : i32
        %dma_start3A_278 = tpu.memref_slice %arg11[%dma_start3A_275, %dma_start3A_276, %dma_start3A_277] : memref<6x128x64xf32, #tpu.memory_space<vmem>> -> memref<1x128x64xf32, #tpu.memory_space<vmem>>
        %dma_start3A_279 = tpu.memref_squeeze %dma_start3A_278 : memref<1x128x64xf32, #tpu.memory_space<vmem>> -> memref<128x64xf32, #tpu.memory_space<vmem>>
        %dma_start3A_280 = arith.constant 0 : i32
        %dma_start3A_281 = tpu.memref_slice %arg10[%scan3A_135, %dma_start3A_280] : memref<160x128xi32, #tpu.memory_space<vmem>> -> memref<1x128xi32, #tpu.memory_space<vmem>>
        %dma_start3A_282 = tpu.memref_squeeze %dma_start3A_281 : memref<1x128xi32, #tpu.memory_space<vmem>> -> memref<128xi32, #tpu.memory_space<vmem>>
        %dma_start3A_283 = arith.constant 0 : i32
        %dma_start3A_284 = arith.constant 0 : i32
        %dma_start3A_285 = tpu.memref_slice %arg12[%dma_start3A_283, %dma_start3A_284] : memref<10112x64xf32, #tpu.memory_space<vmem_shared>> -> memref<10112x64xf32, #tpu.memory_space<vmem_shared>>
        tpu.enqueue_indirect_dma source(%dma_start3A_279 : memref<128x64xf32, #tpu.memory_space<vmem>>) target(%dma_start3A_285 : memref<10112x64xf32, #tpu.memory_space<vmem_shared>>) offsets(%dma_start3A_282 : memref<128xi32, #tpu.memory_space<vmem>>) semaphore(%arg18 : memref<!tpu.dma_semaphore, #tpu.memory_space<semaphore_mem>>) {add = true}
      } else {
      }
      %jit3A_193 = arith.constant 6 : i32
      %eq3A_194 = arith.constant 0 : i32
      %eq3A_195 = arith.cmpi eq, %jit3A_193, %eq3A_194 : i32
      %jit3A_196 = arith.constant 1 : i32
      %select_n3A_197 = arith.select %eq3A_195, %jit3A_196, %jit3A_193 : i32
      %rem3A_198 = arith.remsi %scan3A_135, %select_n3A_197 : i32
      %ne3A_199 = arith.constant 0 : i32
      %ne3A_200 = arith.cmpi ne, %rem3A_198, %ne3A_199 : i32
      %lt3A_201 = arith.constant 0 : i32
      %lt3A_202 = arith.cmpi slt, %rem3A_198, %lt3A_201 : i32
      %lt3A_203 = arith.constant 0 : i32
      %lt3A_204 = arith.cmpi slt, %select_n3A_197, %lt3A_203 : i32
      %ne3A_205 = arith.xori %lt3A_202, %lt3A_204 : i1
      %and3A_206 = arith.andi %ne3A_205, %ne3A_200 : i1
      %add3A_207 = arith.addi %rem3A_198, %select_n3A_197 : i32
      %select_n3A_208 = arith.select %and3A_206, %add3A_207, %rem3A_198 : i32
      %eq3A_209 = arith.constant 3 : i32
      %eq3A_210 = arith.cmpi eq, %select_n3A_208, %eq3A_209 : i32
      %convert_element_type3A_211 = arith.extui %eq3A_210 : i1 to i32
      %cond3A_212 = arith.constant 0 : i32
      %cond3A_213 = arith.cmpi ne, %convert_element_type3A_211, %cond3A_212 : i32
      scf.if %cond3A_213 {
        %dma_wait3A_256 = arith.constant 0 : i32
        %dma_wait3A_257 = arith.constant 3 : i32
        %dma_wait3A_258 = arith.constant 0 : i32
        %dma_wait3A_259 = arith.constant 0 : i32
        %dma_wait3A_260 = tpu.memref_slice %arg11[%dma_wait3A_257, %dma_wait3A_258, %dma_wait3A_259] : memref<6x128x64xf32, #tpu.memory_space<vmem>> -> memref<1x128x64xf32, #tpu.memory_space<vmem>>
        %dma_wait3A_261 = tpu.memref_squeeze %dma_wait3A_260 : memref<1x128x64xf32, #tpu.memory_space<vmem>> -> memref<128x64xf32, #tpu.memory_space<vmem>>
        %dma_wait3A_262 = arith.constant 0 : i32
        %dma_wait3A_263 = tpu.memref_slice %arg9[%dma_wait3A_256, %dma_wait3A_262] : memref<160x128xi32, #tpu.memory_space<vmem>> -> memref<1x128xi32, #tpu.memory_space<vmem>>
        %dma_wait3A_264 = tpu.memref_squeeze %dma_wait3A_263 : memref<1x128xi32, #tpu.memory_space<vmem>> -> memref<128xi32, #tpu.memory_space<vmem>>
        %dma_wait3A_265 = arith.constant 0 : i32
        %dma_wait3A_266 = arith.constant 0 : i32
        %dma_wait3A_267 = tpu.memref_slice %arg2[%dma_wait3A_265, %dma_wait3A_266] : memref<20000x64xf32, #tpu.memory_space<hbm>> -> memref<20000x64xf32, #tpu.memory_space<hbm>>
        tpu.wait_indirect_dma semaphore(%arg13 : memref<!tpu.dma_semaphore, #tpu.memory_space<semaphore_mem>>) src(%dma_wait3A_267 : memref<20000x64xf32, #tpu.memory_space<hbm>>) dst(%dma_wait3A_261 : memref<128x64xf32, #tpu.memory_space<vmem>>)
        %add3A_268 = arith.constant 3 : i32
        %add3A_269 = arith.addi %scan3A_135, %add3A_268 : i32
        %lt3A_270 = arith.constant 160 : i32
        %lt3A_271 = arith.cmpi slt, %add3A_269, %lt3A_270 : i32
        %convert_element_type3A_272 = arith.extui %lt3A_271 : i1 to i32
        %cond3A_273 = arith.constant 0 : i32
        %cond3A_274 = arith.cmpi ne, %convert_element_type3A_272, %cond3A_273 : i32
        scf.if %cond3A_274 {
          %ge3A = arith.constant 3 : i32
          %ge3A_286 = arith.cmpi sge, %scan3A_135, %ge3A : i32
          %convert_element_type3A_287 = arith.extui %ge3A_286 : i1 to i32
          %cond3A_288 = arith.constant 0 : i32
          %cond3A_289 = arith.cmpi ne, %convert_element_type3A_287, %cond3A_288 : i32
          scf.if %cond3A_289 {
            %dma_wait3A_303 = arith.constant 0 : i32
            %dma_wait3A_304 = arith.constant 0 : i32
            %dma_wait3A_305 = arith.constant 0 : i32
            %dma_wait3A_306 = arith.constant 0 : i32
            %dma_wait3A_307 = tpu.memref_slice %arg11[%dma_wait3A_303, %dma_wait3A_305, %dma_wait3A_306] : memref<6x128x64xf32, #tpu.memory_space<vmem>> -> memref<1x128x64xf32, #tpu.memory_space<vmem>>
            %dma_wait3A_308 = tpu.memref_squeeze %dma_wait3A_307 : memref<1x128x64xf32, #tpu.memory_space<vmem>> -> memref<128x64xf32, #tpu.memory_space<vmem>>
            %dma_wait3A_309 = arith.constant 0 : i32
            %dma_wait3A_310 = tpu.memref_slice %arg10[%dma_wait3A_304, %dma_wait3A_309] : memref<160x128xi32, #tpu.memory_space<vmem>> -> memref<1x128xi32, #tpu.memory_space<vmem>>
            %dma_wait3A_311 = tpu.memref_squeeze %dma_wait3A_310 : memref<1x128xi32, #tpu.memory_space<vmem>> -> memref<128xi32, #tpu.memory_space<vmem>>
            %dma_wait3A_312 = arith.constant 0 : i32
            %dma_wait3A_313 = arith.constant 0 : i32
            %dma_wait3A_314 = tpu.memref_slice %arg12[%dma_wait3A_312, %dma_wait3A_313] : memref<10112x64xf32, #tpu.memory_space<vmem_shared>> -> memref<10112x64xf32, #tpu.memory_space<vmem_shared>>
            tpu.wait_indirect_dma semaphore(%arg16 : memref<!tpu.dma_semaphore, #tpu.memory_space<semaphore_mem>>) src(%dma_wait3A_308 : memref<128x64xf32, #tpu.memory_space<vmem>>) dst(%dma_wait3A_314 : memref<10112x64xf32, #tpu.memory_space<vmem_shared>>)
          } else {
          }
          %add3A_290 = arith.constant 3 : i32
          %add3A_291 = arith.addi %scan3A_135, %add3A_290 : i32
          %dma_start3A_292 = arith.constant 0 : i32
          %dma_start3A_293 = arith.constant 0 : i32
          %dma_start3A_294 = arith.constant 0 : i32
          %dma_start3A_295 = tpu.memref_slice %arg11[%dma_start3A_292, %dma_start3A_293, %dma_start3A_294] : memref<6x128x64xf32, #tpu.memory_space<vmem>> -> memref<1x128x64xf32, #tpu.memory_space<vmem>>
          %dma_start3A_296 = tpu.memref_squeeze %dma_start3A_295 : memref<1x128x64xf32, #tpu.memory_space<vmem>> -> memref<128x64xf32, #tpu.memory_space<vmem>>
          %dma_start3A_297 = arith.constant 0 : i32
          %dma_start3A_298 = tpu.memref_slice %arg9[%add3A_291, %dma_start3A_297] : memref<160x128xi32, #tpu.memory_space<vmem>> -> memref<1x128xi32, #tpu.memory_space<vmem>>
          %dma_start3A_299 = tpu.memref_squeeze %dma_start3A_298 : memref<1x128xi32, #tpu.memory_space<vmem>> -> memref<128xi32, #tpu.memory_space<vmem>>
          %dma_start3A_300 = arith.constant 0 : i32
          %dma_start3A_301 = arith.constant 0 : i32
          %dma_start3A_302 = tpu.memref_slice %arg2[%dma_start3A_300, %dma_start3A_301] : memref<20000x64xf32, #tpu.memory_space<hbm>> -> memref<20000x64xf32, #tpu.memory_space<hbm>>
          tpu.enqueue_indirect_dma source(%dma_start3A_302 : memref<20000x64xf32, #tpu.memory_space<hbm>>) target(%dma_start3A_296 : memref<128x64xf32, #tpu.memory_space<vmem>>) offsets(%dma_start3A_299 : memref<128xi32, #tpu.memory_space<vmem>>) semaphore(%arg13 : memref<!tpu.dma_semaphore, #tpu.memory_space<semaphore_mem>>)
        } else {
        }
        %dma_start3A_275 = arith.constant 3 : i32
        %dma_start3A_276 = arith.constant 0 : i32
        %dma_start3A_277 = arith.constant 0 : i32
        %dma_start3A_278 = tpu.memref_slice %arg11[%dma_start3A_275, %dma_start3A_276, %dma_start3A_277] : memref<6x128x64xf32, #tpu.memory_space<vmem>> -> memref<1x128x64xf32, #tpu.memory_space<vmem>>
        %dma_start3A_279 = tpu.memref_squeeze %dma_start3A_278 : memref<1x128x64xf32, #tpu.memory_space<vmem>> -> memref<128x64xf32, #tpu.memory_space<vmem>>
        %dma_start3A_280 = arith.constant 0 : i32
        %dma_start3A_281 = tpu.memref_slice %arg10[%scan3A_135, %dma_start3A_280] : memref<160x128xi32, #tpu.memory_space<vmem>> -> memref<1x128xi32, #tpu.memory_space<vmem>>
        %dma_start3A_282 = tpu.memref_squeeze %dma_start3A_281 : memref<1x128xi32, #tpu.memory_space<vmem>> -> memref<128xi32, #tpu.memory_space<vmem>>
        %dma_start3A_283 = arith.constant 0 : i32
        %dma_start3A_284 = arith.constant 0 : i32
        %dma_start3A_285 = tpu.memref_slice %arg12[%dma_start3A_283, %dma_start3A_284] : memref<10112x64xf32, #tpu.memory_space<vmem_shared>> -> memref<10112x64xf32, #tpu.memory_space<vmem_shared>>
        tpu.enqueue_indirect_dma source(%dma_start3A_279 : memref<128x64xf32, #tpu.memory_space<vmem>>) target(%dma_start3A_285 : memref<10112x64xf32, #tpu.memory_space<vmem_shared>>) offsets(%dma_start3A_282 : memref<128xi32, #tpu.memory_space<vmem>>) semaphore(%arg16 : memref<!tpu.dma_semaphore, #tpu.memory_space<semaphore_mem>>) {add = true}
      } else {
      }
      %jit3A_214 = arith.constant 6 : i32
      %eq3A_215 = arith.constant 0 : i32
      %eq3A_216 = arith.cmpi eq, %jit3A_214, %eq3A_215 : i32
      %jit3A_217 = arith.constant 1 : i32
      %select_n3A_218 = arith.select %eq3A_216, %jit3A_217, %jit3A_214 : i32
      %rem3A_219 = arith.remsi %scan3A_135, %select_n3A_218 : i32
      %ne3A_220 = arith.constant 0 : i32
      %ne3A_221 = arith.cmpi ne, %rem3A_219, %ne3A_220 : i32
      %lt3A_222 = arith.constant 0 : i32
      %lt3A_223 = arith.cmpi slt, %rem3A_219, %lt3A_222 : i32
      %lt3A_224 = arith.constant 0 : i32
      %lt3A_225 = arith.cmpi slt, %select_n3A_218, %lt3A_224 : i32
      %ne3A_226 = arith.xori %lt3A_223, %lt3A_225 : i1
      %and3A_227 = arith.andi %ne3A_226, %ne3A_221 : i1
      %add3A_228 = arith.addi %rem3A_219, %select_n3A_218 : i32
      %select_n3A_229 = arith.select %and3A_227, %add3A_228, %rem3A_219 : i32
      %eq3A_230 = arith.constant 4 : i32
      %eq3A_231 = arith.cmpi eq, %select_n3A_229, %eq3A_230 : i32
      %convert_element_type3A_232 = arith.extui %eq3A_231 : i1 to i32
      %cond3A_233 = arith.constant 0 : i32
      %cond3A_234 = arith.cmpi ne, %convert_element_type3A_232, %cond3A_233 : i32
      scf.if %cond3A_234 {
        %dma_wait3A_256 = arith.constant 0 : i32
        %dma_wait3A_257 = arith.constant 4 : i32
        %dma_wait3A_258 = arith.constant 0 : i32
        %dma_wait3A_259 = arith.constant 0 : i32
        %dma_wait3A_260 = tpu.memref_slice %arg11[%dma_wait3A_257, %dma_wait3A_258, %dma_wait3A_259] : memref<6x128x64xf32, #tpu.memory_space<vmem>> -> memref<1x128x64xf32, #tpu.memory_space<vmem>>
        %dma_wait3A_261 = tpu.memref_squeeze %dma_wait3A_260 : memref<1x128x64xf32, #tpu.memory_space<vmem>> -> memref<128x64xf32, #tpu.memory_space<vmem>>
        %dma_wait3A_262 = arith.constant 0 : i32
        %dma_wait3A_263 = tpu.memref_slice %arg9[%dma_wait3A_256, %dma_wait3A_262] : memref<160x128xi32, #tpu.memory_space<vmem>> -> memref<1x128xi32, #tpu.memory_space<vmem>>
        %dma_wait3A_264 = tpu.memref_squeeze %dma_wait3A_263 : memref<1x128xi32, #tpu.memory_space<vmem>> -> memref<128xi32, #tpu.memory_space<vmem>>
        %dma_wait3A_265 = arith.constant 0 : i32
        %dma_wait3A_266 = arith.constant 0 : i32
        %dma_wait3A_267 = tpu.memref_slice %arg2[%dma_wait3A_265, %dma_wait3A_266] : memref<20000x64xf32, #tpu.memory_space<hbm>> -> memref<20000x64xf32, #tpu.memory_space<hbm>>
        tpu.wait_indirect_dma semaphore(%arg14 : memref<!tpu.dma_semaphore, #tpu.memory_space<semaphore_mem>>) src(%dma_wait3A_267 : memref<20000x64xf32, #tpu.memory_space<hbm>>) dst(%dma_wait3A_261 : memref<128x64xf32, #tpu.memory_space<vmem>>)
        %add3A_268 = arith.constant 3 : i32
        %add3A_269 = arith.addi %scan3A_135, %add3A_268 : i32
        %lt3A_270 = arith.constant 160 : i32
        %lt3A_271 = arith.cmpi slt, %add3A_269, %lt3A_270 : i32
        %convert_element_type3A_272 = arith.extui %lt3A_271 : i1 to i32
        %cond3A_273 = arith.constant 0 : i32
        %cond3A_274 = arith.cmpi ne, %convert_element_type3A_272, %cond3A_273 : i32
        scf.if %cond3A_274 {
          %ge3A = arith.constant 3 : i32
          %ge3A_286 = arith.cmpi sge, %scan3A_135, %ge3A : i32
          %convert_element_type3A_287 = arith.extui %ge3A_286 : i1 to i32
          %cond3A_288 = arith.constant 0 : i32
          %cond3A_289 = arith.cmpi ne, %convert_element_type3A_287, %cond3A_288 : i32
          scf.if %cond3A_289 {
            %dma_wait3A_303 = arith.constant 1 : i32
            %dma_wait3A_304 = arith.constant 0 : i32
            %dma_wait3A_305 = arith.constant 0 : i32
            %dma_wait3A_306 = arith.constant 0 : i32
            %dma_wait3A_307 = tpu.memref_slice %arg11[%dma_wait3A_303, %dma_wait3A_305, %dma_wait3A_306] : memref<6x128x64xf32, #tpu.memory_space<vmem>> -> memref<1x128x64xf32, #tpu.memory_space<vmem>>
            %dma_wait3A_308 = tpu.memref_squeeze %dma_wait3A_307 : memref<1x128x64xf32, #tpu.memory_space<vmem>> -> memref<128x64xf32, #tpu.memory_space<vmem>>
            %dma_wait3A_309 = arith.constant 0 : i32
            %dma_wait3A_310 = tpu.memref_slice %arg10[%dma_wait3A_304, %dma_wait3A_309] : memref<160x128xi32, #tpu.memory_space<vmem>> -> memref<1x128xi32, #tpu.memory_space<vmem>>
            %dma_wait3A_311 = tpu.memref_squeeze %dma_wait3A_310 : memref<1x128xi32, #tpu.memory_space<vmem>> -> memref<128xi32, #tpu.memory_space<vmem>>
            %dma_wait3A_312 = arith.constant 0 : i32
            %dma_wait3A_313 = arith.constant 0 : i32
            %dma_wait3A_314 = tpu.memref_slice %arg12[%dma_wait3A_312, %dma_wait3A_313] : memref<10112x64xf32, #tpu.memory_space<vmem_shared>> -> memref<10112x64xf32, #tpu.memory_space<vmem_shared>>
            tpu.wait_indirect_dma semaphore(%arg17 : memref<!tpu.dma_semaphore, #tpu.memory_space<semaphore_mem>>) src(%dma_wait3A_308 : memref<128x64xf32, #tpu.memory_space<vmem>>) dst(%dma_wait3A_314 : memref<10112x64xf32, #tpu.memory_space<vmem_shared>>)
          } else {
          }
          %add3A_290 = arith.constant 3 : i32
          %add3A_291 = arith.addi %scan3A_135, %add3A_290 : i32
          %dma_start3A_292 = arith.constant 1 : i32
          %dma_start3A_293 = arith.constant 0 : i32
          %dma_start3A_294 = arith.constant 0 : i32
          %dma_start3A_295 = tpu.memref_slice %arg11[%dma_start3A_292, %dma_start3A_293, %dma_start3A_294] : memref<6x128x64xf32, #tpu.memory_space<vmem>> -> memref<1x128x64xf32, #tpu.memory_space<vmem>>
          %dma_start3A_296 = tpu.memref_squeeze %dma_start3A_295 : memref<1x128x64xf32, #tpu.memory_space<vmem>> -> memref<128x64xf32, #tpu.memory_space<vmem>>
          %dma_start3A_297 = arith.constant 0 : i32
          %dma_start3A_298 = tpu.memref_slice %arg9[%add3A_291, %dma_start3A_297] : memref<160x128xi32, #tpu.memory_space<vmem>> -> memref<1x128xi32, #tpu.memory_space<vmem>>
          %dma_start3A_299 = tpu.memref_squeeze %dma_start3A_298 : memref<1x128xi32, #tpu.memory_space<vmem>> -> memref<128xi32, #tpu.memory_space<vmem>>
          %dma_start3A_300 = arith.constant 0 : i32
          %dma_start3A_301 = arith.constant 0 : i32
          %dma_start3A_302 = tpu.memref_slice %arg2[%dma_start3A_300, %dma_start3A_301] : memref<20000x64xf32, #tpu.memory_space<hbm>> -> memref<20000x64xf32, #tpu.memory_space<hbm>>
          tpu.enqueue_indirect_dma source(%dma_start3A_302 : memref<20000x64xf32, #tpu.memory_space<hbm>>) target(%dma_start3A_296 : memref<128x64xf32, #tpu.memory_space<vmem>>) offsets(%dma_start3A_299 : memref<128xi32, #tpu.memory_space<vmem>>) semaphore(%arg14 : memref<!tpu.dma_semaphore, #tpu.memory_space<semaphore_mem>>)
        } else {
        }
        %dma_start3A_275 = arith.constant 4 : i32
        %dma_start3A_276 = arith.constant 0 : i32
        %dma_start3A_277 = arith.constant 0 : i32
        %dma_start3A_278 = tpu.memref_slice %arg11[%dma_start3A_275, %dma_start3A_276, %dma_start3A_277] : memref<6x128x64xf32, #tpu.memory_space<vmem>> -> memref<1x128x64xf32, #tpu.memory_space<vmem>>
        %dma_start3A_279 = tpu.memref_squeeze %dma_start3A_278 : memref<1x128x64xf32, #tpu.memory_space<vmem>> -> memref<128x64xf32, #tpu.memory_space<vmem>>
        %dma_start3A_280 = arith.constant 0 : i32
        %dma_start3A_281 = tpu.memref_slice %arg10[%scan3A_135, %dma_start3A_280] : memref<160x128xi32, #tpu.memory_space<vmem>> -> memref<1x128xi32, #tpu.memory_space<vmem>>
        %dma_start3A_282 = tpu.memref_squeeze %dma_start3A_281 : memref<1x128xi32, #tpu.memory_space<vmem>> -> memref<128xi32, #tpu.memory_space<vmem>>
        %dma_start3A_283 = arith.constant 0 : i32
        %dma_start3A_284 = arith.constant 0 : i32
        %dma_start3A_285 = tpu.memref_slice %arg12[%dma_start3A_283, %dma_start3A_284] : memref<10112x64xf32, #tpu.memory_space<vmem_shared>> -> memref<10112x64xf32, #tpu.memory_space<vmem_shared>>
        tpu.enqueue_indirect_dma source(%dma_start3A_279 : memref<128x64xf32, #tpu.memory_space<vmem>>) target(%dma_start3A_285 : memref<10112x64xf32, #tpu.memory_space<vmem_shared>>) offsets(%dma_start3A_282 : memref<128xi32, #tpu.memory_space<vmem>>) semaphore(%arg17 : memref<!tpu.dma_semaphore, #tpu.memory_space<semaphore_mem>>) {add = true}
      } else {
      }
      %jit3A_235 = arith.constant 6 : i32
      %eq3A_236 = arith.constant 0 : i32
      %eq3A_237 = arith.cmpi eq, %jit3A_235, %eq3A_236 : i32
      %jit3A_238 = arith.constant 1 : i32
      %select_n3A_239 = arith.select %eq3A_237, %jit3A_238, %jit3A_235 : i32
      %rem3A_240 = arith.remsi %scan3A_135, %select_n3A_239 : i32
      %ne3A_241 = arith.constant 0 : i32
      %ne3A_242 = arith.cmpi ne, %rem3A_240, %ne3A_241 : i32
      %lt3A_243 = arith.constant 0 : i32
      %lt3A_244 = arith.cmpi slt, %rem3A_240, %lt3A_243 : i32
      %lt3A_245 = arith.constant 0 : i32
      %lt3A_246 = arith.cmpi slt, %select_n3A_239, %lt3A_245 : i32
      %ne3A_247 = arith.xori %lt3A_244, %lt3A_246 : i1
      %and3A_248 = arith.andi %ne3A_247, %ne3A_242 : i1
      %add3A_249 = arith.addi %rem3A_240, %select_n3A_239 : i32
      %select_n3A_250 = arith.select %and3A_248, %add3A_249, %rem3A_240 : i32
      %eq3A_251 = arith.constant 5 : i32
      %eq3A_252 = arith.cmpi eq, %select_n3A_250, %eq3A_251 : i32
      %convert_element_type3A_253 = arith.extui %eq3A_252 : i1 to i32
      %cond3A_254 = arith.constant 0 : i32
      %cond3A_255 = arith.cmpi ne, %convert_element_type3A_253, %cond3A_254 : i32
      scf.if %cond3A_255 {
        %dma_wait3A_256 = arith.constant 0 : i32
        %dma_wait3A_257 = arith.constant 5 : i32
        %dma_wait3A_258 = arith.constant 0 : i32
        %dma_wait3A_259 = arith.constant 0 : i32
        %dma_wait3A_260 = tpu.memref_slice %arg11[%dma_wait3A_257, %dma_wait3A_258, %dma_wait3A_259] : memref<6x128x64xf32, #tpu.memory_space<vmem>> -> memref<1x128x64xf32, #tpu.memory_space<vmem>>
        %dma_wait3A_261 = tpu.memref_squeeze %dma_wait3A_260 : memref<1x128x64xf32, #tpu.memory_space<vmem>> -> memref<128x64xf32, #tpu.memory_space<vmem>>
        %dma_wait3A_262 = arith.constant 0 : i32
        %dma_wait3A_263 = tpu.memref_slice %arg9[%dma_wait3A_256, %dma_wait3A_262] : memref<160x128xi32, #tpu.memory_space<vmem>> -> memref<1x128xi32, #tpu.memory_space<vmem>>
        %dma_wait3A_264 = tpu.memref_squeeze %dma_wait3A_263 : memref<1x128xi32, #tpu.memory_space<vmem>> -> memref<128xi32, #tpu.memory_space<vmem>>
        %dma_wait3A_265 = arith.constant 0 : i32
        %dma_wait3A_266 = arith.constant 0 : i32
        %dma_wait3A_267 = tpu.memref_slice %arg2[%dma_wait3A_265, %dma_wait3A_266] : memref<20000x64xf32, #tpu.memory_space<hbm>> -> memref<20000x64xf32, #tpu.memory_space<hbm>>
        tpu.wait_indirect_dma semaphore(%arg15 : memref<!tpu.dma_semaphore, #tpu.memory_space<semaphore_mem>>) src(%dma_wait3A_267 : memref<20000x64xf32, #tpu.memory_space<hbm>>) dst(%dma_wait3A_261 : memref<128x64xf32, #tpu.memory_space<vmem>>)
        %add3A_268 = arith.constant 3 : i32
        %add3A_269 = arith.addi %scan3A_135, %add3A_268 : i32
        %lt3A_270 = arith.constant 160 : i32
        %lt3A_271 = arith.cmpi slt, %add3A_269, %lt3A_270 : i32
        %convert_element_type3A_272 = arith.extui %lt3A_271 : i1 to i32
        %cond3A_273 = arith.constant 0 : i32
        %cond3A_274 = arith.cmpi ne, %convert_element_type3A_272, %cond3A_273 : i32
        scf.if %cond3A_274 {
          %ge3A = arith.constant 3 : i32
          %ge3A_286 = arith.cmpi sge, %scan3A_135, %ge3A : i32
          %convert_element_type3A_287 = arith.extui %ge3A_286 : i1 to i32
          %cond3A_288 = arith.constant 0 : i32
          %cond3A_289 = arith.cmpi ne, %convert_element_type3A_287, %cond3A_288 : i32
          scf.if %cond3A_289 {
            %dma_wait3A_303 = arith.constant 2 : i32
            %dma_wait3A_304 = arith.constant 0 : i32
            %dma_wait3A_305 = arith.constant 0 : i32
            %dma_wait3A_306 = arith.constant 0 : i32
            %dma_wait3A_307 = tpu.memref_slice %arg11[%dma_wait3A_303, %dma_wait3A_305, %dma_wait3A_306] : memref<6x128x64xf32, #tpu.memory_space<vmem>> -> memref<1x128x64xf32, #tpu.memory_space<vmem>>
            %dma_wait3A_308 = tpu.memref_squeeze %dma_wait3A_307 : memref<1x128x64xf32, #tpu.memory_space<vmem>> -> memref<128x64xf32, #tpu.memory_space<vmem>>
            %dma_wait3A_309 = arith.constant 0 : i32
            %dma_wait3A_310 = tpu.memref_slice %arg10[%dma_wait3A_304, %dma_wait3A_309] : memref<160x128xi32, #tpu.memory_space<vmem>> -> memref<1x128xi32, #tpu.memory_space<vmem>>
            %dma_wait3A_311 = tpu.memref_squeeze %dma_wait3A_310 : memref<1x128xi32, #tpu.memory_space<vmem>> -> memref<128xi32, #tpu.memory_space<vmem>>
            %dma_wait3A_312 = arith.constant 0 : i32
            %dma_wait3A_313 = arith.constant 0 : i32
            %dma_wait3A_314 = tpu.memref_slice %arg12[%dma_wait3A_312, %dma_wait3A_313] : memref<10112x64xf32, #tpu.memory_space<vmem_shared>> -> memref<10112x64xf32, #tpu.memory_space<vmem_shared>>
            tpu.wait_indirect_dma semaphore(%arg18 : memref<!tpu.dma_semaphore, #tpu.memory_space<semaphore_mem>>) src(%dma_wait3A_308 : memref<128x64xf32, #tpu.memory_space<vmem>>) dst(%dma_wait3A_314 : memref<10112x64xf32, #tpu.memory_space<vmem_shared>>)
          } else {
          }
          %add3A_290 = arith.constant 3 : i32
          %add3A_291 = arith.addi %scan3A_135, %add3A_290 : i32
          %dma_start3A_292 = arith.constant 2 : i32
          %dma_start3A_293 = arith.constant 0 : i32
          %dma_start3A_294 = arith.constant 0 : i32
          %dma_start3A_295 = tpu.memref_slice %arg11[%dma_start3A_292, %dma_start3A_293, %dma_start3A_294] : memref<6x128x64xf32, #tpu.memory_space<vmem>> -> memref<1x128x64xf32, #tpu.memory_space<vmem>>
          %dma_start3A_296 = tpu.memref_squeeze %dma_start3A_295 : memref<1x128x64xf32, #tpu.memory_space<vmem>> -> memref<128x64xf32, #tpu.memory_space<vmem>>
          %dma_start3A_297 = arith.constant 0 : i32
          %dma_start3A_298 = tpu.memref_slice %arg9[%add3A_291, %dma_start3A_297] : memref<160x128xi32, #tpu.memory_space<vmem>> -> memref<1x128xi32, #tpu.memory_space<vmem>>
          %dma_start3A_299 = tpu.memref_squeeze %dma_start3A_298 : memref<1x128xi32, #tpu.memory_space<vmem>> -> memref<128xi32, #tpu.memory_space<vmem>>
          %dma_start3A_300 = arith.constant 0 : i32
          %dma_start3A_301 = arith.constant 0 : i32
          %dma_start3A_302 = tpu.memref_slice %arg2[%dma_start3A_300, %dma_start3A_301] : memref<20000x64xf32, #tpu.memory_space<hbm>> -> memref<20000x64xf32, #tpu.memory_space<hbm>>
          tpu.enqueue_indirect_dma source(%dma_start3A_302 : memref<20000x64xf32, #tpu.memory_space<hbm>>) target(%dma_start3A_296 : memref<128x64xf32, #tpu.memory_space<vmem>>) offsets(%dma_start3A_299 : memref<128xi32, #tpu.memory_space<vmem>>) semaphore(%arg15 : memref<!tpu.dma_semaphore, #tpu.memory_space<semaphore_mem>>)
        } else {
        }
        %dma_start3A_275 = arith.constant 5 : i32
        %dma_start3A_276 = arith.constant 0 : i32
        %dma_start3A_277 = arith.constant 0 : i32
        %dma_start3A_278 = tpu.memref_slice %arg11[%dma_start3A_275, %dma_start3A_276, %dma_start3A_277] : memref<6x128x64xf32, #tpu.memory_space<vmem>> -> memref<1x128x64xf32, #tpu.memory_space<vmem>>
        %dma_start3A_279 = tpu.memref_squeeze %dma_start3A_278 : memref<1x128x64xf32, #tpu.memory_space<vmem>> -> memref<128x64xf32, #tpu.memory_space<vmem>>
        %dma_start3A_280 = arith.constant 0 : i32
        %dma_start3A_281 = tpu.memref_slice %arg10[%scan3A_135, %dma_start3A_280] : memref<160x128xi32, #tpu.memory_space<vmem>> -> memref<1x128xi32, #tpu.memory_space<vmem>>
        %dma_start3A_282 = tpu.memref_squeeze %dma_start3A_281 : memref<1x128xi32, #tpu.memory_space<vmem>> -> memref<128xi32, #tpu.memory_space<vmem>>
        %dma_start3A_283 = arith.constant 0 : i32
        %dma_start3A_284 = arith.constant 0 : i32
        %dma_start3A_285 = tpu.memref_slice %arg12[%dma_start3A_283, %dma_start3A_284] : memref<10112x64xf32, #tpu.memory_space<vmem_shared>> -> memref<10112x64xf32, #tpu.memory_space<vmem_shared>>
        tpu.enqueue_indirect_dma source(%dma_start3A_279 : memref<128x64xf32, #tpu.memory_space<vmem>>) target(%dma_start3A_285 : memref<10112x64xf32, #tpu.memory_space<vmem_shared>>) offsets(%dma_start3A_282 : memref<128xi32, #tpu.memory_space<vmem>>) semaphore(%arg18 : memref<!tpu.dma_semaphore, #tpu.memory_space<semaphore_mem>>) {add = true}
      } else {
      }
    }
    %scan3A_56 = arith.constant 160 : i32
    %dma_wait3A = arith.constant 0 : i32
    %dma_wait3A_57 = arith.constant 0 : i32
    %dma_wait3A_58 = arith.constant 0 : i32
    %dma_wait3A_59 = arith.constant 0 : i32
    %dma_wait3A_60 = tpu.memref_slice %arg11[%dma_wait3A, %dma_wait3A_58, %dma_wait3A_59] : memref<6x128x64xf32, #tpu.memory_space<vmem>> -> memref<1x128x64xf32, #tpu.memory_space<vmem>>
    %dma_wait3A_61 = tpu.memref_squeeze %dma_wait3A_60 : memref<1x128x64xf32, #tpu.memory_space<vmem>> -> memref<128x64xf32, #tpu.memory_space<vmem>>
    %dma_wait3A_62 = arith.constant 0 : i32
    %dma_wait3A_63 = tpu.memref_slice %arg10[%dma_wait3A_57, %dma_wait3A_62] : memref<160x128xi32, #tpu.memory_space<vmem>> -> memref<1x128xi32, #tpu.memory_space<vmem>>
    %dma_wait3A_64 = tpu.memref_squeeze %dma_wait3A_63 : memref<1x128xi32, #tpu.memory_space<vmem>> -> memref<128xi32, #tpu.memory_space<vmem>>
    %dma_wait3A_65 = arith.constant 0 : i32
    %dma_wait3A_66 = arith.constant 0 : i32
    %dma_wait3A_67 = tpu.memref_slice %arg12[%dma_wait3A_65, %dma_wait3A_66] : memref<10112x64xf32, #tpu.memory_space<vmem_shared>> -> memref<10112x64xf32, #tpu.memory_space<vmem_shared>>
    tpu.wait_indirect_dma semaphore(%arg16 : memref<!tpu.dma_semaphore, #tpu.memory_space<semaphore_mem>>) src(%dma_wait3A_61 : memref<128x64xf32, #tpu.memory_space<vmem>>) dst(%dma_wait3A_67 : memref<10112x64xf32, #tpu.memory_space<vmem_shared>>)
    %dma_wait3A_68 = arith.constant 0 : i32
    %dma_wait3A_69 = arith.constant 0 : i32
    %dma_wait3A_70 = arith.constant 0 : i32
    %dma_wait3A_71 = arith.constant 0 : i32
    %dma_wait3A_72 = tpu.memref_slice %arg11[%dma_wait3A_68, %dma_wait3A_70, %dma_wait3A_71] : memref<6x128x64xf32, #tpu.memory_space<vmem>> -> memref<1x128x64xf32, #tpu.memory_space<vmem>>
    %dma_wait3A_73 = tpu.memref_squeeze %dma_wait3A_72 : memref<1x128x64xf32, #tpu.memory_space<vmem>> -> memref<128x64xf32, #tpu.memory_space<vmem>>
    %dma_wait3A_74 = arith.constant 0 : i32
    %dma_wait3A_75 = tpu.memref_slice %arg10[%dma_wait3A_69, %dma_wait3A_74] : memref<160x128xi32, #tpu.memory_space<vmem>> -> memref<1x128xi32, #tpu.memory_space<vmem>>
    %dma_wait3A_76 = tpu.memref_squeeze %dma_wait3A_75 : memref<1x128xi32, #tpu.memory_space<vmem>> -> memref<128xi32, #tpu.memory_space<vmem>>
    %dma_wait3A_77 = arith.constant 0 : i32
    %dma_wait3A_78 = arith.constant 0 : i32
    %dma_wait3A_79 = tpu.memref_slice %arg12[%dma_wait3A_77, %dma_wait3A_78] : memref<10112x64xf32, #tpu.memory_space<vmem_shared>> -> memref<10112x64xf32, #tpu.memory_space<vmem_shared>>
    tpu.wait_indirect_dma semaphore(%arg16 : memref<!tpu.dma_semaphore, #tpu.memory_space<semaphore_mem>>) src(%dma_wait3A_73 : memref<128x64xf32, #tpu.memory_space<vmem>>) dst(%dma_wait3A_79 : memref<10112x64xf32, #tpu.memory_space<vmem_shared>>)
    %dma_wait3A_80 = arith.constant 0 : i32
    %dma_wait3A_81 = arith.constant 0 : i32
    %dma_wait3A_82 = arith.constant 0 : i32
    %dma_wait3A_83 = arith.constant 0 : i32
    %dma_wait3A_84 = tpu.memref_slice %arg11[%dma_wait3A_80, %dma_wait3A_82, %dma_wait3A_83] : memref<6x128x64xf32, #tpu.memory_space<vmem>> -> memref<1x128x64xf32, #tpu.memory_space<vmem>>
    %dma_wait3A_85 = tpu.memref_squeeze %dma_wait3A_84 : memref<1x128x64xf32, #tpu.memory_space<vmem>> -> memref<128x64xf32, #tpu.memory_space<vmem>>
    %dma_wait3A_86 = arith.constant 0 : i32
    %dma_wait3A_87 = tpu.memref_slice %arg10[%dma_wait3A_81, %dma_wait3A_86] : memref<160x128xi32, #tpu.memory_space<vmem>> -> memref<1x128xi32, #tpu.memory_space<vmem>>
    %dma_wait3A_88 = tpu.memref_squeeze %dma_wait3A_87 : memref<1x128xi32, #tpu.memory_space<vmem>> -> memref<128xi32, #tpu.memory_space<vmem>>
    %dma_wait3A_89 = arith.constant 0 : i32
    %dma_wait3A_90 = arith.constant 0 : i32
    %dma_wait3A_91 = tpu.memref_slice %arg12[%dma_wait3A_89, %dma_wait3A_90] : memref<10112x64xf32, #tpu.memory_space<vmem_shared>> -> memref<10112x64xf32, #tpu.memory_space<vmem_shared>>
    tpu.wait_indirect_dma semaphore(%arg17 : memref<!tpu.dma_semaphore, #tpu.memory_space<semaphore_mem>>) src(%dma_wait3A_85 : memref<128x64xf32, #tpu.memory_space<vmem>>) dst(%dma_wait3A_91 : memref<10112x64xf32, #tpu.memory_space<vmem_shared>>)
    %dma_wait3A_92 = arith.constant 0 : i32
    %dma_wait3A_93 = arith.constant 0 : i32
    %dma_wait3A_94 = arith.constant 0 : i32
    %dma_wait3A_95 = arith.constant 0 : i32
    %dma_wait3A_96 = tpu.memref_slice %arg11[%dma_wait3A_92, %dma_wait3A_94, %dma_wait3A_95] : memref<6x128x64xf32, #tpu.memory_space<vmem>> -> memref<1x128x64xf32, #tpu.memory_space<vmem>>
    %dma_wait3A_97 = tpu.memref_squeeze %dma_wait3A_96 : memref<1x128x64xf32, #tpu.memory_space<vmem>> -> memref<128x64xf32, #tpu.memory_space<vmem>>
    %dma_wait3A_98 = arith.constant 0 : i32
    %dma_wait3A_99 = tpu.memref_slice %arg10[%dma_wait3A_93, %dma_wait3A_98] : memref<160x128xi32, #tpu.memory_space<vmem>> -> memref<1x128xi32, #tpu.memory_space<vmem>>
    %dma_wait3A_100 = tpu.memref_squeeze %dma_wait3A_99 : memref<1x128xi32, #tpu.memory_space<vmem>> -> memref<128xi32, #tpu.memory_space<vmem>>
    %dma_wait3A_101 = arith.constant 0 : i32
    %dma_wait3A_102 = arith.constant 0 : i32
    %dma_wait3A_103 = tpu.memref_slice %arg12[%dma_wait3A_101, %dma_wait3A_102] : memref<10112x64xf32, #tpu.memory_space<vmem_shared>> -> memref<10112x64xf32, #tpu.memory_space<vmem_shared>>
    tpu.wait_indirect_dma semaphore(%arg17 : memref<!tpu.dma_semaphore, #tpu.memory_space<semaphore_mem>>) src(%dma_wait3A_97 : memref<128x64xf32, #tpu.memory_space<vmem>>) dst(%dma_wait3A_103 : memref<10112x64xf32, #tpu.memory_space<vmem_shared>>)
    %dma_wait3A_104 = arith.constant 0 : i32
    %dma_wait3A_105 = arith.constant 0 : i32
    %dma_wait3A_106 = arith.constant 0 : i32
    %dma_wait3A_107 = arith.constant 0 : i32
    %dma_wait3A_108 = tpu.memref_slice %arg11[%dma_wait3A_104, %dma_wait3A_106, %dma_wait3A_107] : memref<6x128x64xf32, #tpu.memory_space<vmem>> -> memref<1x128x64xf32, #tpu.memory_space<vmem>>
    %dma_wait3A_109 = tpu.memref_squeeze %dma_wait3A_108 : memref<1x128x64xf32, #tpu.memory_space<vmem>> -> memref<128x64xf32, #tpu.memory_space<vmem>>
    %dma_wait3A_110 = arith.constant 0 : i32
    %dma_wait3A_111 = tpu.memref_slice %arg10[%dma_wait3A_105, %dma_wait3A_110] : memref<160x128xi32, #tpu.memory_space<vmem>> -> memref<1x128xi32, #tpu.memory_space<vmem>>
    %dma_wait3A_112 = tpu.memref_squeeze %dma_wait3A_111 : memref<1x128xi32, #tpu.memory_space<vmem>> -> memref<128xi32, #tpu.memory_space<vmem>>
    %dma_wait3A_113 = arith.constant 0 : i32
    %dma_wait3A_114 = arith.constant 0 : i32
    %dma_wait3A_115 = tpu.memref_slice %arg12[%dma_wait3A_113, %dma_wait3A_114] : memref<10112x64xf32, #tpu.memory_space<vmem_shared>> -> memref<10112x64xf32, #tpu.memory_space<vmem_shared>>
    tpu.wait_indirect_dma semaphore(%arg18 : memref<!tpu.dma_semaphore, #tpu.memory_space<semaphore_mem>>) src(%dma_wait3A_109 : memref<128x64xf32, #tpu.memory_space<vmem>>) dst(%dma_wait3A_115 : memref<10112x64xf32, #tpu.memory_space<vmem_shared>>)
    %dma_wait3A_116 = arith.constant 0 : i32
    %dma_wait3A_117 = arith.constant 0 : i32
    %dma_wait3A_118 = arith.constant 0 : i32
    %dma_wait3A_119 = arith.constant 0 : i32
    %dma_wait3A_120 = tpu.memref_slice %arg11[%dma_wait3A_116, %dma_wait3A_118, %dma_wait3A_119] : memref<6x128x64xf32, #tpu.memory_space<vmem>> -> memref<1x128x64xf32, #tpu.memory_space<vmem>>
    %dma_wait3A_121 = tpu.memref_squeeze %dma_wait3A_120 : memref<1x128x64xf32, #tpu.memory_space<vmem>> -> memref<128x64xf32, #tpu.memory_space<vmem>>
    %dma_wait3A_122 = arith.constant 0 : i32
    %dma_wait3A_123 = tpu.memref_slice %arg10[%dma_wait3A_117, %dma_wait3A_122] : memref<160x128xi32, #tpu.memory_space<vmem>> -> memref<1x128xi32, #tpu.memory_space<vmem>>
    %dma_wait3A_124 = tpu.memref_squeeze %dma_wait3A_123 : memref<1x128xi32, #tpu.memory_space<vmem>> -> memref<128xi32, #tpu.memory_space<vmem>>
    %dma_wait3A_125 = arith.constant 0 : i32
    %dma_wait3A_126 = arith.constant 0 : i32
    %dma_wait3A_127 = tpu.memref_slice %arg12[%dma_wait3A_125, %dma_wait3A_126] : memref<10112x64xf32, #tpu.memory_space<vmem_shared>> -> memref<10112x64xf32, #tpu.memory_space<vmem_shared>>
    tpu.wait_indirect_dma semaphore(%arg18 : memref<!tpu.dma_semaphore, #tpu.memory_space<semaphore_mem>>) src(%dma_wait3A_121 : memref<128x64xf32, #tpu.memory_space<vmem>>) dst(%dma_wait3A_127 : memref<10112x64xf32, #tpu.memory_space<vmem_shared>>)
    %barrier3A_128 = arith.constant 0 : index
    tpu.barrier barrier_id(%barrier3A_128)
    %mul3A_129 = arith.constant 632 : i32
    %mul3A_130 = arith.muli %arg1, %mul3A_129 : i32
    %mul3A_131 = arith.constant 632 : i32
    %mul3A_132 = arith.muli %arg1, %mul3A_131 : i32
    %mul3A_133 = arith.constant 64 : i32
    %mul3A_134 = arith.muli %arg0, %mul3A_133 : i32
    "tpu.region"() ({
      %run_scoped3A = tpu.sem_alloc : memref<!tpu.dma_semaphore, #tpu.memory_space<semaphore_mem>>
      %dma_start3A_135 = tpu.memref_slice %arg8[%mul3A_132, %mul3A_134] : memref<10112x128xf32, #tpu.memory_space<hbm>> -> memref<632x64xf32, #tpu.memory_space<hbm>>
      %dma_start3A_136 = arith.constant 0 : i32
      %dma_start3A_137 = tpu.memref_slice %arg12[%mul3A_130, %dma_start3A_136] : memref<10112x64xf32, #tpu.memory_space<vmem_shared>> -> memref<632x64xf32, #tpu.memory_space<vmem_shared>>
      tpu.enqueue_dma source(%dma_start3A_137 : memref<632x64xf32, #tpu.memory_space<vmem_shared>>) target(%dma_start3A_135 : memref<632x64xf32, #tpu.memory_space<hbm>>) target_semaphore(%run_scoped3A : memref<!tpu.dma_semaphore, #tpu.memory_space<semaphore_mem>>)
      %dma_wait3A_138 = tpu.memref_slice %arg8[%mul3A_132, %mul3A_134] : memref<10112x128xf32, #tpu.memory_space<hbm>> -> memref<632x64xf32, #tpu.memory_space<hbm>>
      %dma_wait3A_139 = arith.constant 0 : i32
      %dma_wait3A_140 = tpu.memref_slice %arg12[%mul3A_130, %dma_wait3A_139] : memref<10112x64xf32, #tpu.memory_space<vmem_shared>> -> memref<632x64xf32, #tpu.memory_space<vmem_shared>>
      tpu.wait_dma2 semaphore(%run_scoped3A : memref<!tpu.dma_semaphore, #tpu.memory_space<semaphore_mem>>) src(%dma_wait3A_140 : memref<632x64xf32, #tpu.memory_space<vmem_shared>>) dst(%dma_wait3A_138 : memref<632x64xf32, #tpu.memory_space<hbm>>)
      tpu.yield
    }) : () -> ()
    return
  }
}

module attributes {stable_mosaic.version = 14 : i64} {
  func.func @_tc1_body(%arg0: i32, %arg1: memref<2x2000x8xf32, #tpu.memory_space<vmem>>, %arg2: memref<2000x128xf32, #tpu.memory_space<vmem>>, %arg3: memref<128x128xf32, #tpu.memory_space<vmem>>, %arg4: memref<2000x128xf32, #tpu.memory_space<vmem>>, %arg5: memref<2000x128xf32, #tpu.memory_space<vmem>>) attributes {dimension_semantics = [#tpu.dimension_semantics<arbitrary>], iteration_bounds = array<i64: 5>, scalar_prefetch = 0 : i64, scratch_operands = 0 : i64, tpu.core_type = #tpu.core_type<tc>, window_params = [{transform_indices = @transform_0, window_bounds = array<i64: 2, 2000, 8>}, {transform_indices = @transform_1, window_bounds = array<i64: 2000, 128>}, {pipeline_mode = #tpu.pipeline_mode<synchronous>, transform_indices = @transform_2, window_bounds = array<i64: 128, 128>}, {transform_indices = @transform_3, window_bounds = array<i64: 2000, 128>}, {transform_indices = @transform_4, window_bounds = array<i64: 2000, 128>}]} {
    %get3A = arith.constant 0 : index
    %get3A_0 = arith.constant 0 : index
    %get3A_1 = arith.constant 0 : index
    %get3A_2 = vector.load %arg1[%get3A, %get3A_0, %get3A_1] : memref<2x2000x8xf32, #tpu.memory_space<vmem>>, vector<1x2000x1xf32>
    %get3A_3 = vector.shape_cast %get3A_2 : vector<1x2000x1xf32> to vector<2000x1xf32>
    %get3A_4 = arith.constant 1 : index
    %get3A_5 = arith.constant 0 : index
    %get3A_6 = arith.constant 0 : index
    %get3A_7 = vector.load %arg1[%get3A_4, %get3A_5, %get3A_6] : memref<2x2000x8xf32, #tpu.memory_space<vmem>>, vector<1x2000x1xf32>
    %get3A_8 = vector.shape_cast %get3A_7 : vector<1x2000x1xf32> to vector<2000x1xf32>
    %add3A = arith.addf %get3A_3, %get3A_8 : vector<2000x1xf32>
    %rsqrt3A = math.rsqrt %add3A : vector<2000x1xf32>
    %get3A_9 = arith.constant 0 : index
    %get3A_10 = arith.constant 0 : index
    %get3A_11 = vector.load %arg2[%get3A_9, %get3A_10] : memref<2000x128xf32, #tpu.memory_space<vmem>>, vector<2000x128xf32>
    %get3A_12 = arith.constant 0 : index
    %get3A_13 = arith.constant 0 : index
    %get3A_14 = vector.load %arg3[%get3A_12, %get3A_13] : memref<128x128xf32, #tpu.memory_space<vmem>>, vector<128x128xf32>
    %dot_general3A = arith.constant dense<0.000000e+00> : vector<2000x128xf32>
    %dot_general3A_15 = tpu.matmul %get3A_11, %get3A_14, %dot_general3A {dimension_numbers = #tpu.dot_dimension_numbers<[1], [0], [0], [1], [0, 0, 1, 1], [], []>, transpose_lhs_hint = false} : vector<2000x128xf32>, vector<128x128xf32>, vector<2000x128xf32> -> vector<2000x128xf32>
    %swap3A = arith.constant 0 : index
    %swap3A_16 = arith.constant 0 : index
    %swap3A_17 = vector.load %arg4[%swap3A, %swap3A_16] : memref<2000x128xf32, #tpu.memory_space<vmem>>, vector<2000x128xf32>
    tpu.vector_store %arg4[%swap3A, %swap3A_16], %dot_general3A_15 {strides = array<i32>} : memref<2000x128xf32, #tpu.memory_space<vmem>>, vector<2000x128xf32>,
    %mul3A = vector.broadcast %rsqrt3A : vector<2000x1xf32> to vector<2000x128xf32>
    %mul3A_18 = arith.mulf %dot_general3A_15, %mul3A : vector<2000x128xf32>
    %swap3A_19 = arith.constant 0 : index
    %swap3A_20 = arith.constant 0 : index
    %swap3A_21 = vector.load %arg5[%swap3A_19, %swap3A_20] : memref<2000x128xf32, #tpu.memory_space<vmem>>, vector<2000x128xf32>
    tpu.vector_store %arg5[%swap3A_19, %swap3A_20], %mul3A_18 {strides = array<i32>} : memref<2000x128xf32, #tpu.memory_space<vmem>>, vector<2000x128xf32>,
    return
  }
  func.func @transform_0(%arg0: i32) -> (i32, i32, i32) {
    %c0_i32 = arith.constant 0 : i32
    %c0_i32_0 = arith.constant 0 : i32
    %c0_i32_1 = arith.constant 0 : i32
    return %c0_i32, %arg0, %c0_i32_0 : i32, i32, i32
  }
  func.func @transform_1(%arg0: i32) -> (i32, i32) {
    %c0_i32 = arith.constant 0 : i32
    %c0_i32_0 = arith.constant 0 : i32
    return %arg0, %c0_i32 : i32, i32
  }
  func.func @transform_2(%arg0: i32) -> (i32, i32) {
    %c0_i32 = arith.constant 0 : i32
    %c0_i32_0 = arith.constant 0 : i32
    %c0_i32_1 = arith.constant 0 : i32
    return %c0_i32, %c0_i32_0 : i32, i32
  }
  func.func @transform_3(%arg0: i32) -> (i32, i32) {
    %c0_i32 = arith.constant 0 : i32
    %c0_i32_0 = arith.constant 0 : i32
    return %arg0, %c0_i32 : i32, i32
  }
  func.func @transform_4(%arg0: i32) -> (i32, i32) {
    %c0_i32 = arith.constant 0 : i32
    %c0_i32_0 = arith.constant 0 : i32
    return %arg0, %c0_i32 : i32, i32
  }
}

module attributes {stable_mosaic.version = 14 : i64} {
  func.func @_tc2_body(%arg0: i32, %arg1: memref<2x2000x8xf32, #tpu.memory_space<vmem>>, %arg2: memref<2000x128xf32, #tpu.memory_space<vmem>>, %arg3: memref<2000x128xf32, #tpu.memory_space<vmem>>, %arg4: memref<1x128xf32, #tpu.memory_space<vmem>>, %arg5: memref<128x64xf32, #tpu.memory_space<vmem>>, %arg6: memref<2000x64xf32, #tpu.memory_space<vmem>>, %arg7: memref<2000x64xf32, #tpu.memory_space<vmem>>) attributes {dimension_semantics = [#tpu.dimension_semantics<arbitrary>], iteration_bounds = array<i64: 5>, scalar_prefetch = 0 : i64, scratch_operands = 0 : i64, tpu.core_type = #tpu.core_type<tc>, window_params = [{transform_indices = @transform_0, window_bounds = array<i64: 2, 2000, 8>}, {transform_indices = @transform_1, window_bounds = array<i64: 2000, 128>}, {transform_indices = @transform_2, window_bounds = array<i64: 2000, 128>}, {pipeline_mode = #tpu.pipeline_mode<synchronous>, transform_indices = @transform_3, window_bounds = array<i64: 1, 128>}, {pipeline_mode = #tpu.pipeline_mode<synchronous>, transform_indices = @transform_4, window_bounds = array<i64: 128, 64>}, {transform_indices = @transform_5, window_bounds = array<i64: 2000, 64>}, {transform_indices = @transform_6, window_bounds = array<i64: 2000, 64>}]} {
    %get3A = arith.constant 0 : index
    %get3A_0 = arith.constant 0 : index
    %get3A_1 = arith.constant 0 : index
    %get3A_2 = vector.load %arg1[%get3A, %get3A_0, %get3A_1] : memref<2x2000x8xf32, #tpu.memory_space<vmem>>, vector<1x2000x1xf32>
    %get3A_3 = vector.shape_cast %get3A_2 : vector<1x2000x1xf32> to vector<2000x1xf32>
    %get3A_4 = arith.constant 1 : index
    %get3A_5 = arith.constant 0 : index
    %get3A_6 = arith.constant 0 : index
    %get3A_7 = vector.load %arg1[%get3A_4, %get3A_5, %get3A_6] : memref<2x2000x8xf32, #tpu.memory_space<vmem>>, vector<1x2000x1xf32>
    %get3A_8 = vector.shape_cast %get3A_7 : vector<1x2000x1xf32> to vector<2000x1xf32>
    %add3A = arith.addf %get3A_3, %get3A_8 : vector<2000x1xf32>
    %rsqrt3A = math.rsqrt %add3A : vector<2000x1xf32>
    %get3A_9 = arith.constant 0 : index
    %get3A_10 = arith.constant 0 : index
    %get3A_11 = vector.load %arg2[%get3A_9, %get3A_10] : memref<2000x128xf32, #tpu.memory_space<vmem>>, vector<2000x128xf32>
    %mul3A = vector.broadcast %rsqrt3A : vector<2000x1xf32> to vector<2000x128xf32>
    %mul3A_12 = arith.mulf %mul3A, %get3A_11 : vector<2000x128xf32>
    %mul3A_13 = arith.mulf %rsqrt3A, %rsqrt3A : vector<2000x1xf32>
    %get3A_14 = arith.constant 0 : index
    %get3A_15 = arith.constant 0 : index
    %get3A_16 = vector.load %arg3[%get3A_14, %get3A_15] : memref<2000x128xf32, #tpu.memory_space<vmem>>, vector<2000x128xf32>
    %mul3A_17 = vector.broadcast %mul3A_13 : vector<2000x1xf32> to vector<2000x128xf32>
    %mul3A_18 = arith.mulf %mul3A_17, %get3A_16 : vector<2000x128xf32>
    %add3A_19 = arith.addf %mul3A_12, %mul3A_18 : vector<2000x128xf32>
    %get3A_20 = arith.constant 0 : index
    %get3A_21 = arith.constant 0 : index
    %get3A_22 = vector.load %arg4[%get3A_20, %get3A_21] : memref<1x128xf32, #tpu.memory_space<vmem>>, vector<1x128xf32>
    %add3A_23 = vector.broadcast %get3A_22 : vector<1x128xf32> to vector<2000x128xf32>
    %add3A_24 = arith.addf %add3A_19, %add3A_23 : vector<2000x128xf32>
    %max3A = arith.constant 0.000000e+00 : f32
    %max3A_25 = vector.broadcast %max3A : f32 to vector<2000x128xf32>
    %max3A_26 = arith.maximumf %add3A_24, %max3A_25 : vector<2000x128xf32>
    %get3A_27 = arith.constant 0 : index
    %get3A_28 = arith.constant 0 : index
    %get3A_29 = vector.load %arg5[%get3A_27, %get3A_28] : memref<128x64xf32, #tpu.memory_space<vmem>>, vector<128x64xf32>
    %dot_general3A = arith.constant dense<0.000000e+00> : vector<2000x64xf32>
    %dot_general3A_30 = tpu.matmul %max3A_26, %get3A_29, %dot_general3A {dimension_numbers = #tpu.dot_dimension_numbers<[1], [0], [0], [1], [0, 0, 1, 1], [], []>, transpose_lhs_hint = false} : vector<2000x128xf32>, vector<128x64xf32>, vector<2000x64xf32> -> vector<2000x64xf32>
    %swap3A = arith.constant 0 : index
    %swap3A_31 = arith.constant 0 : index
    %swap3A_32 = vector.load %arg6[%swap3A, %swap3A_31] : memref<2000x64xf32, #tpu.memory_space<vmem>>, vector<2000x64xf32>
    tpu.vector_store %arg6[%swap3A, %swap3A_31], %dot_general3A_30 {strides = array<i32>} : memref<2000x64xf32, #tpu.memory_space<vmem>>, vector<2000x64xf32>,
    %mul3A_33 = vector.broadcast %rsqrt3A : vector<2000x1xf32> to vector<2000x64xf32>
    %mul3A_34 = arith.mulf %dot_general3A_30, %mul3A_33 : vector<2000x64xf32>
    %swap3A_35 = arith.constant 0 : index
    %swap3A_36 = arith.constant 0 : index
    %swap3A_37 = vector.load %arg7[%swap3A_35, %swap3A_36] : memref<2000x64xf32, #tpu.memory_space<vmem>>, vector<2000x64xf32>
    tpu.vector_store %arg7[%swap3A_35, %swap3A_36], %mul3A_34 {strides = array<i32>} : memref<2000x64xf32, #tpu.memory_space<vmem>>, vector<2000x64xf32>,
    return
  }
  func.func @transform_0(%arg0: i32) -> (i32, i32, i32) {
    %c0_i32 = arith.constant 0 : i32
    %c0_i32_0 = arith.constant 0 : i32
    %c0_i32_1 = arith.constant 0 : i32
    return %c0_i32, %arg0, %c0_i32_0 : i32, i32, i32
  }
  func.func @transform_1(%arg0: i32) -> (i32, i32) {
    %c0_i32 = arith.constant 0 : i32
    %c0_i32_0 = arith.constant 0 : i32
    return %arg0, %c0_i32 : i32, i32
  }
  func.func @transform_2(%arg0: i32) -> (i32, i32) {
    %c0_i32 = arith.constant 0 : i32
    %c0_i32_0 = arith.constant 0 : i32
    return %arg0, %c0_i32 : i32, i32
  }
  func.func @transform_3(%arg0: i32) -> (i32, i32) {
    %c0_i32 = arith.constant 0 : i32
    %c0_i32_0 = arith.constant 0 : i32
    %c0_i32_1 = arith.constant 0 : i32
    return %c0_i32, %c0_i32_0 : i32, i32
  }
  func.func @transform_4(%arg0: i32) -> (i32, i32) {
    %c0_i32 = arith.constant 0 : i32
    %c0_i32_0 = arith.constant 0 : i32
    %c0_i32_1 = arith.constant 0 : i32
    return %c0_i32, %c0_i32_0 : i32, i32
  }
  func.func @transform_5(%arg0: i32) -> (i32, i32) {
    %c0_i32 = arith.constant 0 : i32
    %c0_i32_0 = arith.constant 0 : i32
    return %arg0, %c0_i32 : i32, i32
  }
  func.func @transform_6(%arg0: i32) -> (i32, i32) {
    %c0_i32 = arith.constant 0 : i32
    %c0_i32_0 = arith.constant 0 : i32
    return %arg0, %c0_i32 : i32, i32
  }
}

module attributes {stable_mosaic.version = 14 : i64} {
  func.func @_tc3_body(%arg0: i32, %arg1: memref<2x2000x8xf32, #tpu.memory_space<vmem>>, %arg2: memref<2000x128xf32, #tpu.memory_space<vmem>>, %arg3: memref<2000x64xf32, #tpu.memory_space<vmem>>, %arg4: memref<1x64xf32, #tpu.memory_space<vmem>>, %arg5: memref<2000x64xf32, #tpu.memory_space<vmem>>) attributes {dimension_semantics = [#tpu.dimension_semantics<arbitrary>], iteration_bounds = array<i64: 5>, scalar_prefetch = 0 : i64, scratch_operands = 0 : i64, tpu.core_type = #tpu.core_type<tc>, window_params = [{transform_indices = @transform_0, window_bounds = array<i64: 2, 2000, 8>}, {transform_indices = @transform_1, window_bounds = array<i64: 2000, 128>}, {transform_indices = @transform_2, window_bounds = array<i64: 2000, 64>}, {pipeline_mode = #tpu.pipeline_mode<synchronous>, transform_indices = @transform_3, window_bounds = array<i64: 1, 64>}, {transform_indices = @transform_4, window_bounds = array<i64: 2000, 64>}]} {
    %get3A = arith.constant 0 : index
    %get3A_0 = arith.constant 0 : index
    %get3A_1 = arith.constant 0 : index
    %get3A_2 = vector.load %arg1[%get3A, %get3A_0, %get3A_1] : memref<2x2000x8xf32, #tpu.memory_space<vmem>>, vector<1x2000x1xf32>
    %get3A_3 = vector.shape_cast %get3A_2 : vector<1x2000x1xf32> to vector<2000x1xf32>
    %get3A_4 = arith.constant 1 : index
    %get3A_5 = arith.constant 0 : index
    %get3A_6 = arith.constant 0 : index
    %get3A_7 = vector.load %arg1[%get3A_4, %get3A_5, %get3A_6] : memref<2x2000x8xf32, #tpu.memory_space<vmem>>, vector<1x2000x1xf32>
    %get3A_8 = vector.shape_cast %get3A_7 : vector<1x2000x1xf32> to vector<2000x1xf32>
    %add3A = arith.addf %get3A_3, %get3A_8 : vector<2000x1xf32>
    %rsqrt3A = math.rsqrt %add3A : vector<2000x1xf32>
    %get3A_9 = arith.constant 0 : index
    %get3A_10 = arith.constant 0 : index
    %get3A_11 = vector.load %arg2[%get3A_9, %get3A_10] : memref<2000x128xf32, #tpu.memory_space<vmem>>, vector<2000x64xf32>
    %get3A_12 = arith.constant 0 : index
    %get3A_13 = arith.constant 64 : index
    %get3A_14 = vector.load %arg2[%get3A_12, %get3A_13] : memref<2000x128xf32, #tpu.memory_space<vmem>>, vector<2000x64xf32>
    %add3A_15 = arith.addf %get3A_11, %get3A_14 : vector<2000x64xf32>
    %mul3A = vector.broadcast %rsqrt3A : vector<2000x1xf32> to vector<2000x64xf32>
    %mul3A_16 = arith.mulf %mul3A, %add3A_15 : vector<2000x64xf32>
    %mul3A_17 = arith.mulf %rsqrt3A, %rsqrt3A : vector<2000x1xf32>
    %get3A_18 = arith.constant 0 : index
    %get3A_19 = arith.constant 0 : index
    %get3A_20 = vector.load %arg3[%get3A_18, %get3A_19] : memref<2000x64xf32, #tpu.memory_space<vmem>>, vector<2000x64xf32>
    %mul3A_21 = vector.broadcast %mul3A_17 : vector<2000x1xf32> to vector<2000x64xf32>
    %mul3A_22 = arith.mulf %mul3A_21, %get3A_20 : vector<2000x64xf32>
    %add3A_23 = arith.addf %mul3A_16, %mul3A_22 : vector<2000x64xf32>
    %get3A_24 = arith.constant 0 : index
    %get3A_25 = arith.constant 0 : index
    %get3A_26 = vector.load %arg4[%get3A_24, %get3A_25] : memref<1x64xf32, #tpu.memory_space<vmem>>, vector<1x64xf32>
    %add3A_27 = vector.broadcast %get3A_26 : vector<1x64xf32> to vector<2000x64xf32>
    %add3A_28 = arith.addf %add3A_23, %add3A_27 : vector<2000x64xf32>
    %reduce_max3A = arith.constant dense<0xFF800000> : vector<2000xf32>
    %reduce_max3A_29 = vector.multi_reduction <maximumf>, %add3A_28, %reduce_max3A [1] : vector<2000x64xf32> to vector<2000xf32>
    %broadcast_in_dim3A = vector.shape_cast %reduce_max3A_29 : vector<2000xf32> to vector<2000x1xf32>
    %sub3A = vector.broadcast %broadcast_in_dim3A : vector<2000x1xf32> to vector<2000x64xf32>
    %sub3A_30 = arith.subf %add3A_28, %sub3A : vector<2000x64xf32>
    %exp3A = math.exp %sub3A_30 : vector<2000x64xf32>
    %reduce_sum3A = arith.constant dense<0.000000e+00> : vector<2000xf32>
    %reduce_sum3A_31 = vector.multi_reduction <add>, %exp3A, %reduce_sum3A [1] : vector<2000x64xf32> to vector<2000xf32>
    %broadcast_in_dim3A_32 = vector.shape_cast %reduce_sum3A_31 : vector<2000xf32> to vector<2000x1xf32>
    %log3A = math.log %broadcast_in_dim3A_32 : vector<2000x1xf32>
    %add3A_33 = arith.addf %log3A, %broadcast_in_dim3A : vector<2000x1xf32>
    %sub3A_34 = vector.broadcast %add3A_33 : vector<2000x1xf32> to vector<2000x64xf32>
    %sub3A_35 = arith.subf %add3A_28, %sub3A_34 : vector<2000x64xf32>
    %swap3A = arith.constant 0 : index
    %swap3A_36 = arith.constant 0 : index
    %swap3A_37 = vector.load %arg5[%swap3A, %swap3A_36] : memref<2000x64xf32, #tpu.memory_space<vmem>>, vector<2000x64xf32>
    tpu.vector_store %arg5[%swap3A, %swap3A_36], %sub3A_35 {strides = array<i32>} : memref<2000x64xf32, #tpu.memory_space<vmem>>, vector<2000x64xf32>,
    return
  }
  func.func @transform_0(%arg0: i32) -> (i32, i32, i32) {
    %c0_i32 = arith.constant 0 : i32
    %c0_i32_0 = arith.constant 0 : i32
    %c0_i32_1 = arith.constant 0 : i32
    return %c0_i32, %arg0, %c0_i32_0 : i32, i32, i32
  }
  func.func @transform_1(%arg0: i32) -> (i32, i32) {
    %c0_i32 = arith.constant 0 : i32
    %c0_i32_0 = arith.constant 0 : i32
    return %arg0, %c0_i32 : i32, i32
  }
  func.func @transform_2(%arg0: i32) -> (i32, i32) {
    %c0_i32 = arith.constant 0 : i32
    %c0_i32_0 = arith.constant 0 : i32
    return %arg0, %c0_i32 : i32, i32
  }
  func.func @transform_3(%arg0: i32) -> (i32, i32) {
    %c0_i32 = arith.constant 0 : i32
    %c0_i32_0 = arith.constant 0 : i32
    %c0_i32_1 = arith.constant 0 : i32
    return %c0_i32, %c0_i32_0 : i32, i32
  }
  func.func @transform_4(%arg0: i32) -> (i32, i32) {
    %c0_i32 = arith.constant 0 : i32
    %c0_i32_0 = arith.constant 0 : i32
    return %arg0, %c0_i32 : i32, i32
  }
}

</mosaic_0001>

<sc_bundles>
// kernel: kernel.11.cloned.1.call-start
scs
__scs_entry_jumppad:
0x0: {  	(pc) =	sbr.rel $0x88, $3  }
0x1: {  	(tag) =	ssettag $0x0;
	lr =	simm.s32 $0x1  }
0x2: {  	[smem:$0x3F9B] =	sst lr;
	_ =	strace $0xD0000000  }
0x3: {  	_ = 	snop  }
0x4: {  	_ = 	snop  }
0x5: {  	_ = 	snop  }
0x6: {  	_ = 	snop  }
0x7: {  	_ = 	snop  }
__scs_overlays_trampoline_lowered:
0x8: {  	[smem:$0x3FAA] =	sst s0  }
0x9: {  	[smem:$0x3FAB] =	sst s1  }
0xa: {  	[smem:$0x3FAC] =	sst s2  }
0xb: {  	[smem:$0x3FAD] =	sst s3  }
0xc: {  	[smem:$0x3FAE] =	sst s4  }
0xd: {  	[smem:$0x3FAF] =	sst s5  }
0xe: {  	[smem:$0x3FB0] =	sst s6  }
0xf: {  	[smem:$0x3FB1] =	sst s7  }
0x10: {  	[smem:$0x3FB2] =	sst s8  }
0x11: {  	[smem:$0x3FB3] =	sst s9;
	s0 =	simm.s32 @!p0 $0x0  }
0x12: {  	s1 =	sld [smem:$0x3F99];
	s0 =	simm.s32 @p0 $0x1  }
0x13: {  	[smem:$0x3FB4] =	sst s0;
	s0 =	simm.s32 @!p1 $0x0  }
0x14: {  	s2 =	sld [smem:$0x3F98];
	s0 =	simm.s32 @p1 $0x1  }
0x15: {  	[smem:$0x3FB5] =	sst s0;
	s0 =	simm.s32 @!p2 $0x0  }
0x16: {  	s3 =	sld [smem:$0x3FDB];
	s0 =	simm.s32 @p2 $0x1  }
0x17: {  	s4 =	simm.s32 $0x1BF5;
	[smem:$0x3FB7] =	sst s0  }
0x18: {  	s0 =	sld [smem:$0x3F9A];
	_ =	swait.ge [sflag:s4], $0x0  }
0x19: {  	s7 =	sld [smem:$0x3F9B]  }
0x1a: {  	s8 =	sadd.s32 $0xFFFFE003, lr  }
0x1b: {  	s9 =	sadd.s32 $0xFFFFFEF7, lr;
	s5 =	simm.s32 $0xFFFFFFFF;
	p2 =	slt.u32 s8, $0xFFFFF086  }
0x1c: {  	p1 =	slt.u32 s9, $0xF7A;
	s5 =	simm.s32 @!p2 $0x0  }
0x1d: {  	s5 =	simm.s32 @p1 $0x1;
	p0 =	seq.s32 s7, s2  }
0x1e: {  	s7 =	smul.u32 @!p0 $0xF7A, s2;
	p2 =	seq.s32 @!p0 s5, $0x0  }
0x1f: {  	s9 =	smul.u32 $0xF7A, s1;
	s8 =	simm.s32 @!p0 $0x1BF5;
	p2 =	por !p2, p0  }
0x20: {  	[sflag:s8] =	ssyncset.s32 @!p0 $0xFFFFF086;
	s6 =	sadd.s32 @!p0 s3, s7;
	s7 =	simm.s32 @!p0 $0x108  }
0x21: {  	s3 =	sadd.s32 s3, s9;
	s6 =	sadd.s32 @!p0 $0x88, s6;
	s7 =	simm.s32 @p2 $0x1082  }
0x22: {  	[simem:s7], [sflag:s8] =	dma.local @!p0 [hbm:s6], $0xF7A  }
0x23: {  	s9 =	sor.u32 $0xD0000000, s2;
	s6 =	simm.s32 $0x108;
	_ =	swait.ge @!p0 [sflag:s8], $0x0  }
0x24: {  	s3 =	sadd.s32 $0x88, s3;
	s6 =	simm.s32 @!p1 $0x1082;
	[sflag:s4] =	ssyncset.s32 $0xFFFFF086  }
0x25: {  	[simem:s6], [sflag:s4] =	dma.local [hbm:s3], $0xF7A  }
0x26: {  	[smem:$0x3F9B] =	sst s1;
	(tag) =	ssettag s2;
	_ =	strace s9  }
0x27: {  	s1 =	sld [smem:$0x3FAB]  }
0x28: {  	s2 =	sld [smem:$0x3FAC]  }
0x29: {  	s4 =	sld [smem:$0x3FAE]  }
0x2a: {  	p0 =	seq.s32 s5, $0x0;
	s5 =	sld [smem:$0x3FAF]  }
0x2b: {  	s6 =	sld [smem:$0x3FB0]  }
0x2c: {  	s7 =	sld [smem:$0x3FB1]  }
0x2d: {  	s3 =	simm.s32 $0x108;
	s8 =	sld [smem:$0x3FB2]  }
0x2e: {  	s3 =	simm.s32 @!p0 $0x1082;
	s9 =	sld [smem:$0x3FB3]  }
0x2f: {  	lr =	sadd.s32 s0, s3;
	s0 =	sld [smem:$0x3FAA]  }
0x30: {  	s3 =	sld [smem:$0x3FAD]  }
0x31: {  	[smem:$0x3FB6] =	sst s10  }
0x32: {  	s10 =	sld [smem:$0x3FB4];
	_ =	sdelay $0x3  }
0x33: {  	p0 =	seq.s32 s10, $0x1;
	s10 =	sld [smem:$0x3FB6];
	_ =	sdelay $0x3  }
0x34: {  	[smem:$0x3FB6] =	sst s10  }
0x35: {  	s10 =	sld [smem:$0x3FB5];
	_ =	sdelay $0x3  }
0x36: {  	p1 =	seq.s32 s10, $0x1;
	s10 =	sld [smem:$0x3FB6];
	_ =	sdelay $0x3  }
0x37: {  	[smem:$0x3FB6] =	sst s10  }
0x38: {  	s10 =	sld [smem:$0x3FB7]  }
0x39: {  	_ = 	snop;
	(pc) =	sbr.ind lr, $3  }
0x3a: {  	_ = 	snop  }
0x3b: {  	_ = 	snop  }
0x3c: {  	p2 =	seq.s32 s10, $0x1;
	s10 =	sld [smem:$0x3FB6]  }
0x3d: {  	_ =	shalt  }
0x3e: {  	_ =	shalt  }
0x3f: {  	_ =	shalt  }
0x40: {  	_ =	shalt  }
0x41: {  	_ =	shalt  }
0x42: {  	_ =	shalt  }
0x43: {  	_ =	shalt  }
0x44: {  	_ =	shalt  }
0x45: {  	_ =	shalt  }
0x46: {  	_ =	shalt  }
0x47: {  	_ =	shalt  }
0x48: {  	_ =	shalt  }
0x49: {  	_ =	shalt  }
0x4a: {  	_ =	shalt  }
0x4b: {  	_ =	shalt  }
0x4c: {  	_ =	shalt  }
0x4d: {  	_ =	shalt  }
0x4e: {  	_ =	shalt  }
0x4f: {  	_ =	shalt  }
0x50: {  	_ =	shalt  }
0x51: {  	_ =	shalt  }
0x52: {  	_ =	shalt  }
0x53: {  	_ =	shalt  }
0x54: {  	_ =	shalt  }
0x55: {  	_ =	shalt  }
0x56: {  	_ =	shalt  }
0x57: {  	_ =	shalt  }
0x58: {  	_ =	shalt  }
0x59: {  	_ =	shalt  }
0x5a: {  	_ =	shalt  }
0x5b: {  	_ =	shalt  }
0x5c: {  	_ =	shalt  }
0x5d: {  	_ =	shalt  }
0x5e: {  	_ =	shalt  }
0x5f: {  	_ =	shalt  }
0x60: {  	_ =	shalt  }
0x61: {  	_ =	shalt  }
0x62: {  	_ =	shalt  }
0x63: {  	_ =	shalt  }
0x64: {  	_ =	shalt  }
0x65: {  	_ =	shalt  }
0x66: {  	_ =	shalt  }
0x67: {  	_ =	shalt  }
0x68: {  	_ =	shalt  }
0x69: {  	_ =	shalt  }
0x6a: {  	_ =	shalt  }
0x6b: {  	_ =	shalt  }
0x6c: {  	_ =	shalt  }
0x6d: {  	_ =	shalt  }
0x6e: {  	_ =	shalt  }
0x6f: {  	_ =	shalt  }
0x70: {  	_ =	shalt  }
0x71: {  	_ =	shalt  }
0x72: {  	_ =	shalt  }
0x73: {  	_ =	shalt  }
0x74: {  	_ =	shalt  }
0x75: {  	_ =	shalt  }
0x76: {  	_ =	shalt  }
0x77: {  	_ =	shalt  }
0x78: {  	_ =	shalt  }
0x79: {  	_ =	shalt  }
0x7a: {  	_ =	shalt  }
0x7b: {  	_ =	shalt  }
0x7c: {  	_ =	shalt  }
0x7d: {  	_ =	shalt  }
0x7e: {  	_ =	shalt  }
0x7f: {  	_ =	shalt  }
0x80: {  	_ =	shalt  }
0x81: {  	_ =	shalt  }
0x82: {  	_ =	shalt  }
0x83: {  	_ =	shalt  }
0x84: {  	_ =	shalt  }
0x85: {  	_ =	shalt  }
0x86: {  	_ =	shalt  }
0x87: {  	_ =	shalt  }
.Lfunc_end0:
.L_simem_size_0:
called_computation.1_lowered:
.L_overlay_start_0:
0x88: {  	s2 =	sld [smem:$0x3FD9]  }
0x89: {  	s3 =	sld [smem:$0x3FFE];
	_ =	sdelay $0x1  }
0x8a: {  	s1 =	srdreg.scid  }
0x8b: {  	s0 =	sand.u32 $0x1, s1  }
0x8c: {  	s17 =	sshll.u32 s0, $0xA;
	s2 =	sadd.s32 s3, s2  }
0x8d: {  	s2 =	sadd.s32 s2, s17  }
0x8e: {  	[smem:$0x3FC2] =	sst s2  }
0x8f: {  	_ = 	snop  }
0x90: {  	s2 =	sld [smem:$0x3FD0];
	(tm) =	ssettm $0x1  }
0x91: {  	s18 =	sld [smem:$0x3FFB];
	_ =	sdelay $0x3  }
0x92: {  	_ =	strace s18  }
0x93: {  	s3 =	sld [smem:$0x3FFC];
	_ =	sdelay $0x3  }
0x94: {  	_ =	strace s3  }
0x95: {  	s3 =	sld [smem:$0x3FFD];
	_ =	sdelay $0x3  }
0x96: {  	_ =	strace s3  }
0x97: {  	_ =	strace $0x8FFFFFFF  }
0x98: {  	s19 =	sld [smem:$0x3FDB];
	_ =	sdelay $0x1  }
0x99: {  	s4 =	simm.s32 $_scs_section_size  }
0x9a: {  	s5 =	simm.s32 $_size__tile_overlayer_lowered;
	s6 =	simm.s32 $_tile_overlayer_lowered  }
0x9b: {  	s22 =	simm.s32 $0x1BFF;
	s21 =	sshll.u32 s6, $0x1;
	s3 =	sadd.s32 s4, s19  }
0x9c: {  	s7 =	simm.s32 $0x0;
	s20 =	sshll.u32 s5, $0x1;
	s5 =	sadd.s32 s21, s3  }
0x9d: {  	[timem:s7], [sflag:s22] =	dma.local [hbm:s5], s20  }
0x9e: {  	_ =	swait.ge [sflag:s22], s20  }
0x9f: {  	s4 =	ssub.s32 $0x0, s20;
	[sflag:s22] =	ssyncset.done $0x0  }
0xa0: {  	[sflag:s22] =	ssyncadd.s32 s4;
	_ =	sdelay $0x1  }
0xa1: {  	s23 =	simm.s32 $0x1B8B  }
0xa2: {  	_ =	swait.ge [sflag:s23], $0x1  }
0xa3: {  	[sflag:s23] =	ssyncset.done $0x0  }
0xa4: {  	s25 =	simm.s32 $0x1B8E;
	s24 =	sld [smem:$0x3FFE];
	[sflag:s23] =	ssyncadd.s32 $0xFFFFFFFF  }
0xa5: {  	s26 =	simm.s32 $execute0_lowered;
	[smem:$0x3FD2] =	sst s25  }
0xa6: {  	s5 =	sshll.u32 s26, $0x1;
	_ =	strace $0x80000049;
	[dreg:$0x1] =	wrdreg $0xFFFFFFFF  }
0xa7: {  	s28 =	simm.s32 $_size_execute0_lowered;
	s3 =	sadd.s32 s3, s5;
	[dreg:$0x0] =	wrdreg $0x0  }
0xa8: {  	s5 =	sshll.u32 s28, $0x1;
	[dreg:$0x2] =	wrdreg s3  }
0xa9: {  	[dreg:$0x3] =	wrdreg s5  }
0xaa: {  	[dreg:$0x4] =	wrdreg $0xC0  }
0xab: {  	_ =	task [dreg:s7], $0x5FFFF  }
0xac: {  	[dreg:$0x1] =	wrdreg $0xFFFFFFFF  }
0xad: {  	[dreg:$0x0] =	wrdreg $0x60  }
0xae: {  	[dreg:$0x2] =	wrdreg s24  }
0xaf: {  	[dreg:$0x3] =	wrdreg s2  }
0xb0: {  	[dreg:$0x4] =	wrdreg $0x160000  }
0xb1: {  	[dreg:$0x5] =	wrdreg $0x9  }
0xb2: {  	_ =	task.clear_ibuf [dreg:s7], $0x6FFFF;
	_ =	strace $0x90000049  }
0xb3: {  	s29 =	simm.s32 $0x9;
	_ =	strace $0x8000004B  }
0xb4: {  	_ =	swait.ge [sflag:s29], $0x1  }
0xb5: {  	[sflag:s29] =	ssyncadd.s32 $0xFFFFFFFF  }
0xb6: {  	_ =	strace $0x9000004B  }
0xb7: {  	_ =	sfence  }
0xb8: {  	s30 =	sld [smem:$0x0];
	_ =	sdelay $0x2  }
0xb9: {  	s31 =	sshll.u32 s1, $0xD;
	s1 =	sshrl.u32 s1, $0x2  }
0xba: {  	s3 =	sand.u32 $0x4000, s31;
	s1 =	sadd.s32 s1, s30  }
0xbb: {  	s0 =	sor.u32 s3, s0;
	s1 =	sshll.u32 s1, $0x11  }
0xbc: {  	s0 =	sor.u32 s1, s0  }
0xbd: {  	s0 =	sadd.s32 $0x8F2B, s0  }
0xbe: {  	[sflag:s0] =	ssyncadd.remote.s32 $0x1  }
0xbf: {  	_ =	sfence.sel $0xFFFF  }
0xc0: {  	[dreg:$0x0] =	wrdreg $0xFFFFFFFF;
	(pc) =	sbr.abs _section_cstart, $3  }
0xc1: {  	[dreg:$0x1] =	wrdreg $0xFFFFFFFF  }
0xc2: {  	_ =	task.clear_ibuf [dreg:s7], $0x2FFFF;
	_ =	strace $0x9FFFFFFF  }
0xc3: {  	(tm) =	ssettm $0x7FFFFFFF  }
tec
execute0_lowered:
.L_overlay_start_1:
0x0: {  	(tag) =	ssettag $0x1  }
0x1: {  	s0 =	rddreg [dreg:$0x0]  }
0x2: {  	s2 =	rddreg [dreg:$0x1]  }
0x3: {  	s1 =	rddreg [dreg:$0x2];
	s3 =	simm.s32 $0x0;
	s4 =	srdreg.scid  }
0x4: {  	s24 =	stileid.u32;
	s16 =	simm.s32 $0x7;
	s17 =	simm.s32 $0x80  }
0x5: {  	s19 =	simm.s32 $0xC000;
	s20 =	simm.s32 $0x100;
	s21 =	simm.s32 $0xE000  }
0x6: {  	s22 =	simm.s32 $0x4;
	s23 =	simm.s32 $0x5;
	s28 =	simm.s32 $0x8  }
0x7: {  	s29 =	simm.s32 $0x0;
	[smem:$0x7FF] =	sst s3;
	s13 =	smul.u32 $0xA00, s24  }
0x8: {  	s6 =	sand.u32 $0x1, s4;
	s4 =	sadd.s32 $0x68000, s0;
	s7 =	smul.u32 $0x13C00, s24  }
0x9: {  	s14 =	smul.u32 $0x27800, s24;
	p0 =	seq.s32 s24, $0xF;
	s31 =	sshll.u32 s24, $0x6  }
0xa: {  	s24 =	simm.s32 $0x6;
	_ =	strace $0x8000004A;
	s5 =	sshll.u32 s6, $0xA  }
0xb: {  	s10 =	sshll.u32 s6, $0x6;
	s25 =	ssub.s32 $0x2, s6;
	s11 =	smul.u32 $0x9C40, s6  }
0xc: {  	s6 =	sadd.s32 $0x15800, s0;
	s8 =	sadd.s32 s5, s0;
	s9 =	sadd.s32 s13, s0  }
0xd: {  	s5 =	sadd.s32 $0x1800, s0;
	s7 =	sor.u32 s10, s7;
	s12 =	sshrl.u32 s25, $0x1  }
0xe: {  	s26 =	sshrl.u32 s14, $0x2;
	s14 =	sor.u32 $0x1C07, s31;
	s7 =	sshrl.u32 s7, $0x3  }
.Ltmp0:
0xf: {  	s12 =	ssub.s32 s25, s12;
	s2 =	sadd.s32 s2, s11;
	(pc) =	sbr.rel .LBB2_1-.Ltmp0, $4  }
0x10: {  	s8 =	sadd.s32 $0x67800, s8;
	s30 =	sadd.s32 s26, s1;
	s25 =	simm.s32 $0x1  }
0x11: {  	s26 =	simm.s32 $0x10;
	s15 =	sadd.s32 s7, s0;
	s7 =	sadd.s32 $0xBA00, s9  }
0x12: {  	s9 =	sadd.s32 $0x15000, s0;
	s11 =	smax.u32 s12, $0x1;
	s12 =	sadd.s32 @p0 $0x9600, s2  }
0x13: {  	s13 =	sadd.s32 @!p0 s13, s2;
	s10 =	sadd.s32 $0x8F200, s15;
	s15 =	sshrl.u32 s30, $0x3  }
.LBB2_6:
0x14: {  	_ =	swait.ge [sflag:s22], $0x2000  }
0x15: {  	[sflag:s22] =	ssyncset.done $0x0  }
0x16: {  	[sflag:s22] =	ssyncadd.s32 $0xFFFFE000  }
0x17: {  	_ =	swait.ge [sflag:s22], $0x2000  }
0x18: {  	[sflag:s22] =	ssyncset.done $0x0  }
0x19: {  	[sflag:s22] =	ssyncadd.s32 $0xFFFFE000  }
0x1a: {  	_ =	swait.ge [sflag:s23], $0x2000  }
0x1b: {  	[sflag:s23] =	ssyncset.done $0x0  }
0x1c: {  	[sflag:s23] =	ssyncadd.s32 $0xFFFFE000  }
0x1d: {  	_ =	swait.ge [sflag:s23], $0x2000  }
0x1e: {  	[sflag:s23] =	ssyncset.done $0x0  }
0x1f: {  	[sflag:s23] =	ssyncadd.s32 $0xFFFFE000  }
0x20: {  	_ =	swait.ge [sflag:s24], $0x2000  }
0x21: {  	[sflag:s24] =	ssyncset.done $0x0  }
0x22: {  	[sflag:s24] =	ssyncadd.s32 $0xFFFFE000  }
0x23: {  	_ =	swait.ge [sflag:s24], $0x2000  }
0x24: {  	s29 =	sadd.s32 $0x1, s29;
	[sflag:s24] =	ssyncset.done $0x0  }
0x25: {  	p1 =	sne.s32 s29, s11;
	[sflag:s24] =	ssyncadd.s32 $0xFFFFE000  }
.Ltmp1:
0x26: {  	[bflag:$0x0] =	sbarrier.arrive $0xFFFF;
	(pc) =	sbr.rel @!p1 .LBB2_7-.Ltmp1, $4  }
0x27: {  	[hbm:s10@s26], [sflag:s14] =	dma.strided [spmem:s15@s28], $0x13C0, s25, $0x8   }
0x28: {  	_ =	swait.ge [sflag:s16], $0x13C0  }
0x29: {  	[sflag:s16] =	ssyncset.done $0x0  }
0x2a: {  	[sflag:s16] =	ssyncadd.s32 $0xFFFFEC40  }
.LBB2_1:
0x2b: {  	s0 =	simm.s32 @p0 $0x0;
	s2 =	simm.s32 @p0 $0x3000  }
0x2c: {  	[tilespmem:s2], [sflag:$0x7] =	stream.linear.gather @p0 [hbm4b:s8+s0], $0x2000, $0x38;
	[tilespmem:$0x1FE00] =	vst v63  }
0x2d: {  	s2 =	simm.s32 @p0 $0x7  }
0x2e: {  	_ =	swait.ge @p0 [sflag:s2], $0x2000  }
0x2f: {  	[sflag:s2] =	ssyncset.done @p0 $0x0  }
0x30: {  	[sflag:s2] =	ssyncadd.s32 @p0 $0xFFFFE000  }
0x31: {  	[tilespmem:s0], [sflag:$0x7] =	stream.linear.gather @p0 [hbm4b:s12+s0], $0x3200, $0x38;
	[tilespmem:$0x1FE00] =	vst v63  }
0x32: {  	_ =	swait.ge @p0 [sflag:s2], $0x3200  }
0x33: {  	[sflag:s2] =	ssyncset.done @p0 $0x0  }
0x34: {  	s30 =	simm.s32 @p0 $0x8000;
	[sflag:s2] =	ssyncadd.s32 @p0 $0xFFFFCE00  }
0x35: {  	[tilespmem:s30], [sflag:$0x7] =	stream.linear.gather @p0 [hbm4b:s5+s0], $0x2000, $0x38;
	[tilespmem:$0x1FE00] =	vst v63  }
0x36: {  	_ =	swait.ge @p0 [sflag:s2], $0x2000  }
0x37: {  	[sflag:s2] =	ssyncset.done @p0 $0x0  }
0x38: {  	s30 =	simm.s32 @p0 $0x5000;
	[sflag:s2] =	ssyncadd.s32 @p0 $0xFFFFE000  }
0x39: {  	[tilespmem:s30], [sflag:$0x7] =	stream.linear.gather @p0 [hbm4b:s9+s0], $0x3200, $0x38;
	[tilespmem:$0x1FE00] =	vst v63  }
0x3a: {  	_ =	swait.ge @p0 [sflag:s2], $0x3200  }
0x3b: {  	[sflag:s2] =	ssyncset.done @p0 $0x0  }
0x3c: {  	s0 =	simm.s32 @!p0 $0x0;
	[sflag:s2] =	ssyncadd.s32 @p0 $0xFFFFCE00;
	s2 =	simm.s32 @!p0 $0x7  }
0x3d: {  	[tilespmem:s0], [sflag:$0x7] =	stream.linear.gather @!p0 [hbm4b:s13+s0], $0x5000, $0x38;
	[tilespmem:$0x1FE00] =	vst v63  }
0x3e: {  	_ =	swait.ge @!p0 [sflag:s2], $0x5000  }
0x3f: {  	[sflag:s2] =	ssyncset.done @!p0 $0x0  }
0x40: {  	s30 =	simm.s32 @!p0 $0x5000;
	[sflag:s2] =	ssyncadd.s32 @!p0 $0xFFFFB000  }
0x41: {  	[tilespmem:s30], [sflag:$0x7] =	stream.linear.gather @!p0 [hbm4b:s7+s0], $0x5000, $0x38;
	[tilespmem:$0x1FE00] =	vst v63  }
0x42: {  	_ =	swait.ge @!p0 [sflag:s2], $0x5000  }
0x43: {  	[sflag:s2] =	ssyncset.done @!p0 $0x0  }
0x44: {  	[sflag:s2] =	ssyncadd.s32 @!p0 $0xFFFFB000  }
0x45: {  	[spmem:s15], [sflag:s14] =	dma.local [hbm:s6], $0x13C0  }
0x46: {  	_ =	swait.ge [sflag:s16], $0x13C0  }
0x47: {  	[sflag:s16] =	ssyncset.done $0x0  }
0x48: {  	[sflag:s16] =	ssyncadd.s32 $0xFFFFEC40  }
0x49: {  	s3 =	simm.s32 $0x0;
	s18 =	simm.s32 $0xA000;
	[bflag:$0x0] =	sbarrier.arrive $0xFFFF  }
0x4a: {  	[tilespmem:s18], [sflag:$0x1] =	stream.indirect.gather [hbm4b:s4+s17], $0x40, s3, s17, $0xb8;
	[tilespmem:$0x1FE00] =	vst v63  }
.Ltmp2:
0x4b: {  	_ = 	snop;
	(pc) =	sbr.rel .LBB2_2-.Ltmp2, $4  }
0x4c: {  	_ = 	snop  }
0x4d: {  	[tilespmem:s19], [sflag:$0x2] =	stream.indirect.gather [hbm4b:s4+s17], $0x40, s17, s17, $0xb8;
	[tilespmem:$0x1FE00] =	vst v63  }
0x4e: {  	s31 =	simm.s32 $0x180;
	s30 =	simm.s32 $0x5000;
	s0 =	simm.s32 $0x0  }
0x4f: {  	[tilespmem:s21], [sflag:$0x3] =	stream.indirect.gather [hbm4b:s4+s17], $0x40, s20, s17, $0xb8;
	[tilespmem:$0x1FE00] =	vst v63  }
.LBB2_4:
0x50: {  	p1 =	seq.s32 s2, $0x3  }
0x51: {  	s3 =	simm.s32 @p1 $0x1  }
0x52: {  	p2 =	sgt.u32 @p1 s0, $0x9C;
	_ =	swait.ge @p1 [sflag:s3], $0x2000  }
0x53: {  	p2 =	por p2, !p1;
	[sflag:s3] =	ssyncset.done @p1 $0x0  }
0x54: {  	[sflag:s3] =	ssyncadd.s32 @p1 $0xFFFFE000;
	s3 =	simm.s32 @!p2 $0x4  }
0x55: {  	_ =	swait.ge @!p2 [sflag:s3], $0x2000  }
0x56: {  	[sflag:s3] =	ssyncset.done @!p2 $0x0  }
0x57: {  	s18 =	simm.s32 @!p2 $0xA000;
	[sflag:s3] =	ssyncadd.s32 @!p2 $0xFFFFE000;
	s3 =	simm.s32 @!p2 $0x80  }
0x58: {  	[tilespmem:s18], [sflag:$0x1] =	stream.indirect.gather @!p2 [hbm4b:s4+s3], $0x40, s31, s3, $0xb8;
	[tilespmem:$0x1FE00] =	vst v63  }
0x59: {  	p2 =	seq.s32 @!p1 s2, $0x4  }
0x5a: {  	s3 =	simm.s32 @p1 $0x80;
	s18 =	simm.s32 @p1 $0x10000;
	p3 =	por !p2, p1  }
0x5b: {  	[spmem:s1] =	stream.indirect.scatter.add.f32 @p1 [tilespmem:s18], [sflag:$0x4], $0x40, s30, s3, $0xb8;
	[tilespmem:$0x1FE00] =	vst v63  }
0x5c: {  	p4 =	sgt.u32 @!p3 s0, $0x9C;
	s2 =	simm.s32 @!p3 $0x2  }
0x5d: {  	_ =	swait.ge @!p3 [sflag:s2], $0x2000;
	p4 =	por @!p1 p4, !p2  }
0x5e: {  	[sflag:s2] =	ssyncset.done @!p3 $0x0;
	p4 =	por p4, p1  }
0x5f: {  	[sflag:s2] =	ssyncadd.s32 @!p3 $0xFFFFE000;
	s2 =	simm.s32 @!p4 $0x5  }
0x60: {  	_ =	swait.ge @!p4 [sflag:s2], $0x2000  }
0x61: {  	[sflag:s2] =	ssyncset.done @!p4 $0x0  }
0x62: {  	s3 =	simm.s32 @!p4 $0xC000;
	[sflag:s2] =	ssyncadd.s32 @!p4 $0xFFFFE000;
	s2 =	simm.s32 @!p4 $0x80  }
0x63: {  	[tilespmem:s3], [sflag:$0x2] =	stream.indirect.gather @!p4 [hbm4b:s4+s2], $0x40, s31, s2, $0xb8;
	[tilespmem:$0x1FE00] =	vst v63  }
0x64: {  	s2 =	simm.s32 @!p3 $0x80;
	s3 =	simm.s32 @!p3 $0x12000  }
0x65: {  	[spmem:s1] =	stream.indirect.scatter.add.f32 @!p3 [tilespmem:s3], [sflag:$0x5], $0x40, s30, s2, $0xb8;
	[tilespmem:$0x1FE00] =	vst v63  }
0x66: {  	p3 =	por p2, p1  }
0x67: {  	p4 =	sgt.u32 @!p3 s0, $0x9C;
	s2 =	simm.s32 @!p3 $0x3  }
0x68: {  	_ =	swait.ge @!p3 [sflag:s2], $0x2000;
	p2 =	por @!p1 p4, p2  }
0x69: {  	[sflag:s2] =	ssyncset.done @!p3 $0x0;
	p1 =	por p2, p1  }
0x6a: {  	[sflag:s2] =	ssyncadd.s32 @!p3 $0xFFFFE000;
	s2 =	simm.s32 @!p1 $0x6  }
0x6b: {  	_ =	swait.ge @!p1 [sflag:s2], $0x2000  }
0x6c: {  	[sflag:s2] =	ssyncset.done @!p1 $0x0  }
0x6d: {  	s3 =	simm.s32 @!p1 $0xE000;
	[sflag:s2] =	ssyncadd.s32 @!p1 $0xFFFFE000;
	s2 =	simm.s32 @!p1 $0x80  }
0x6e: {  	[tilespmem:s3], [sflag:$0x3] =	stream.indirect.gather @!p1 [hbm4b:s4+s2], $0x40, s31, s2, $0xb8;
	[tilespmem:$0x1FE00] =	vst v63  }
0x6f: {  	s2 =	simm.s32 @!p3 $0x80;
	s3 =	simm.s32 @!p3 $0x14000  }
0x70: {  	[spmem:s1] =	stream.indirect.scatter.add.f32 @!p3 [tilespmem:s3], [sflag:$0x6], $0x40, s30, s2, $0xb8;
	[tilespmem:$0x1FE00] =	vst v63  }
.LBB2_5:
0x71: {  	s0 =	sadd.s32 $0x1, s0  }
0x72: {  	p1 =	sne.s32 s0, $0xA0  }
.Ltmp3:
0x73: {  	_ = 	snop;
	(pc) =	sbr.rel @!p1 .LBB2_6-.Ltmp3, $2  }
0x74: {  	_ =	sdelay $0x2  }
0x75: {  	s30 =	sadd.s32 $0x80, s30;
	s31 =	sadd.s32 $0x80, s31  }
.LBB2_2:
0x76: {  	s2 =	smul.u32 $0xAB, s0;
	_ =	sdelay $0x1  }
0x77: {  	s2 =	sshrl.u32 s2, $0xA  }
0x78: {  	s2 =	sand.u32 $0x3F, s2  }
0x79: {  	s2 =	smul.u32 $0x6, s2;
	_ =	sdelay $0x1  }
0x7a: {  	s2 =	ssub.s32 s0, s2  }
0x7b: {  	s2 =	sand.u32 $0xFF, s2  }
0x7c: {  	p1 =	sgt.s32 s2, $0x2  }
.Ltmp4:
0x7d: {  	_ = 	snop;
	(pc) =	sbr.rel @p1 .LBB2_4-.Ltmp4, $1  }
0x7e: {  	_ =	sdelay $0x3  }
0x7f: {  	p1 =	seq.s32 s2, $0x0  }
0x80: {  	p2 =	sgt.u32 @p1 s0, $0x9C  }
0x81: {  	p3 =	por p2, !p1  }
0x82: {  	s3 =	simm.s32 @p1 $0x1;
	p4 =	slt.u32 @!p3 s0, $0x3  }
0x83: {  	_ =	swait.ge @p1 [sflag:s3], $0x2000;
	p2 =	por @p1 p4, p2  }
0x84: {  	[sflag:s3] =	ssyncset.done @p1 $0x0;
	p2 =	por p2, !p1  }
0x85: {  	[sflag:s3] =	ssyncadd.s32 @p1 $0xFFFFE000;
	s3 =	simm.s32 @!p2 $0x4  }
0x86: {  	_ =	swait.ge @!p2 [sflag:s3], $0x2000  }
0x87: {  	s18 =	simm.s32 @!p3 $0x10000;
	[sflag:s3] =	ssyncset.done @!p2 $0x0  }
0x88: {  	[sflag:s3] =	ssyncadd.s32 @!p2 $0xFFFFE000;
	s3 =	simm.s32 @!p3 $0x80;
	p2 =	seq.s32 @!p1 s2, $0x1  }
0x89: {  	[tilespmem:s18], [sflag:$0x1] =	stream.indirect.gather @!p3 [hbm4b:s4+s3], $0x40, s31, s3, $0xb8;
	[tilespmem:$0x1FE00] =	vst v63  }
0x8a: {  	p3 =	por !p2, p1  }
0x8b: {  	s3 =	simm.s32 @p1 $0x80;
	s18 =	simm.s32 @p1 $0xA000;
	p5 =	sgt.u32 @!p3 s0, $0x9C  }
0x8c: {  	[spmem:s1] =	stream.indirect.scatter.add.f32 @p1 [tilespmem:s18], [sflag:$0x4], $0x40, s30, s3, $0xb8;
	[tilespmem:$0x1FE00] =	vst v63  }
0x8d: {  	p4 =	por @!p1 p5, !p2  }
0x8e: {  	p4 =	por p4, p1  }
0x8f: {  	p6 =	slt.u32 @!p4 s0, $0x3  }
0x90: {  	s2 =	simm.s32 @!p3 $0x2;
	p5 =	por @!p3 p6, p5  }
0x91: {  	_ =	swait.ge @!p3 [sflag:s2], $0x2000;
	p5 =	por @!p1 p5, !p2  }
0x92: {  	[sflag:s2] =	ssyncset.done @!p3 $0x0;
	p5 =	por p5, p1  }
0x93: {  	[sflag:s2] =	ssyncadd.s32 @!p3 $0xFFFFE000;
	s2 =	simm.s32 @!p5 $0x5  }
0x94: {  	_ =	swait.ge @!p5 [sflag:s2], $0x2000  }
0x95: {  	[sflag:s2] =	ssyncset.done @!p5 $0x0  }
0x96: {  	s3 =	simm.s32 @!p4 $0x12000;
	[sflag:s2] =	ssyncadd.s32 @!p5 $0xFFFFE000;
	s2 =	simm.s32 @!p4 $0x80  }
0x97: {  	[tilespmem:s3], [sflag:$0x2] =	stream.indirect.gather @!p4 [hbm4b:s4+s2], $0x40, s31, s2, $0xb8;
	[tilespmem:$0x1FE00] =	vst v63  }
0x98: {  	s2 =	simm.s32 @!p3 $0x80;
	s3 =	simm.s32 @!p3 $0xC000  }
0x99: {  	[spmem:s1] =	stream.indirect.scatter.add.f32 @!p3 [tilespmem:s3], [sflag:$0x5], $0x40, s30, s2, $0xb8;
	[tilespmem:$0x1FE00] =	vst v63  }
0x9a: {  	p3 =	por p2, p1  }
0x9b: {  	p5 =	sgt.u32 @!p3 s0, $0x9C  }
0x9c: {  	p4 =	por @!p1 p5, p2  }
0x9d: {  	p4 =	por p4, p1  }
0x9e: {  	p6 =	slt.u32 @!p4 s0, $0x3  }
0x9f: {  	s2 =	simm.s32 @!p3 $0x3;
	p5 =	por @!p3 p6, p5  }
0xa0: {  	_ =	swait.ge @!p3 [sflag:s2], $0x2000;
	p2 =	por @!p1 p5, p2  }
0xa1: {  	[sflag:s2] =	ssyncset.done @!p3 $0x0;
	p1 =	por p2, p1  }
0xa2: {  	[sflag:s2] =	ssyncadd.s32 @!p3 $0xFFFFE000;
	s2 =	simm.s32 @!p1 $0x6  }
0xa3: {  	_ =	swait.ge @!p1 [sflag:s2], $0x2000  }
.Ltmp5:
0xa4: {  	[sflag:s2] =	ssyncset.done @!p1 $0x0;
	(pc) =	sbr.rel .LBB2_5-.Ltmp5, $4  }
0xa5: {  	s3 =	simm.s32 @!p4 $0x14000;
	[sflag:s2] =	ssyncadd.s32 @!p1 $0xFFFFE000;
	s2 =	simm.s32 @!p4 $0x80  }
0xa6: {  	[tilespmem:s3], [sflag:$0x3] =	stream.indirect.gather @!p4 [hbm4b:s4+s2], $0x40, s31, s2, $0xb8;
	[tilespmem:$0x1FE00] =	vst v63  }
0xa7: {  	s2 =	simm.s32 @!p3 $0x80;
	s3 =	simm.s32 @!p3 $0xE000  }
0xa8: {  	[spmem:s1] =	stream.indirect.scatter.add.f32 @!p3 [tilespmem:s3], [sflag:$0x6], $0x40, s30, s2, $0xb8;
	[tilespmem:$0x1FE00] =	vst v63  }
.LBB2_7:
0xa9: {  	_ =	sfence.sel $0x180000  }
0xaa: {  	[bflag:$0x0] =	sbarrier.arrive $0xFFFF  }
0xab: {  	_ =	strace $0x9000004A  }
0xac: {  	s0 =	stileid.u32;
	[bflag:$0x2] =	sbarrier.arrive $0xFFFF  }
0xad: {  	p0 =	sne.s32 s0, $0x0;
	s0 =	rddreg [dreg:$0x3]  }
0xae: {  	s0 =	sadd.s32 @!p0 $0x100000, s0  }
0xaf: {  	[sflag:s0] =	ssyncadd.tile.s32 @!p0 $0x1;
	_ =	shalt  }
.Lfunc_end2:
_tile_overlayer_lowered:
.L_overlay_start_2:
0xb0: {  	(tag) =	ssettag $0x2  }
0xb1: {  	s0 =	rddreg [dreg:$0x0];
	s2 =	stileid.u32  }
0xb2: {  	s1 =	rddreg [dreg:$0x1];
	p0 =	sne.s32 s2, $0x0  }
0xb3: {  	s3 =	rddreg [dreg:$0x2];
	[bflag:$0x3] =	sbarrier.arrive $0xFFFF;
	s2 =	simm.s32 @!p0 $0x1C07  }
0xb4: {  	[timem:s3], [sflag:s2] =	dma.local @!p0 [hbm:s0], s1  }
0xb5: {  	s0 =	simm.s32 @!p0 $0x7  }
0xb6: {  	_ =	swait.ge @!p0 [sflag:s0], s1  }
0xb7: {  	s1 =	ssub.s32 @!p0 $0x0, s1;
	[sflag:s0] =	ssyncset.done @!p0 $0x0  }
0xb8: {  	[sflag:s0] =	ssyncadd.s32 @!p0 s1  }
0xb9: {  	[bflag:$0x3] =	sbarrier.arrive $0xFFFF  }
0xba: {  	_ =	shalt  }

// kernel: kernel.14.cloned.1.call-start
scs
__scs_entry_jumppad:
0x0: {  	(pc) =	sbr.rel $0x88, $3  }
0x1: {  	(tag) =	ssettag $0x0;
	lr =	simm.s32 $0x1  }
0x2: {  	[smem:$0x3F9B] =	sst lr;
	_ =	strace $0xD0000000  }
0x3: {  	_ = 	snop  }
0x4: {  	_ = 	snop  }
0x5: {  	_ = 	snop  }
0x6: {  	_ = 	snop  }
0x7: {  	_ = 	snop  }
__scs_overlays_trampoline_lowered:
0x8: {  	[smem:$0x3FAA] =	sst s0  }
0x9: {  	[smem:$0x3FAB] =	sst s1  }
0xa: {  	[smem:$0x3FAC] =	sst s2  }
0xb: {  	[smem:$0x3FAD] =	sst s3  }
0xc: {  	[smem:$0x3FAE] =	sst s4  }
0xd: {  	[smem:$0x3FAF] =	sst s5  }
0xe: {  	[smem:$0x3FB0] =	sst s6  }
0xf: {  	[smem:$0x3FB1] =	sst s7  }
0x10: {  	[smem:$0x3FB2] =	sst s8  }
0x11: {  	[smem:$0x3FB3] =	sst s9;
	s0 =	simm.s32 @!p0 $0x0  }
0x12: {  	s1 =	sld [smem:$0x3F99];
	s0 =	simm.s32 @p0 $0x1  }
0x13: {  	[smem:$0x3FB4] =	sst s0;
	s0 =	simm.s32 @!p1 $0x0  }
0x14: {  	s2 =	sld [smem:$0x3F98];
	s0 =	simm.s32 @p1 $0x1  }
0x15: {  	[smem:$0x3FB5] =	sst s0;
	s0 =	simm.s32 @!p2 $0x0  }
0x16: {  	s3 =	sld [smem:$0x3FDB];
	s0 =	simm.s32 @p2 $0x1  }
0x17: {  	s4 =	simm.s32 $0x1BF5;
	[smem:$0x3FB7] =	sst s0  }
0x18: {  	s0 =	sld [smem:$0x3F9A];
	_ =	swait.ge [sflag:s4], $0x0  }
0x19: {  	s7 =	sld [smem:$0x3F9B]  }
0x1a: {  	s8 =	sadd.s32 $0xFFFFE003, lr  }
0x1b: {  	s9 =	sadd.s32 $0xFFFFFEF7, lr;
	s5 =	simm.s32 $0xFFFFFFFF;
	p2 =	slt.u32 s8, $0xFFFFF086  }
0x1c: {  	p1 =	slt.u32 s9, $0xF7A;
	s5 =	simm.s32 @!p2 $0x0  }
0x1d: {  	s5 =	simm.s32 @p1 $0x1;
	p0 =	seq.s32 s7, s2  }
0x1e: {  	s7 =	smul.u32 @!p0 $0xF7A, s2;
	p2 =	seq.s32 @!p0 s5, $0x0  }
0x1f: {  	s9 =	smul.u32 $0xF7A, s1;
	s8 =	simm.s32 @!p0 $0x1BF5;
	p2 =	por !p2, p0  }
0x20: {  	[sflag:s8] =	ssyncset.s32 @!p0 $0xFFFFF086;
	s6 =	sadd.s32 @!p0 s3, s7;
	s7 =	simm.s32 @!p0 $0x108  }
0x21: {  	s3 =	sadd.s32 s3, s9;
	s6 =	sadd.s32 @!p0 $0x88, s6;
	s7 =	simm.s32 @p2 $0x1082  }
0x22: {  	[simem:s7], [sflag:s8] =	dma.local @!p0 [hbm:s6], $0xF7A  }
0x23: {  	s9 =	sor.u32 $0xD0000000, s2;
	s6 =	simm.s32 $0x108;
	_ =	swait.ge @!p0 [sflag:s8], $0x0  }
0x24: {  	s3 =	sadd.s32 $0x88, s3;
	s6 =	simm.s32 @!p1 $0x1082;
	[sflag:s4] =	ssyncset.s32 $0xFFFFF086  }
0x25: {  	[simem:s6], [sflag:s4] =	dma.local [hbm:s3], $0xF7A  }
0x26: {  	[smem:$0x3F9B] =	sst s1;
	(tag) =	ssettag s2;
	_ =	strace s9  }
0x27: {  	s1 =	sld [smem:$0x3FAB]  }
0x28: {  	s2 =	sld [smem:$0x3FAC]  }
0x29: {  	s4 =	sld [smem:$0x3FAE]  }
0x2a: {  	p0 =	seq.s32 s5, $0x0;
	s5 =	sld [smem:$0x3FAF]  }
0x2b: {  	s6 =	sld [smem:$0x3FB0]  }
0x2c: {  	s7 =	sld [smem:$0x3FB1]  }
0x2d: {  	s3 =	simm.s32 $0x108;
	s8 =	sld [smem:$0x3FB2]  }
0x2e: {  	s3 =	simm.s32 @!p0 $0x1082;
	s9 =	sld [smem:$0x3FB3]  }
0x2f: {  	lr =	sadd.s32 s0, s3;
	s0 =	sld [smem:$0x3FAA]  }
0x30: {  	s3 =	sld [smem:$0x3FAD]  }
0x31: {  	[smem:$0x3FB6] =	sst s10  }
0x32: {  	s10 =	sld [smem:$0x3FB4];
	_ =	sdelay $0x3  }
0x33: {  	p0 =	seq.s32 s10, $0x1;
	s10 =	sld [smem:$0x3FB6];
	_ =	sdelay $0x3  }
0x34: {  	[smem:$0x3FB6] =	sst s10  }
0x35: {  	s10 =	sld [smem:$0x3FB5];
	_ =	sdelay $0x3  }
0x36: {  	p1 =	seq.s32 s10, $0x1;
	s10 =	sld [smem:$0x3FB6];
	_ =	sdelay $0x3  }
0x37: {  	[smem:$0x3FB6] =	sst s10  }
0x38: {  	s10 =	sld [smem:$0x3FB7]  }
0x39: {  	_ = 	snop;
	(pc) =	sbr.ind lr, $3  }
0x3a: {  	_ = 	snop  }
0x3b: {  	_ = 	snop  }
0x3c: {  	p2 =	seq.s32 s10, $0x1;
	s10 =	sld [smem:$0x3FB6]  }
0x3d: {  	_ =	shalt  }
0x3e: {  	_ =	shalt  }
0x3f: {  	_ =	shalt  }
0x40: {  	_ =	shalt  }
0x41: {  	_ =	shalt  }
0x42: {  	_ =	shalt  }
0x43: {  	_ =	shalt  }
0x44: {  	_ =	shalt  }
0x45: {  	_ =	shalt  }
0x46: {  	_ =	shalt  }
0x47: {  	_ =	shalt  }
0x48: {  	_ =	shalt  }
0x49: {  	_ =	shalt  }
0x4a: {  	_ =	shalt  }
0x4b: {  	_ =	shalt  }
0x4c: {  	_ =	shalt  }
0x4d: {  	_ =	shalt  }
0x4e: {  	_ =	shalt  }
0x4f: {  	_ =	shalt  }
0x50: {  	_ =	shalt  }
0x51: {  	_ =	shalt  }
0x52: {  	_ =	shalt  }
0x53: {  	_ =	shalt  }
0x54: {  	_ =	shalt  }
0x55: {  	_ =	shalt  }
0x56: {  	_ =	shalt  }
0x57: {  	_ =	shalt  }
0x58: {  	_ =	shalt  }
0x59: {  	_ =	shalt  }
0x5a: {  	_ =	shalt  }
0x5b: {  	_ =	shalt  }
0x5c: {  	_ =	shalt  }
0x5d: {  	_ =	shalt  }
0x5e: {  	_ =	shalt  }
0x5f: {  	_ =	shalt  }
0x60: {  	_ =	shalt  }
0x61: {  	_ =	shalt  }
0x62: {  	_ =	shalt  }
0x63: {  	_ =	shalt  }
0x64: {  	_ =	shalt  }
0x65: {  	_ =	shalt  }
0x66: {  	_ =	shalt  }
0x67: {  	_ =	shalt  }
0x68: {  	_ =	shalt  }
0x69: {  	_ =	shalt  }
0x6a: {  	_ =	shalt  }
0x6b: {  	_ =	shalt  }
0x6c: {  	_ =	shalt  }
0x6d: {  	_ =	shalt  }
0x6e: {  	_ =	shalt  }
0x6f: {  	_ =	shalt  }
0x70: {  	_ =	shalt  }
0x71: {  	_ =	shalt  }
0x72: {  	_ =	shalt  }
0x73: {  	_ =	shalt  }
0x74: {  	_ =	shalt  }
0x75: {  	_ =	shalt  }
0x76: {  	_ =	shalt  }
0x77: {  	_ =	shalt  }
0x78: {  	_ =	shalt  }
0x79: {  	_ =	shalt  }
0x7a: {  	_ =	shalt  }
0x7b: {  	_ =	shalt  }
0x7c: {  	_ =	shalt  }
0x7d: {  	_ =	shalt  }
0x7e: {  	_ =	shalt  }
0x7f: {  	_ =	shalt  }
0x80: {  	_ =	shalt  }
0x81: {  	_ =	shalt  }
0x82: {  	_ =	shalt  }
0x83: {  	_ =	shalt  }
0x84: {  	_ =	shalt  }
0x85: {  	_ =	shalt  }
0x86: {  	_ =	shalt  }
0x87: {  	_ =	shalt  }
.Lfunc_end0:
.L_simem_size_0:
called_computation.2_lowered:
.L_overlay_start_0:
0x88: {  	s2 =	sld [smem:$0x3FD9]  }
0x89: {  	s3 =	sld [smem:$0x3FFE];
	_ =	sdelay $0x1  }
0x8a: {  	s1 =	srdreg.scid  }
0x8b: {  	s0 =	sand.u32 $0x1, s1  }
0x8c: {  	s17 =	sshll.u32 s0, $0xA;
	s2 =	sadd.s32 s3, s2  }
0x8d: {  	s2 =	sadd.s32 s2, s17  }
0x8e: {  	[smem:$0x3FC2] =	sst s2  }
0x8f: {  	_ = 	snop  }
0x90: {  	s2 =	sld [smem:$0x3FD0];
	(tm) =	ssettm $0x1  }
0x91: {  	s18 =	sld [smem:$0x3FFB];
	_ =	sdelay $0x3  }
0x92: {  	_ =	strace s18  }
0x93: {  	s3 =	sld [smem:$0x3FFC];
	_ =	sdelay $0x3  }
0x94: {  	_ =	strace s3  }
0x95: {  	s3 =	sld [smem:$0x3FFD];
	_ =	sdelay $0x3  }
0x96: {  	_ =	strace s3  }
0x97: {  	_ =	strace $0x8FFFFFFF  }
0x98: {  	s19 =	sld [smem:$0x3FDB];
	_ =	sdelay $0x1  }
0x99: {  	s4 =	simm.s32 $_scs_section_size  }
0x9a: {  	s5 =	simm.s32 $_size__tile_overlayer_lowered;
	s6 =	simm.s32 $_tile_overlayer_lowered  }
0x9b: {  	s22 =	simm.s32 $0x1BFF;
	s21 =	sshll.u32 s6, $0x1;
	s3 =	sadd.s32 s4, s19  }
0x9c: {  	s7 =	simm.s32 $0x0;
	s20 =	sshll.u32 s5, $0x1;
	s5 =	sadd.s32 s21, s3  }
0x9d: {  	[timem:s7], [sflag:s22] =	dma.local [hbm:s5], s20  }
0x9e: {  	_ =	swait.ge [sflag:s22], s20  }
0x9f: {  	s4 =	ssub.s32 $0x0, s20;
	[sflag:s22] =	ssyncset.done $0x0  }
0xa0: {  	[sflag:s22] =	ssyncadd.s32 s4;
	_ =	sdelay $0x1  }
0xa1: {  	s23 =	simm.s32 $0x1B8B  }
0xa2: {  	_ =	swait.ge [sflag:s23], $0x1  }
0xa3: {  	[sflag:s23] =	ssyncset.done $0x0  }
0xa4: {  	s25 =	simm.s32 $0x1B8E;
	s24 =	sld [smem:$0x3FFE];
	[sflag:s23] =	ssyncadd.s32 $0xFFFFFFFF  }
0xa5: {  	s26 =	simm.s32 $execute0_lowered;
	[smem:$0x3FD2] =	sst s25  }
0xa6: {  	s5 =	sshll.u32 s26, $0x1;
	_ =	strace $0x8000004C;
	[dreg:$0x1] =	wrdreg $0xFFFFFFFF  }
0xa7: {  	s28 =	simm.s32 $_size_execute0_lowered;
	s3 =	sadd.s32 s3, s5;
	[dreg:$0x0] =	wrdreg $0x0  }
0xa8: {  	s5 =	sshll.u32 s28, $0x1;
	[dreg:$0x2] =	wrdreg s3  }
0xa9: {  	[dreg:$0x3] =	wrdreg s5  }
0xaa: {  	[dreg:$0x4] =	wrdreg $0xC0  }
0xab: {  	_ =	task [dreg:s7], $0x5FFFF  }
0xac: {  	[dreg:$0x1] =	wrdreg $0xFFFFFFFF  }
0xad: {  	[dreg:$0x0] =	wrdreg $0x60  }
0xae: {  	[dreg:$0x2] =	wrdreg s2  }
0xaf: {  	[dreg:$0x3] =	wrdreg s24  }
0xb0: {  	[dreg:$0x4] =	wrdreg $0x110000  }
0xb1: {  	[dreg:$0x5] =	wrdreg $0x9  }
0xb2: {  	_ =	task.clear_ibuf [dreg:s7], $0x6FFFF;
	_ =	strace $0x9000004C  }
0xb3: {  	s29 =	simm.s32 $0x9;
	_ =	strace $0x8000004E  }
0xb4: {  	_ =	swait.ge [sflag:s29], $0x1  }
0xb5: {  	[sflag:s29] =	ssyncadd.s32 $0xFFFFFFFF  }
0xb6: {  	_ =	strace $0x9000004E  }
0xb7: {  	_ =	sfence  }
0xb8: {  	s30 =	sld [smem:$0x0];
	_ =	sdelay $0x2  }
0xb9: {  	s31 =	sshll.u32 s1, $0xD;
	s1 =	sshrl.u32 s1, $0x2  }
0xba: {  	s3 =	sand.u32 $0x4000, s31;
	s1 =	sadd.s32 s1, s30  }
0xbb: {  	s0 =	sor.u32 s3, s0;
	s1 =	sshll.u32 s1, $0x11  }
0xbc: {  	s0 =	sor.u32 s1, s0  }
0xbd: {  	s0 =	sadd.s32 $0x8F2B, s0  }
0xbe: {  	[sflag:s0] =	ssyncadd.remote.s32 $0x1  }
0xbf: {  	_ =	sfence.sel $0xFFFF  }
0xc0: {  	[dreg:$0x0] =	wrdreg $0xFFFFFFFF;
	(pc) =	sbr.abs _section_cstart, $3  }
0xc1: {  	[dreg:$0x1] =	wrdreg $0xFFFFFFFF  }
0xc2: {  	_ =	task.clear_ibuf [dreg:s7], $0x2FFFF;
	_ =	strace $0x9FFFFFFF  }
0xc3: {  	(tm) =	ssettm $0x7FFFFFFF  }
tec
execute0_lowered:
.L_overlay_start_1:
0x0: {  	(tag) =	ssettag $0x1  }
0x1: {  	s0 =	rddreg [dreg:$0x0]  }
0x2: {  	s1 =	srdreg.scid;
	s2 =	rddreg [dreg:$0x1]  }
0x3: {  	s3 =	rddreg [dreg:$0x2];
	s4 =	stileid.u32  }
0x4: {  	s6 =	simm.s32 $0x0;
	s16 =	simm.s32 $0x7;
	s17 =	simm.s32 $0x80  }
0x5: {  	s19 =	simm.s32 $0x7000;
	s20 =	simm.s32 $0x100;
	s21 =	simm.s32 $0x9000  }
0x6: {  	s22 =	simm.s32 $0x4;
	s23 =	simm.s32 $0x5;
	s24 =	simm.s32 $0x6  }
0x7: {  	s28 =	simm.s32 $0x8;
	s29 =	simm.s32 $0x0;
	s1 =	sand.u32 $0x1, s1  }
0x8: {  	[smem:$0x7FF] =	sst s6;
	s8 =	smul.u32 $0x13C00, s4;
	s6 =	sadd.s32 $0x1800, s2  }
0x9: {  	s7 =	sadd.s32 $0x15800, s2;
	s11 =	smul.u32 $0x27800, s4;
	s31 =	sshll.u32 s4, $0x6  }
0xa: {  	s5 =	sshll.u32 s1, $0x4;
	_ =	strace $0x8000004D;
	s10 =	sshll.u32 s1, $0x6  }
0xb: {  	s1 =	ssub.s32 $0x2, s1;
	s14 =	sor.u32 s4, s5;
	s5 =	sadd.s32 $0x16C00, s2  }
0xc: {  	s8 =	sor.u32 s10, s8;
	s26 =	sshrl.u32 s1, $0x1;
	s10 =	sadd.s32 $0xB700, s2  }
0xd: {  	s13 =	sshrl.u32 s11, $0x2;
	s11 =	sadd.s32 $0x15500, s2;
	s25 =	smul.u32 $0x500, s14  }
.Ltmp0:
0xe: {  	s8 =	sshrl.u32 s8, $0x3;
	s1 =	ssub.s32 s1, s26;
	(pc) =	sbr.rel .LBB2_1-.Ltmp0, $4  }
0xf: {  	s30 =	sadd.s32 s13, s3;
	p0 =	seq.s32 s14, $0x1F;
	s14 =	sor.u32 $0x1C07, s31  }
0x10: {  	s26 =	simm.s32 $0x10;
	s12 =	sadd.s32 s8, s2;
	s13 =	smax.u32 s1, $0x1  }
0x11: {  	s15 =	sshrl.u32 s30, $0x3;
	s9 =	sadd.s32 s25, s2;
	s12 =	sadd.s32 $0x67800, s12  }
0x12: {  	s25 =	simm.s32 $0x1;
	s8 =	sadd.s32 $0x1C00, s9;
	s9 =	sadd.s32 $0xBA00, s9  }
.LBB2_6:
0x13: {  	_ =	swait.ge [sflag:s22], $0x2000  }
0x14: {  	[sflag:s22] =	ssyncset.done $0x0  }
0x15: {  	[sflag:s22] =	ssyncadd.s32 $0xFFFFE000  }
0x16: {  	_ =	swait.ge [sflag:s22], $0x2000  }
0x17: {  	[sflag:s22] =	ssyncset.done $0x0  }
0x18: {  	[sflag:s22] =	ssyncadd.s32 $0xFFFFE000  }
0x19: {  	_ =	swait.ge [sflag:s23], $0x2000  }
0x1a: {  	[sflag:s23] =	ssyncset.done $0x0  }
0x1b: {  	[sflag:s23] =	ssyncadd.s32 $0xFFFFE000  }
0x1c: {  	_ =	swait.ge [sflag:s23], $0x2000  }
0x1d: {  	[sflag:s23] =	ssyncset.done $0x0  }
0x1e: {  	[sflag:s23] =	ssyncadd.s32 $0xFFFFE000  }
0x1f: {  	_ =	swait.ge [sflag:s24], $0x2000  }
0x20: {  	[sflag:s24] =	ssyncset.done $0x0  }
0x21: {  	[sflag:s24] =	ssyncadd.s32 $0xFFFFE000  }
0x22: {  	_ =	swait.ge [sflag:s24], $0x2000  }
0x23: {  	s29 =	sadd.s32 $0x1, s29;
	[sflag:s24] =	ssyncset.done $0x0  }
0x24: {  	p1 =	sne.s32 s29, s13;
	[sflag:s24] =	ssyncadd.s32 $0xFFFFE000  }
.Ltmp1:
0x25: {  	[bflag:$0x0] =	sbarrier.arrive $0xFFFF;
	(pc) =	sbr.rel @!p1 .LBB2_7-.Ltmp1, $4  }
0x26: {  	[hbm:s12@s26], [sflag:s14] =	dma.strided [spmem:s15@s28], $0x13C0, s25, $0x8   }
0x27: {  	_ =	swait.ge [sflag:s16], $0x13C0  }
0x28: {  	[sflag:s16] =	ssyncset.done $0x0  }
0x29: {  	[sflag:s16] =	ssyncadd.s32 $0xFFFFEC40  }
.LBB2_1:
0x2a: {  	s1 =	simm.s32 @p0 $0x0;
	s2 =	simm.s32 @p0 $0x800  }
0x2b: {  	[tilespmem:s2], [sflag:$0x7] =	stream.linear.gather @p0 [hbm4b:s5+s1], $0x2000, $0x38;
	[tilespmem:$0x1AE00] =	vst v63  }
0x2c: {  	s2 =	simm.s32 @p0 $0x7  }
0x2d: {  	_ =	swait.ge @p0 [sflag:s2], $0x2000  }
0x2e: {  	[sflag:s2] =	ssyncset.done @p0 $0x0  }
0x2f: {  	[sflag:s2] =	ssyncadd.s32 @p0 $0xFFFFE000  }
0x30: {  	[tilespmem:s1], [sflag:$0x7] =	stream.linear.gather @p0 [hbm4b:s10+s1], $0xA00, $0x38;
	[tilespmem:$0x1AE00] =	vst v63  }
0x31: {  	_ =	swait.ge @p0 [sflag:s2], $0xA00  }
0x32: {  	[sflag:s2] =	ssyncset.done @p0 $0x0  }
0x33: {  	s30 =	simm.s32 @p0 $0x3000;
	[sflag:s2] =	ssyncadd.s32 @p0 $0xFFFFF600  }
0x34: {  	[tilespmem:s30], [sflag:$0x7] =	stream.linear.gather @p0 [hbm4b:s6+s1], $0x2000, $0x38;
	[tilespmem:$0x1AE00] =	vst v63  }
0x35: {  	_ =	swait.ge @p0 [sflag:s2], $0x2000  }
0x36: {  	[sflag:s2] =	ssyncset.done @p0 $0x0  }
0x37: {  	s30 =	simm.s32 @p0 $0x2800;
	[sflag:s2] =	ssyncadd.s32 @p0 $0xFFFFE000  }
0x38: {  	[tilespmem:s30], [sflag:$0x7] =	stream.linear.gather @p0 [hbm4b:s11+s1], $0xA00, $0x38;
	[tilespmem:$0x1AE00] =	vst v63  }
0x39: {  	_ =	swait.ge @p0 [sflag:s2], $0xA00  }
0x3a: {  	[sflag:s2] =	ssyncset.done @p0 $0x0  }
0x3b: {  	s1 =	simm.s32 @!p0 $0x0;
	[sflag:s2] =	ssyncadd.s32 @p0 $0xFFFFF600;
	s2 =	simm.s32 @!p0 $0x7  }
0x3c: {  	[tilespmem:s1], [sflag:$0x7] =	stream.linear.gather @!p0 [hbm4b:s8+s1], $0x2800, $0x38;
	[tilespmem:$0x1AE00] =	vst v63  }
0x3d: {  	_ =	swait.ge @!p0 [sflag:s2], $0x2800  }
0x3e: {  	[sflag:s2] =	ssyncset.done @!p0 $0x0  }
0x3f: {  	s30 =	simm.s32 @!p0 $0x2800;
	[sflag:s2] =	ssyncadd.s32 @!p0 $0xFFFFD800  }
0x40: {  	[tilespmem:s30], [sflag:$0x7] =	stream.linear.gather @!p0 [hbm4b:s9+s1], $0x2800, $0x38;
	[tilespmem:$0x1AE00] =	vst v63  }
0x41: {  	_ =	swait.ge @!p0 [sflag:s2], $0x2800  }
0x42: {  	[sflag:s2] =	ssyncset.done @!p0 $0x0  }
0x43: {  	[sflag:s2] =	ssyncadd.s32 @!p0 $0xFFFFD800  }
0x44: {  	[spmem:s15], [sflag:s14] =	dma.local [hbm:s7], $0x13C0  }
0x45: {  	_ =	swait.ge [sflag:s16], $0x13C0  }
0x46: {  	[sflag:s16] =	ssyncset.done $0x0  }
0x47: {  	[sflag:s16] =	ssyncadd.s32 $0xFFFFEC40  }
0x48: {  	s4 =	simm.s32 $0x0;
	s18 =	simm.s32 $0x5000;
	[bflag:$0x0] =	sbarrier.arrive $0xFFFF  }
0x49: {  	[tilespmem:s18], [sflag:$0x1] =	stream.indirect.gather [hbm4b:s0+s17], $0x40, s4, s17, $0xb8;
	[tilespmem:$0x1AE00] =	vst v63  }
.Ltmp2:
0x4a: {  	_ = 	snop;
	(pc) =	sbr.rel .LBB2_2-.Ltmp2, $4  }
0x4b: {  	_ = 	snop  }
0x4c: {  	[tilespmem:s19], [sflag:$0x2] =	stream.indirect.gather [hbm4b:s0+s17], $0x40, s17, s17, $0xb8;
	[tilespmem:$0x1AE00] =	vst v63  }
0x4d: {  	s31 =	simm.s32 $0x180;
	s30 =	simm.s32 $0x2800;
	s1 =	simm.s32 $0x0  }
0x4e: {  	[tilespmem:s21], [sflag:$0x3] =	stream.indirect.gather [hbm4b:s0+s17], $0x40, s20, s17, $0xb8;
	[tilespmem:$0x1AE00] =	vst v63  }
.LBB2_4:
0x4f: {  	p1 =	seq.s32 s2, $0x3  }
0x50: {  	s4 =	simm.s32 @p1 $0x1  }
0x51: {  	p2 =	sgt.u32 @p1 s1, $0x4C;
	_ =	swait.ge @p1 [sflag:s4], $0x2000  }
0x52: {  	p2 =	por p2, !p1;
	[sflag:s4] =	ssyncset.done @p1 $0x0  }
0x53: {  	[sflag:s4] =	ssyncadd.s32 @p1 $0xFFFFE000;
	s4 =	simm.s32 @!p2 $0x4  }
0x54: {  	_ =	swait.ge @!p2 [sflag:s4], $0x2000  }
0x55: {  	[sflag:s4] =	ssyncset.done @!p2 $0x0  }
0x56: {  	s18 =	simm.s32 @!p2 $0x5000;
	[sflag:s4] =	ssyncadd.s32 @!p2 $0xFFFFE000;
	s4 =	simm.s32 @!p2 $0x80  }
0x57: {  	[tilespmem:s18], [sflag:$0x1] =	stream.indirect.gather @!p2 [hbm4b:s0+s4], $0x40, s31, s4, $0xb8;
	[tilespmem:$0x1AE00] =	vst v63  }
0x58: {  	p2 =	seq.s32 @!p1 s2, $0x4  }
0x59: {  	s4 =	simm.s32 @p1 $0x80;
	s18 =	simm.s32 @p1 $0xB000;
	p3 =	por !p2, p1  }
0x5a: {  	[spmem:s3] =	stream.indirect.scatter.add.f32 @p1 [tilespmem:s18], [sflag:$0x4], $0x40, s30, s4, $0xb8;
	[tilespmem:$0x1AE00] =	vst v63  }
0x5b: {  	p4 =	sgt.u32 @!p3 s1, $0x4C;
	s2 =	simm.s32 @!p3 $0x2  }
0x5c: {  	_ =	swait.ge @!p3 [sflag:s2], $0x2000;
	p4 =	por @!p1 p4, !p2  }
0x5d: {  	[sflag:s2] =	ssyncset.done @!p3 $0x0;
	p4 =	por p4, p1  }
0x5e: {  	[sflag:s2] =	ssyncadd.s32 @!p3 $0xFFFFE000;
	s2 =	simm.s32 @!p4 $0x5  }
0x5f: {  	_ =	swait.ge @!p4 [sflag:s2], $0x2000  }
0x60: {  	[sflag:s2] =	ssyncset.done @!p4 $0x0  }
0x61: {  	s4 =	simm.s32 @!p4 $0x7000;
	[sflag:s2] =	ssyncadd.s32 @!p4 $0xFFFFE000;
	s2 =	simm.s32 @!p4 $0x80  }
0x62: {  	[tilespmem:s4], [sflag:$0x2] =	stream.indirect.gather @!p4 [hbm4b:s0+s2], $0x40, s31, s2, $0xb8;
	[tilespmem:$0x1AE00] =	vst v63  }
0x63: {  	s2 =	simm.s32 @!p3 $0x80;
	s4 =	simm.s32 @!p3 $0xD000  }
0x64: {  	[spmem:s3] =	stream.indirect.scatter.add.f32 @!p3 [tilespmem:s4], [sflag:$0x5], $0x40, s30, s2, $0xb8;
	[tilespmem:$0x1AE00] =	vst v63  }
0x65: {  	p3 =	por p2, p1  }
0x66: {  	p4 =	sgt.u32 @!p3 s1, $0x4C;
	s2 =	simm.s32 @!p3 $0x3  }
0x67: {  	_ =	swait.ge @!p3 [sflag:s2], $0x2000;
	p2 =	por @!p1 p4, p2  }
0x68: {  	[sflag:s2] =	ssyncset.done @!p3 $0x0;
	p1 =	por p2, p1  }
0x69: {  	[sflag:s2] =	ssyncadd.s32 @!p3 $0xFFFFE000;
	s2 =	simm.s32 @!p1 $0x6  }
0x6a: {  	_ =	swait.ge @!p1 [sflag:s2], $0x2000  }
0x6b: {  	[sflag:s2] =	ssyncset.done @!p1 $0x0  }
0x6c: {  	s4 =	simm.s32 @!p1 $0x9000;
	[sflag:s2] =	ssyncadd.s32 @!p1 $0xFFFFE000;
	s2 =	simm.s32 @!p1 $0x80  }
0x6d: {  	[tilespmem:s4], [sflag:$0x3] =	stream.indirect.gather @!p1 [hbm4b:s0+s2], $0x40, s31, s2, $0xb8;
	[tilespmem:$0x1AE00] =	vst v63  }
0x6e: {  	s2 =	simm.s32 @!p3 $0x80;
	s4 =	simm.s32 @!p3 $0xF000  }
0x6f: {  	[spmem:s3] =	stream.indirect.scatter.add.f32 @!p3 [tilespmem:s4], [sflag:$0x6], $0x40, s30, s2, $0xb8;
	[tilespmem:$0x1AE00] =	vst v63  }
.LBB2_5:
0x70: {  	s1 =	sadd.s32 $0x1, s1  }
0x71: {  	p1 =	sne.s32 s1, $0x50  }
.Ltmp3:
0x72: {  	_ = 	snop;
	(pc) =	sbr.rel @!p1 .LBB2_6-.Ltmp3, $2  }
0x73: {  	_ =	sdelay $0x2  }
0x74: {  	s30 =	sadd.s32 $0x80, s30;
	s31 =	sadd.s32 $0x80, s31  }
.LBB2_2:
0x75: {  	s2 =	smul.u32 $0xAB, s1;
	_ =	sdelay $0x1  }
0x76: {  	s2 =	sshrl.u32 s2, $0xA  }
0x77: {  	s2 =	sand.u32 $0x3F, s2  }
0x78: {  	s2 =	smul.u32 $0x6, s2;
	_ =	sdelay $0x1  }
0x79: {  	s2 =	ssub.s32 s1, s2  }
0x7a: {  	s2 =	sand.u32 $0xFF, s2  }
0x7b: {  	p1 =	sgt.s32 s2, $0x2  }
.Ltmp4:
0x7c: {  	_ = 	snop;
	(pc) =	sbr.rel @p1 .LBB2_4-.Ltmp4, $1  }
0x7d: {  	_ =	sdelay $0x3  }
0x7e: {  	p1 =	seq.s32 s2, $0x0  }
0x7f: {  	p2 =	sgt.u32 @p1 s1, $0x4C  }
0x80: {  	p3 =	por p2, !p1  }
0x81: {  	s4 =	simm.s32 @p1 $0x1;
	p4 =	slt.u32 @!p3 s1, $0x3  }
0x82: {  	_ =	swait.ge @p1 [sflag:s4], $0x2000;
	p2 =	por @p1 p4, p2  }
0x83: {  	[sflag:s4] =	ssyncset.done @p1 $0x0;
	p2 =	por p2, !p1  }
0x84: {  	[sflag:s4] =	ssyncadd.s32 @p1 $0xFFFFE000;
	s4 =	simm.s32 @!p2 $0x4  }
0x85: {  	_ =	swait.ge @!p2 [sflag:s4], $0x2000  }
0x86: {  	s18 =	simm.s32 @!p3 $0xB000;
	[sflag:s4] =	ssyncset.done @!p2 $0x0  }
0x87: {  	[sflag:s4] =	ssyncadd.s32 @!p2 $0xFFFFE000;
	s4 =	simm.s32 @!p3 $0x80;
	p2 =	seq.s32 @!p1 s2, $0x1  }
0x88: {  	[tilespmem:s18], [sflag:$0x1] =	stream.indirect.gather @!p3 [hbm4b:s0+s4], $0x40, s31, s4, $0xb8;
	[tilespmem:$0x1AE00] =	vst v63  }
0x89: {  	p3 =	por !p2, p1  }
0x8a: {  	s4 =	simm.s32 @p1 $0x80;
	s18 =	simm.s32 @p1 $0x5000;
	p5 =	sgt.u32 @!p3 s1, $0x4C  }
0x8b: {  	[spmem:s3] =	stream.indirect.scatter.add.f32 @p1 [tilespmem:s18], [sflag:$0x4], $0x40, s30, s4, $0xb8;
	[tilespmem:$0x1AE00] =	vst v63  }
0x8c: {  	p4 =	por @!p1 p5, !p2  }
0x8d: {  	p4 =	por p4, p1  }
0x8e: {  	p6 =	slt.u32 @!p4 s1, $0x3  }
0x8f: {  	s2 =	simm.s32 @!p3 $0x2;
	p5 =	por @!p3 p6, p5  }
0x90: {  	_ =	swait.ge @!p3 [sflag:s2], $0x2000;
	p5 =	por @!p1 p5, !p2  }
0x91: {  	[sflag:s2] =	ssyncset.done @!p3 $0x0;
	p5 =	por p5, p1  }
0x92: {  	[sflag:s2] =	ssyncadd.s32 @!p3 $0xFFFFE000;
	s2 =	simm.s32 @!p5 $0x5  }
0x93: {  	_ =	swait.ge @!p5 [sflag:s2], $0x2000  }
0x94: {  	[sflag:s2] =	ssyncset.done @!p5 $0x0  }
0x95: {  	s4 =	simm.s32 @!p4 $0xD000;
	[sflag:s2] =	ssyncadd.s32 @!p5 $0xFFFFE000;
	s2 =	simm.s32 @!p4 $0x80  }
0x96: {  	[tilespmem:s4], [sflag:$0x2] =	stream.indirect.gather @!p4 [hbm4b:s0+s2], $0x40, s31, s2, $0xb8;
	[tilespmem:$0x1AE00] =	vst v63  }
0x97: {  	s2 =	simm.s32 @!p3 $0x80;
	s4 =	simm.s32 @!p3 $0x7000  }
0x98: {  	[spmem:s3] =	stream.indirect.scatter.add.f32 @!p3 [tilespmem:s4], [sflag:$0x5], $0x40, s30, s2, $0xb8;
	[tilespmem:$0x1AE00] =	vst v63  }
0x99: {  	p3 =	por p2, p1  }
0x9a: {  	p5 =	sgt.u32 @!p3 s1, $0x4C  }
0x9b: {  	p4 =	por @!p1 p5, p2  }
0x9c: {  	p4 =	por p4, p1  }
0x9d: {  	p6 =	slt.u32 @!p4 s1, $0x3  }
0x9e: {  	s2 =	simm.s32 @!p3 $0x3;
	p5 =	por @!p3 p6, p5  }
0x9f: {  	_ =	swait.ge @!p3 [sflag:s2], $0x2000;
	p2 =	por @!p1 p5, p2  }
0xa0: {  	[sflag:s2] =	ssyncset.done @!p3 $0x0;
	p1 =	por p2, p1  }
0xa1: {  	[sflag:s2] =	ssyncadd.s32 @!p3 $0xFFFFE000;
	s2 =	simm.s32 @!p1 $0x6  }
0xa2: {  	_ =	swait.ge @!p1 [sflag:s2], $0x2000  }
.Ltmp5:
0xa3: {  	[sflag:s2] =	ssyncset.done @!p1 $0x0;
	(pc) =	sbr.rel .LBB2_5-.Ltmp5, $4  }
0xa4: {  	s4 =	simm.s32 @!p4 $0xF000;
	[sflag:s2] =	ssyncadd.s32 @!p1 $0xFFFFE000;
	s2 =	simm.s32 @!p4 $0x80  }
0xa5: {  	[tilespmem:s4], [sflag:$0x3] =	stream.indirect.gather @!p4 [hbm4b:s0+s2], $0x40, s31, s2, $0xb8;
	[tilespmem:$0x1AE00] =	vst v63  }
0xa6: {  	s2 =	simm.s32 @!p3 $0x80;
	s4 =	simm.s32 @!p3 $0x9000  }
0xa7: {  	[spmem:s3] =	stream.indirect.scatter.add.f32 @!p3 [tilespmem:s4], [sflag:$0x6], $0x40, s30, s2, $0xb8;
	[tilespmem:$0x1AE00] =	vst v63  }
.LBB2_7:
0xa8: {  	_ =	sfence.sel $0x180000  }
0xa9: {  	[bflag:$0x0] =	sbarrier.arrive $0xFFFF  }
0xaa: {  	_ =	strace $0x9000004D  }
0xab: {  	s0 =	stileid.u32;
	[bflag:$0x2] =	sbarrier.arrive $0xFFFF  }
0xac: {  	p0 =	sne.s32 s0, $0x0;
	s0 =	rddreg [dreg:$0x3]  }
0xad: {  	s0 =	sadd.s32 @!p0 $0x100000, s0  }
0xae: {  	[sflag:s0] =	ssyncadd.tile.s32 @!p0 $0x1;
	_ =	shalt  }
.Lfunc_end2:
_tile_overlayer_lowered:
.L_overlay_start_2:
0xaf: {  	(tag) =	ssettag $0x2  }
0xb0: {  	s0 =	rddreg [dreg:$0x0];
	s2 =	stileid.u32  }
0xb1: {  	s1 =	rddreg [dreg:$0x1];
	p0 =	sne.s32 s2, $0x0  }
0xb2: {  	s3 =	rddreg [dreg:$0x2];
	[bflag:$0x3] =	sbarrier.arrive $0xFFFF;
	s2 =	simm.s32 @!p0 $0x1C07  }
0xb3: {  	[timem:s3], [sflag:s2] =	dma.local @!p0 [hbm:s0], s1  }
0xb4: {  	s0 =	simm.s32 @!p0 $0x7  }
0xb5: {  	_ =	swait.ge @!p0 [sflag:s0], s1  }
0xb6: {  	s1 =	ssub.s32 @!p0 $0x0, s1;
	[sflag:s0] =	ssyncset.done @!p0 $0x0  }
0xb7: {  	[sflag:s0] =	ssyncadd.s32 @!p0 s1  }
0xb8: {  	[bflag:$0x3] =	sbarrier.arrive $0xFFFF  }
0xb9: {  	_ =	shalt  }

// kernel: kernel.8.cloned.1.call-start
scs
__scs_entry_jumppad:
0x0: {  	(pc) =	sbr.rel $0x88, $3  }
0x1: {  	(tag) =	ssettag $0x0;
	lr =	simm.s32 $0x1  }
0x2: {  	[smem:$0x3F9B] =	sst lr;
	_ =	strace $0xD0000000  }
0x3: {  	_ = 	snop  }
0x4: {  	_ = 	snop  }
0x5: {  	_ = 	snop  }
0x6: {  	_ = 	snop  }
0x7: {  	_ = 	snop  }
__scs_overlays_trampoline_lowered:
0x8: {  	[smem:$0x3FAA] =	sst s0  }
0x9: {  	[smem:$0x3FAB] =	sst s1  }
0xa: {  	[smem:$0x3FAC] =	sst s2  }
0xb: {  	[smem:$0x3FAD] =	sst s3  }
0xc: {  	[smem:$0x3FAE] =	sst s4  }
0xd: {  	[smem:$0x3FAF] =	sst s5  }
0xe: {  	[smem:$0x3FB0] =	sst s6  }
0xf: {  	[smem:$0x3FB1] =	sst s7  }
0x10: {  	[smem:$0x3FB2] =	sst s8  }
0x11: {  	[smem:$0x3FB3] =	sst s9;
	s0 =	simm.s32 @!p0 $0x0  }
0x12: {  	s1 =	sld [smem:$0x3F99];
	s0 =	simm.s32 @p0 $0x1  }
0x13: {  	[smem:$0x3FB4] =	sst s0;
	s0 =	simm.s32 @!p1 $0x0  }
0x14: {  	s2 =	sld [smem:$0x3F98];
	s0 =	simm.s32 @p1 $0x1  }
0x15: {  	[smem:$0x3FB5] =	sst s0;
	s0 =	simm.s32 @!p2 $0x0  }
0x16: {  	s3 =	sld [smem:$0x3FDB];
	s0 =	simm.s32 @p2 $0x1  }
0x17: {  	s4 =	simm.s32 $0x1BF5;
	[smem:$0x3FB7] =	sst s0  }
0x18: {  	s0 =	sld [smem:$0x3F9A];
	_ =	swait.ge [sflag:s4], $0x0  }
0x19: {  	s7 =	sld [smem:$0x3F9B]  }
0x1a: {  	s8 =	sadd.s32 $0xFFFFE003, lr  }
0x1b: {  	s9 =	sadd.s32 $0xFFFFFEF7, lr;
	s5 =	simm.s32 $0xFFFFFFFF;
	p2 =	slt.u32 s8, $0xFFFFF086  }
0x1c: {  	p1 =	slt.u32 s9, $0xF7A;
	s5 =	simm.s32 @!p2 $0x0  }
0x1d: {  	s5 =	simm.s32 @p1 $0x1;
	p0 =	seq.s32 s7, s2  }
0x1e: {  	s7 =	smul.u32 @!p0 $0xF7A, s2;
	p2 =	seq.s32 @!p0 s5, $0x0  }
0x1f: {  	s9 =	smul.u32 $0xF7A, s1;
	s8 =	simm.s32 @!p0 $0x1BF5;
	p2 =	por !p2, p0  }
0x20: {  	[sflag:s8] =	ssyncset.s32 @!p0 $0xFFFFF086;
	s6 =	sadd.s32 @!p0 s3, s7;
	s7 =	simm.s32 @!p0 $0x108  }
0x21: {  	s3 =	sadd.s32 s3, s9;
	s6 =	sadd.s32 @!p0 $0x88, s6;
	s7 =	simm.s32 @p2 $0x1082  }
0x22: {  	[simem:s7], [sflag:s8] =	dma.local @!p0 [hbm:s6], $0xF7A  }
0x23: {  	s9 =	sor.u32 $0xD0000000, s2;
	s6 =	simm.s32 $0x108;
	_ =	swait.ge @!p0 [sflag:s8], $0x0  }
0x24: {  	s3 =	sadd.s32 $0x88, s3;
	s6 =	simm.s32 @!p1 $0x1082;
	[sflag:s4] =	ssyncset.s32 $0xFFFFF086  }
0x25: {  	[simem:s6], [sflag:s4] =	dma.local [hbm:s3], $0xF7A  }
0x26: {  	[smem:$0x3F9B] =	sst s1;
	(tag) =	ssettag s2;
	_ =	strace s9  }
0x27: {  	s1 =	sld [smem:$0x3FAB]  }
0x28: {  	s2 =	sld [smem:$0x3FAC]  }
0x29: {  	s4 =	sld [smem:$0x3FAE]  }
0x2a: {  	p0 =	seq.s32 s5, $0x0;
	s5 =	sld [smem:$0x3FAF]  }
0x2b: {  	s6 =	sld [smem:$0x3FB0]  }
0x2c: {  	s7 =	sld [smem:$0x3FB1]  }
0x2d: {  	s3 =	simm.s32 $0x108;
	s8 =	sld [smem:$0x3FB2]  }
0x2e: {  	s3 =	simm.s32 @!p0 $0x1082;
	s9 =	sld [smem:$0x3FB3]  }
0x2f: {  	lr =	sadd.s32 s0, s3;
	s0 =	sld [smem:$0x3FAA]  }
0x30: {  	s3 =	sld [smem:$0x3FAD]  }
0x31: {  	[smem:$0x3FB6] =	sst s10  }
0x32: {  	s10 =	sld [smem:$0x3FB4];
	_ =	sdelay $0x3  }
0x33: {  	p0 =	seq.s32 s10, $0x1;
	s10 =	sld [smem:$0x3FB6];
	_ =	sdelay $0x3  }
0x34: {  	[smem:$0x3FB6] =	sst s10  }
0x35: {  	s10 =	sld [smem:$0x3FB5];
	_ =	sdelay $0x3  }
0x36: {  	p1 =	seq.s32 s10, $0x1;
	s10 =	sld [smem:$0x3FB6];
	_ =	sdelay $0x3  }
0x37: {  	[smem:$0x3FB6] =	sst s10  }
0x38: {  	s10 =	sld [smem:$0x3FB7]  }
0x39: {  	_ = 	snop;
	(pc) =	sbr.ind lr, $3  }
0x3a: {  	_ = 	snop  }
0x3b: {  	_ = 	snop  }
0x3c: {  	p2 =	seq.s32 s10, $0x1;
	s10 =	sld [smem:$0x3FB6]  }
0x3d: {  	_ =	shalt  }
0x3e: {  	_ =	shalt  }
0x3f: {  	_ =	shalt  }
0x40: {  	_ =	shalt  }
0x41: {  	_ =	shalt  }
0x42: {  	_ =	shalt  }
0x43: {  	_ =	shalt  }
0x44: {  	_ =	shalt  }
0x45: {  	_ =	shalt  }
0x46: {  	_ =	shalt  }
0x47: {  	_ =	shalt  }
0x48: {  	_ =	shalt  }
0x49: {  	_ =	shalt  }
0x4a: {  	_ =	shalt  }
0x4b: {  	_ =	shalt  }
0x4c: {  	_ =	shalt  }
0x4d: {  	_ =	shalt  }
0x4e: {  	_ =	shalt  }
0x4f: {  	_ =	shalt  }
0x50: {  	_ =	shalt  }
0x51: {  	_ =	shalt  }
0x52: {  	_ =	shalt  }
0x53: {  	_ =	shalt  }
0x54: {  	_ =	shalt  }
0x55: {  	_ =	shalt  }
0x56: {  	_ =	shalt  }
0x57: {  	_ =	shalt  }
0x58: {  	_ =	shalt  }
0x59: {  	_ =	shalt  }
0x5a: {  	_ =	shalt  }
0x5b: {  	_ =	shalt  }
0x5c: {  	_ =	shalt  }
0x5d: {  	_ =	shalt  }
0x5e: {  	_ =	shalt  }
0x5f: {  	_ =	shalt  }
0x60: {  	_ =	shalt  }
0x61: {  	_ =	shalt  }
0x62: {  	_ =	shalt  }
0x63: {  	_ =	shalt  }
0x64: {  	_ =	shalt  }
0x65: {  	_ =	shalt  }
0x66: {  	_ =	shalt  }
0x67: {  	_ =	shalt  }
0x68: {  	_ =	shalt  }
0x69: {  	_ =	shalt  }
0x6a: {  	_ =	shalt  }
0x6b: {  	_ =	shalt  }
0x6c: {  	_ =	shalt  }
0x6d: {  	_ =	shalt  }
0x6e: {  	_ =	shalt  }
0x6f: {  	_ =	shalt  }
0x70: {  	_ =	shalt  }
0x71: {  	_ =	shalt  }
0x72: {  	_ =	shalt  }
0x73: {  	_ =	shalt  }
0x74: {  	_ =	shalt  }
0x75: {  	_ =	shalt  }
0x76: {  	_ =	shalt  }
0x77: {  	_ =	shalt  }
0x78: {  	_ =	shalt  }
0x79: {  	_ =	shalt  }
0x7a: {  	_ =	shalt  }
0x7b: {  	_ =	shalt  }
0x7c: {  	_ =	shalt  }
0x7d: {  	_ =	shalt  }
0x7e: {  	_ =	shalt  }
0x7f: {  	_ =	shalt  }
0x80: {  	_ =	shalt  }
0x81: {  	_ =	shalt  }
0x82: {  	_ =	shalt  }
0x83: {  	_ =	shalt  }
0x84: {  	_ =	shalt  }
0x85: {  	_ =	shalt  }
0x86: {  	_ =	shalt  }
0x87: {  	_ =	shalt  }
.Lfunc_end0:
.L_simem_size_0:
called_computation_lowered:
.L_overlay_start_0:
0x88: {  	s2 =	sld [smem:$0x3FD9]  }
0x89: {  	s3 =	sld [smem:$0x3FFE];
	_ =	sdelay $0x1  }
0x8a: {  	s1 =	srdreg.scid  }
0x8b: {  	s0 =	sand.u32 $0x1, s1  }
0x8c: {  	s16 =	sshll.u32 s0, $0xA;
	s2 =	sadd.s32 s3, s2  }
0x8d: {  	s2 =	sadd.s32 s2, s16  }
0x8e: {  	[smem:$0x3FC2] =	sst s2  }
0x8f: {  	_ = 	snop  }
0x90: {  	(tm) =	ssettm $0x1  }
0x91: {  	s17 =	sld [smem:$0x3FFB];
	_ =	sdelay $0x3  }
0x92: {  	_ =	strace s17  }
0x93: {  	s2 =	sld [smem:$0x3FFC];
	_ =	sdelay $0x3  }
0x94: {  	_ =	strace s2  }
0x95: {  	s2 =	sld [smem:$0x3FFD];
	_ =	sdelay $0x3  }
0x96: {  	_ =	strace s2  }
0x97: {  	_ =	strace $0x8FFFFFFF  }
0x98: {  	s18 =	sld [smem:$0x3FDB];
	_ =	sdelay $0x1  }
0x99: {  	s19 =	simm.s32 $_scs_section_size  }
0x9a: {  	s4 =	simm.s32 $_size__tile_overlayer_lowered;
	s5 =	simm.s32 $_tile_overlayer_lowered  }
0x9b: {  	s22 =	simm.s32 $0x1BFF;
	s21 =	sshll.u32 s5, $0x1;
	s2 =	sadd.s32 s19, s18  }
0x9c: {  	s6 =	simm.s32 $0x0;
	s20 =	sshll.u32 s4, $0x1;
	s4 =	sadd.s32 s21, s2  }
0x9d: {  	[timem:s6], [sflag:s22] =	dma.local [hbm:s4], s20  }
0x9e: {  	_ =	swait.ge [sflag:s22], s20  }
0x9f: {  	s3 =	ssub.s32 $0x0, s20;
	[sflag:s22] =	ssyncset.done $0x0  }
0xa0: {  	[sflag:s22] =	ssyncadd.s32 s3;
	_ =	sdelay $0x1  }
0xa1: {  	s23 =	simm.s32 $0x1B8B  }
0xa2: {  	_ =	swait.ge [sflag:s23], $0x1  }
0xa3: {  	[sflag:s23] =	ssyncset.done $0x0  }
0xa4: {  	s25 =	simm.s32 $0x1B8E;
	s24 =	sld [smem:$0x3FFE];
	[sflag:s23] =	ssyncadd.s32 $0xFFFFFFFF  }
0xa5: {  	s26 =	simm.s32 $execute0_lowered;
	[smem:$0x3FD2] =	sst s25  }
0xa6: {  	s4 =	sshll.u32 s26, $0x1;
	_ =	strace $0x80000046;
	[dreg:$0x1] =	wrdreg $0xFFFFFFFF  }
0xa7: {  	s28 =	simm.s32 $_size_execute0_lowered;
	s2 =	sadd.s32 s2, s4;
	[dreg:$0x0] =	wrdreg $0x0  }
0xa8: {  	s4 =	sshll.u32 s28, $0x1;
	[dreg:$0x2] =	wrdreg s2  }
0xa9: {  	[dreg:$0x3] =	wrdreg s4  }
0xaa: {  	[dreg:$0x4] =	wrdreg $0xC0  }
0xab: {  	_ =	task [dreg:s6], $0x5FFFF  }
0xac: {  	[dreg:$0x1] =	wrdreg $0xFFFFFFFF  }
0xad: {  	[dreg:$0x0] =	wrdreg $0x60  }
0xae: {  	[dreg:$0x2] =	wrdreg s24  }
0xaf: {  	[dreg:$0x3] =	wrdreg $0x68000  }
0xb0: {  	[dreg:$0x4] =	wrdreg $0x9  }
0xb1: {  	_ =	task.clear_ibuf [dreg:s6], $0x5FFFF;
	_ =	strace $0x90000046  }
0xb2: {  	s29 =	simm.s32 $0x9;
	_ =	strace $0x80000048  }
0xb3: {  	_ =	swait.ge [sflag:s29], $0x1  }
0xb4: {  	[sflag:s29] =	ssyncadd.s32 $0xFFFFFFFF  }
0xb5: {  	_ =	strace $0x90000048  }
0xb6: {  	_ =	sfence  }
0xb7: {  	s30 =	sld [smem:$0x0];
	_ =	sdelay $0x2  }
0xb8: {  	s31 =	sshll.u32 s1, $0xD;
	s1 =	sshrl.u32 s1, $0x2  }
0xb9: {  	s3 =	sand.u32 $0x4000, s31;
	s1 =	sadd.s32 s1, s30  }
0xba: {  	s0 =	sor.u32 s3, s0;
	s1 =	sshll.u32 s1, $0x11  }
0xbb: {  	s0 =	sor.u32 s1, s0  }
0xbc: {  	s0 =	sadd.s32 $0x8F2B, s0  }
0xbd: {  	[sflag:s0] =	ssyncadd.remote.s32 $0x1  }
0xbe: {  	_ =	sfence.sel $0xFFFF  }
0xbf: {  	[dreg:$0x0] =	wrdreg $0xFFFFFFFF;
	(pc) =	sbr.abs _section_cstart, $3  }
0xc0: {  	[dreg:$0x1] =	wrdreg $0xFFFFFFFF  }
0xc1: {  	_ =	task.clear_ibuf [dreg:s6], $0x2FFFF;
	_ =	strace $0x9FFFFFFF  }
0xc2: {  	(tm) =	ssettm $0x7FFFFFFF  }
0xc3: {  	_ =	shalt  }
tec
execute0_lowered:
.L_overlay_start_1:
0x0: {  	(tag) =	ssettag $0x1  }
0x1: {  	s0 =	srdreg.scid;
	s8 =	rddreg [dreg:$0x0]  }
0x2: {  	s2 =	rddreg [dreg:$0x1];
	s3 =	simm.s32 $0x0;
	s16 =	simm.s32 $0x2  }
0x3: {  	s17 =	simm.s32 $0x1;
	s6 =	sand.u32 $0x1, s0;
	s0 =	stileid.u32  }
0x4: {  	s18 =	simm.s32 $0x0;
	[smem:$0x7FF] =	sst s3;
	s7 =	smul.u32 $0x13C000, s6  }
0x5: {  	s5 =	sadd.s32 $0x18000, s8;
	s1 =	sshll.u32 s6, $0x4;
	s9 =	smul.u32 $0x13C00, s0  }
0x6: {  	s29 =	ssub.s32 $0x2, s6;
	s12 =	smul.u32 $0x4F000, s0;
	s6 =	sadd.s32 $0x15800, s8  }
0x7: {  	s31 =	sshll.u32 s0, $0x6;
	s11 =	sor.u32 s0, s1;
	s1 =	rddreg [dreg:$0x2]  }
0x8: {  	_ =	strace $0x80000047;
	s13 =	sshrl.u32 s29, $0x1;
	s4 =	smul.u32 $0x500, s11  }
0x9: {  	s7 =	sadd.s32 s9, s7;
	s13 =	ssub.s32 s29, s13;
	s30 =	sshrl.u32 s12, $0x2  }
0xa: {  	p0 =	seq.s32 s11, $0x1F;
	s11 =	simm.s32 $0x2800;
	s12 =	simm.s32 $0x3  }
0xb: {  	s7 =	sshrl.u32 s7, $0x3;
	s15 =	sadd.s32 s30, s2;
	s10 =	sadd.s32 s4, s8  }
0xc: {  	s4 =	sadd.s32 $0x1800, s8;
	s14 =	sadd.s32 s7, s8;
	s8 =	sadd.s32 $0x15500, s8  }
0xd: {  	s7 =	sadd.s32 $0xBA00, s10;
	s9 =	sadd.s32 $0x18800, s14;
	s10 =	smax.u32 s13, $0x1  }
0xe: {  	s13 =	sor.u32 $0x1C03, s31;
	s14 =	sshrl.u32 s15, $0x3;
	s15 =	simm.s32 $0x80  }
.LBB2_1:
0xf: {  	s19 =	simm.s32 @p0 $0x0;
	s20 =	simm.s32 @p0 $0x800  }
0x10: {  	[tilespmem:s20], [sflag:$0x3] =	stream.linear.gather @p0 [hbm4b:s4+s19], $0x2000, $0x38;
	[tilespmem:$0x7BC0] =	vst v63  }
0x11: {  	s20 =	simm.s32 @p0 $0x3  }
0x12: {  	_ =	swait.ge @p0 [sflag:s20], $0x2000  }
0x13: {  	[sflag:s20] =	ssyncset.done @p0 $0x0  }
0x14: {  	[sflag:s20] =	ssyncadd.s32 @p0 $0xFFFFE000  }
0x15: {  	[tilespmem:s19], [sflag:$0x3] =	stream.linear.gather @p0 [hbm4b:s8+s19], $0xA00, $0x38;
	[tilespmem:$0x7BC0] =	vst v63  }
0x16: {  	_ =	swait.ge @p0 [sflag:s20], $0xA00  }
0x17: {  	[sflag:s20] =	ssyncset.done @p0 $0x0  }
0x18: {  	s19 =	simm.s32 @!p0 $0x0;
	[sflag:s20] =	ssyncadd.s32 @p0 $0xFFFFF600  }
0x19: {  	[tilespmem:s19], [sflag:$0x3] =	stream.linear.gather @!p0 [hbm4b:s7+s19], $0x2800, $0x38;
	[tilespmem:$0x7BC0] =	vst v63  }
0x1a: {  	s19 =	simm.s32 @!p0 $0x3  }
0x1b: {  	_ =	swait.ge @!p0 [sflag:s19], $0x2800  }
0x1c: {  	[sflag:s19] =	ssyncset.done @!p0 $0x0  }
0x1d: {  	[sflag:s19] =	ssyncadd.s32 @!p0 $0xFFFFD800  }
0x1e: {  	[tilespmem:s11], [sflag:$0x3] =	stream.linear.gather [hbm4b:s5+s3], $0x4000, $0x38;
	[tilespmem:$0x7BC0] =	vst v63  }
0x1f: {  	_ =	swait.ge [sflag:s12], $0x4000  }
0x20: {  	[sflag:s12] =	ssyncset.done $0x0  }
0x21: {  	[sflag:s12] =	ssyncadd.s32 $0xFFFFC000  }
0x22: {  	[spmem:s14], [sflag:s13] =	dma.local [hbm:s6], $0x2780  }
0x23: {  	_ =	swait.ge [sflag:s12], $0x2780  }
0x24: {  	[sflag:s12] =	ssyncset.done $0x0  }
0x25: {  	s30 =	sand.u32 $0x1, s16;
	[sflag:s12] =	ssyncadd.s32 $0xFFFFD880  }
0x26: {  	s21 =	simm.s32 $0x2;
	p1 =	seq.s32 s30, $0x1;
	[bflag:$0x0] =	sbarrier.arrive $0xFFFF  }
0x27: {  	[spmem:s2] =	stream.indirect.scatter.add.f32 [tilespmem:s11], [sflag:$0x1], $0x8, s3, s15, $0xb8;
	[tilespmem:$0x7BC0] =	vst v63  }
0x28: {  	s31 =	simm.s32 $0x3;
	s21 =	simm.s32 @!p1 $0x1  }
0x29: {  	[spmem:s2] =	stream.indirect.scatter.add.f32 [tilespmem:s11], [sflag:$0x2], $0x8, s15, s15, $0xb8;
	[tilespmem:$0x7BC0] =	vst v63  }
0x2a: {  	s20 =	sand.u32 $0x1, s31;
	_ =	swait.ge [sflag:s21], $0x400  }
0x2b: {  	p1 =	seq.s32 s20, $0x1;
	s20 =	simm.s32 $0x2;
	[sflag:s21] =	ssyncset.done $0x0  }
0x2c: {  	s20 =	simm.s32 @!p1 $0x1;
	s19 =	simm.s32 $0x100;
	[sflag:s21] =	ssyncadd.s32 $0xFFFFFC00  }
0x2d: {  	[spmem:s2] =	stream.indirect.scatter.add.f32 [tilespmem:s11], [sflag:s21], $0x8, s19, s15, $0xb8;
	[tilespmem:$0x7BC0] =	vst v63  }
0x2e: {  	s21 =	simm.s32 $0x4;
	_ =	swait.ge [sflag:s20], $0x400  }
.LBB2_2:
0x2f: {  	s22 =	sand.u32 $0x1, s21  }
0x30: {  	p1 =	seq.s32 s22, $0x1;
	s22 =	simm.s32 $0x2  }
0x31: {  	s22 =	simm.s32 @!p1 $0x1;
	p1 =	sne.s32 s21, $0x4F  }
.Ltmp0:
0x32: {  	[sflag:s20] =	ssyncset.done $0x0;
	(pc) =	sbr.rel @p1 .LBB2_2-.Ltmp0, $4  }
0x33: {  	s19 =	sadd.s32 $0x80, s19;
	[sflag:s20] =	ssyncadd.s32 $0xFFFFFC00  }
0x34: {  	[spmem:s2] =	stream.indirect.scatter.add.f32 [tilespmem:s11], [sflag:s20], $0x8, s19, s15, $0xb8;
	[tilespmem:$0x7BC0] =	vst v63  }
0x35: {  	s20 =	smov.u32 s22;
	_ =	swait.ge [sflag:s22], $0x400  }
0x36: {  	s21 =	sadd.s32 $0x1, s21  }
0x37: {  	[sflag:s20] =	ssyncset.done $0x0  }
0x38: {  	s19 =	sadd.s32 $0x80, s19;
	[sflag:s20] =	ssyncadd.s32 $0xFFFFFC00  }
0x39: {  	[spmem:s2] =	stream.indirect.scatter.add.f32 [tilespmem:s11], [sflag:s20], $0x8, s19, s15, $0xb8;
	[tilespmem:$0x7BC0] =	vst v63  }
0x3a: {  	_ =	swait.ge [sflag:s17], $0x400  }
0x3b: {  	[sflag:s17] =	ssyncset.done $0x0  }
0x3c: {  	[sflag:s17] =	ssyncadd.s32 $0xFFFFFC00  }
0x3d: {  	_ =	swait.ge [sflag:s16], $0x400  }
0x3e: {  	s18 =	sadd.s32 $0x1, s18;
	[sflag:s16] =	ssyncset.done $0x0  }
0x3f: {  	p1 =	sne.s32 s18, s10;
	[sflag:s16] =	ssyncadd.s32 $0xFFFFFC00  }
.Ltmp1:
0x40: {  	[bflag:$0x0] =	sbarrier.arrive $0xFFFF;
	(pc) =	sbr.rel @p1 .LBB2_1-.Ltmp1, $4  }
0x41: {  	[hbm:s9], [sflag:s13] =	dma.local [spmem:s14], $0x2780  }
0x42: {  	_ =	swait.ge [sflag:s12], $0x2780  }
0x43: {  	[sflag:s12] =	ssyncset.done $0x0  }
0x44: {  	[sflag:s12] =	ssyncadd.s32 $0xFFFFD880  }
0x45: {  	_ =	sfence.sel $0x180000  }
0x46: {  	[bflag:$0x0] =	sbarrier.arrive $0xFFFF  }
0x47: {  	p0 =	sne.s32 s0, $0x0;
	_ =	strace $0x90000047  }
0x48: {  	s0 =	sadd.s32 @!p0 $0x100000, s1;
	[bflag:$0x2] =	sbarrier.arrive $0xFFFF  }
0x49: {  	[sflag:s0] =	ssyncadd.tile.s32 @!p0 $0x1;
	_ =	shalt  }
.Lfunc_end2:
_tile_overlayer_lowered:
.L_overlay_start_2:
0x4a: {  	(tag) =	ssettag $0x2  }
0x4b: {  	s0 =	rddreg [dreg:$0x0];
	s2 =	stileid.u32  }
0x4c: {  	s1 =	rddreg [dreg:$0x1];
	p0 =	sne.s32 s2, $0x0  }
0x4d: {  	s3 =	rddreg [dreg:$0x2];
	[bflag:$0x3] =	sbarrier.arrive $0xFFFF;
	s2 =	simm.s32 @!p0 $0x1C03  }
0x4e: {  	[timem:s3], [sflag:s2] =	dma.local @!p0 [hbm:s0], s1  }
0x4f: {  	s0 =	simm.s32 @!p0 $0x3  }
0x50: {  	_ =	swait.ge @!p0 [sflag:s0], s1  }
0x51: {  	s1 =	ssub.s32 @!p0 $0x0, s1;
	[sflag:s0] =	ssyncset.done @!p0 $0x0  }
0x52: {  	[sflag:s0] =	ssyncadd.s32 @!p0 s1  }
0x53: {  	[bflag:$0x3] =	sbarrier.arrive $0xFFFF  }
0x54: {  	_ =	shalt  }

</sc_bundles>
